<compile_context>
chip_gen: v7x
topology: tpu7x:2x2x1
jax: 0.10.2.dev20260603
libtpu: 0.0.44.dev20260713+nightly
codegen_flags: <defaults>
</compile_context>

<pallas_src>
import functools

import jax
import jax.numpy as jnp
from jax import lax
from jax.experimental import pallas as pl
from jax.experimental.pallas import tpu as pltpu
from jax.experimental.pallas import tpu_sc as plsc

F32 = jnp.float32
NC = 2
NS = 16
CH = 128


def _mesh():
    return plsc.VectorSubcoreMesh(
        core_axis_name="c", subcore_axis_name="s", num_cores=NC, num_subcores=NS
    )



def _sc_degree(dst_flat, n_pad):
    e_pad = dst_flat.shape[0]
    ew = e_pad // (NC * NS)
    nchunk = ew // CH
    rps = n_pad // NS

    @functools.partial(
        pl.kernel,
        out_type=(
            jax.ShapeDtypeStruct((n_pad, 16), F32),
            jax.ShapeDtypeStruct((n_pad, 16), F32),
        ),
        mesh=_mesh(),
        scratch_types=dict(
            ones_v=pltpu.VMEM((CH, 16), F32),
            idx_d=pltpu.VMEM((CH,), jnp.int32),
            obuf=pltpu.VMEM((rps, 16), F32),
            acc=pltpu.VMEM_SHARED((n_pad, 16), F32),
        ),
    )
    def k(dst_h, deg_a, deg_b, ones_v, idx_d, obuf, acc):
        c = lax.axis_index("c")
        s = lax.axis_index("s")
        wid = s * NC + c

        def fill_ones(i, carry):
            ones_v[i, :] = jnp.ones((16,), F32)
            return carry

        lax.fori_loop(0, CH, fill_ones, 0)

        def fill_zero(i, carry):
            obuf[i, :] = jnp.zeros((16,), F32)
            return carry

        lax.fori_loop(0, rps, fill_zero, 0)
        pltpu.sync_copy(obuf, acc.at[pl.ds(s * rps, rps)])
        plsc.subcore_barrier()

        base0 = wid * ew

        def chunk(i, carry):
            pltpu.sync_copy(dst_h.at[pl.ds(base0 + i * CH, CH)], idx_d)
            pltpu.sync_copy(ones_v, acc.at[idx_d], add=True)
            return carry

        lax.fori_loop(0, nchunk, chunk, 0)
        plsc.subcore_barrier()

        pltpu.sync_copy(acc.at[pl.ds(s * rps, rps)], obuf)

        @pl.when(c == 0)
        def _():
            pltpu.sync_copy(obuf, deg_a.at[pl.ds(s * rps, rps)])

        @pl.when(c == 1)
        def _():
            pltpu.sync_copy(obuf, deg_b.at[pl.ds(s * rps, rps)])

    return k(dst_flat)


def _agg_pipeline(y_h, src_h, dst_h, idx_s, idx_d, rows_v, sem, acc,
                  base_edge, nchunk):

    def chunk(i, carry):
        b = base_edge + i * CH
        pltpu.sync_copy(src_h.at[pl.ds(b, CH)], idx_s)
        pltpu.sync_copy(dst_h.at[pl.ds(b, CH)], idx_d)
        pltpu.async_copy(y_h.at[idx_s], rows_v, sem[0]).wait()
        pltpu.sync_copy(rows_v, acc.at[idx_d], add=True)
        return carry

    lax.fori_loop(0, nchunk, chunk, 0)


def _agg_scratch(w, n_pad):
    d = dict(
        rows0=pltpu.VMEM((CH, w), F32),
        idx_s=pltpu.VMEM((CH,), jnp.int32),
        idx_d=pltpu.VMEM((CH,), jnp.int32),
        acc=pltpu.VMEM_SHARED((n_pad, w), F32),
        sem0=pltpu.SemaphoreType.DMA,
        sem1=pltpu.SemaphoreType.DMA,
    )
    return d


def _zero_acc(rows_v, acc, s, w, rps):
    def fill_zero(i, carry):
        for j in range(w // 16):
            rows_v[i, pl.ds(j * 16, 16)] = jnp.zeros((16,), F32)
        return carry

    lax.fori_loop(0, CH, fill_zero, 0)
    for r in range(rps // CH):
        pltpu.sync_copy(rows_v, acc.at[pl.ds(s * rps + r * CH, CH)])


def _acc_writeout(rows_v, acc, agg_a, agg_b, c, s, rps):
    def out_piece(i, carry):
        off = s * rps + i * CH
        pltpu.sync_copy(acc.at[pl.ds(off, CH)], rows_v)

        @pl.when(c == 0)
        def _():
            pltpu.sync_copy(rows_v, agg_a.at[pl.ds(off, CH)])

        @pl.when(c == 1)
        def _():
            pltpu.sync_copy(rows_v, agg_b.at[pl.ds(off, CH)])

        return carry

    lax.fori_loop(0, rps // CH, out_piece, 0)


def _sc_aggregate_es(y, src_flat, dst_flat):
    n_pad, w = y.shape
    e_pad = src_flat.shape[0]
    ew = e_pad // (NC * NS)
    nchunk = ew // CH
    rps = n_pad // NS

    @functools.partial(
        pl.kernel,
        out_type=(
            jax.ShapeDtypeStruct((n_pad, w), F32),
            jax.ShapeDtypeStruct((n_pad, w), F32),
        ),
        mesh=_mesh(),
        scratch_types=_agg_scratch(w, n_pad),
    )
    def k(y_h, src_h, dst_h, agg_a, agg_b, rows0,
          idx_s, idx_d, acc, sem0, sem1):
        c = lax.axis_index("c")
        s = lax.axis_index("s")
        wid = s * NC + c

        _zero_acc(rows0, acc, s, w, rps)
        plsc.subcore_barrier()
        _agg_pipeline(y_h, src_h, dst_h, idx_s, idx_d,
                      rows0, (sem0, sem1), acc, wid * ew, nchunk)
        plsc.subcore_barrier()
        _acc_writeout(rows0, acc, agg_a, agg_b, c, s, rps)

    return k(y, src_flat, dst_flat)


def _sc_aggregate_cs(y_a, y_b, src_flat, dst_flat):
    n_pad, w = y_a.shape
    e_pad = src_flat.shape[0]
    ew = e_pad // NS
    nchunk = ew // CH
    rps = n_pad // NS

    @functools.partial(
        pl.kernel,
        out_type=(
            jax.ShapeDtypeStruct((n_pad, w), F32),
            jax.ShapeDtypeStruct((n_pad, w), F32),
        ),
        mesh=_mesh(),
        scratch_types=_agg_scratch(w, n_pad),
    )
    def k(ya_h, yb_h, src_h, dst_h, agg_a, agg_b, rows0,
          idx_s, idx_d, acc, sem0, sem1):
        c = lax.axis_index("c")
        s = lax.axis_index("s")

        _zero_acc(rows0, acc, s, w, rps)
        plsc.subcore_barrier()

        @pl.when(c == 0)
        def _():
            _agg_pipeline(ya_h, src_h, dst_h, idx_s, idx_d, rows0,
                          (sem0, sem1), acc, s * ew, nchunk)

        @pl.when(c == 1)
        def _():
            _agg_pipeline(yb_h, src_h, dst_h, idx_s, idx_d, rows0,
                          (sem0, sem1), acc, s * ew, nchunk)

        plsc.subcore_barrier()
        _acc_writeout(rows0, acc, agg_a, agg_b, c, s, rps)

    return k(y_a, y_b, src_flat, dst_flat)


def _sc_edge_gather(p, q, src_flat, dst_flat):
    n_pad, w = p.shape
    e_pad = src_flat.shape[0]
    ew = e_pad // (NC * NS)
    nchunk = ew // CH

    @functools.partial(
        pl.kernel,
        out_type=(
            jax.ShapeDtypeStruct((e_pad, w), F32),
            jax.ShapeDtypeStruct((e_pad, w), F32),
        ),
        mesh=_mesh(),
        scratch_types=dict(
            buf_p=pltpu.VMEM((CH, w), F32),
            buf_q=pltpu.VMEM((CH, w), F32),
            idx_s=pltpu.VMEM((CH,), jnp.int32),
            idx_d=pltpu.VMEM((CH,), jnp.int32),
            semp=pltpu.SemaphoreType.DMA,
            semq=pltpu.SemaphoreType.DMA,
        ),
    )
    def k(p_h, q_h, src_h, dst_h, tp, tq, buf_p, buf_q, idx_s, idx_d,
          semp, semq):
        c = lax.axis_index("c")
        s = lax.axis_index("s")
        wid = s * NC + c
        base0 = wid * ew

        def chunk(i, carry):
            b = base0 + i * CH
            pltpu.sync_copy(src_h.at[pl.ds(b, CH)], idx_s)
            pltpu.sync_copy(dst_h.at[pl.ds(b, CH)], idx_d)
            pltpu.async_copy(p_h.at[idx_s], buf_p, semp).wait()
            pltpu.sync_copy(buf_p, tp.at[pl.ds(b, CH)])
            pltpu.async_copy(q_h.at[idx_d], buf_q, semq).wait()
            pltpu.sync_copy(buf_q, tq.at[pl.ds(b, CH)])
            return carry

        lax.fori_loop(0, nchunk, chunk, 0)

    return k(p, q, src_flat, dst_flat)



_RB = 256


def _tc_conv1(x_pad, w1, deg_a, deg_b):
    n_pad, f = x_pad.shape
    h = w1.shape[0]

    def body(x_r, w_r, da_r, db_r, y_r, dv_r):
        xw = lax.dot_general(
            x_r[...], w_r[...], (((1,), (1,)), ((), ())),
            preferred_element_type=F32,
        )
        deg = da_r[:, :1] + db_r[:, :1] + 1.0
        dinv = lax.rsqrt(deg)
        y_r[...] = xw * dinv
        dv_r[...] = jnp.broadcast_to(dinv, (_RB, 8))

    grid = (n_pad // _RB,)
    return pl.pallas_call(
        body,
        grid=grid,
        in_specs=[
            pl.BlockSpec((_RB, f), lambda i: (i, 0)),
            pl.BlockSpec((h, f), lambda i: (0, 0)),
            pl.BlockSpec((_RB, 16), lambda i: (i, 0)),
            pl.BlockSpec((_RB, 16), lambda i: (i, 0)),
        ],
        out_specs=[
            pl.BlockSpec((_RB, h), lambda i: (i, 0)),
            pl.BlockSpec((_RB, 8), lambda i: (i, 0)),
        ],
        out_shape=[
            jax.ShapeDtypeStruct((n_pad, h), F32),
            jax.ShapeDtypeStruct((n_pad, 8), F32),
        ],
    )(x_pad, w1, deg_a, deg_b)


def _tc_conv2(agg_a, agg_b, y1, dinv8, w2t, s1, c1):
    n_pad, hw = agg_a.shape
    h2w = w2t.shape[1]

    def body(aa_r, ab_r, y_r, dv_r, w_r, s_r, c_r, oa_r, ob_r):
        dinv = dv_r[:, :1]
        pre = (aa_r[...] + ab_r[...] + y_r[...]) * dinv
        h1 = jnp.maximum(pre * s_r[...] + c_r[...], 0.0)
        xw2 = lax.dot_general(
            h1, w_r[...], (((1,), (0,)), ((), ())), preferred_element_type=F32
        )
        y2 = xw2 * dinv
        oa_r[...] = y2[:, : h2w // 2]
        ob_r[...] = y2[:, h2w // 2:]

    grid = (n_pad // _RB,)
    return pl.pallas_call(
        body,
        grid=grid,
        in_specs=[
            pl.BlockSpec((_RB, hw), lambda i: (i, 0)),
            pl.BlockSpec((_RB, hw), lambda i: (i, 0)),
            pl.BlockSpec((_RB, hw), lambda i: (i, 0)),
            pl.BlockSpec((_RB, 8), lambda i: (i, 0)),
            pl.BlockSpec(w2t.shape, lambda i: (0, 0)),
            pl.BlockSpec((1, hw), lambda i: (0, 0)),
            pl.BlockSpec((1, hw), lambda i: (0, 0)),
        ],
        out_specs=[
            pl.BlockSpec((_RB, h2w // 2), lambda i: (i, 0)),
            pl.BlockSpec((_RB, h2w // 2), lambda i: (i, 0)),
        ],
        out_shape=[
            jax.ShapeDtypeStruct((n_pad, h2w // 2), F32),
            jax.ShapeDtypeStruct((n_pad, h2w // 2), F32),
        ],
    )(agg_a, agg_b, y1, dinv8, w2t, s1, c1)


def _tc_node_proj(agg_a, agg_b, y_a, y_b, dinv8, m_src, m_dst, s2, c2):
    n_pad, hw = agg_a.shape
    ow = m_src.shape[1]

    def body(aa_r, ab_r, ya_r, yb_r, dv_r, ms_r, md_r, s_r, c_r, p_r, q_r):
        dinv = dv_r[:, :1]
        left = (aa_r[...] + ya_r[...]) * dinv
        right = (ab_r[...] + yb_r[...]) * dinv
        pre = jnp.concatenate([left, right], axis=1)
        h2 = jnp.maximum(pre * s_r[...] + c_r[...], 0.0)
        p_r[...] = lax.dot_general(
            h2, ms_r[...], (((1,), (0,)), ((), ())), preferred_element_type=F32
        )
        q_r[...] = lax.dot_general(
            h2, md_r[...], (((1,), (0,)), ((), ())), preferred_element_type=F32
        )

    grid = (n_pad // _RB,)
    return pl.pallas_call(
        body,
        grid=grid,
        in_specs=[
            pl.BlockSpec((_RB, hw), lambda i: (i, 0)),
            pl.BlockSpec((_RB, hw), lambda i: (i, 0)),
            pl.BlockSpec((_RB, hw), lambda i: (i, 0)),
            pl.BlockSpec((_RB, hw), lambda i: (i, 0)),
            pl.BlockSpec((_RB, 8), lambda i: (i, 0)),
            pl.BlockSpec(m_src.shape, lambda i: (0, 0)),
            pl.BlockSpec(m_dst.shape, lambda i: (0, 0)),
            pl.BlockSpec((1, 2 * hw), lambda i: (0, 0)),
            pl.BlockSpec((1, 2 * hw), lambda i: (0, 0)),
        ],
        out_specs=[
            pl.BlockSpec((_RB, ow), lambda i: (i, 0)),
            pl.BlockSpec((_RB, ow), lambda i: (i, 0)),
        ],
        out_shape=[
            jax.ShapeDtypeStruct((n_pad, ow), F32),
            jax.ShapeDtypeStruct((n_pad, ow), F32),
        ],
    )(agg_a, agg_b, y_a, y_b, dinv8, m_src, m_dst, s2, c2)


_EB = 512


def _tc_edge_mlp(tp, tq, ea8, m_e8, b1f, wt2, b2f, wt3, b3, wt4, b4):
    e_pad, w = tp.shape

    def body(tp_r, tq_r, ea_r, me_r, b1_r, w2_r, b2_r, w3_r, b3_r, w4_r, b4_r,
             o_r):
        et = lax.dot_general(
            ea_r[...], me_r[...], (((1,), (0,)), ((), ())),
            preferred_element_type=F32,
        )
        z1 = jnp.maximum(tp_r[...] + tq_r[...] + et + b1_r[...], 0.0)
        z2 = jnp.maximum(
            lax.dot_general(z1, w2_r[...], (((1,), (0,)), ((), ())),
                            preferred_element_type=F32) + b2_r[...], 0.0)
        z3 = jnp.maximum(
            lax.dot_general(z2, w3_r[...], (((1,), (0,)), ((), ())),
                            preferred_element_type=F32) + b3_r[...], 0.0)
        z4 = lax.dot_general(z3, w4_r[...], (((1,), (0,)), ((), ())),
                             preferred_element_type=F32) + b4_r[...]
        o_r[...] = jax.nn.sigmoid(z4)

    grid = (e_pad // _EB,)
    return pl.pallas_call(
        body,
        grid=grid,
        in_specs=[
            pl.BlockSpec((_EB, w), lambda i: (i, 0)),
            pl.BlockSpec((_EB, w), lambda i: (i, 0)),
            pl.BlockSpec((_EB, 8), lambda i: (i, 0)),
            pl.BlockSpec(m_e8.shape, lambda i: (0, 0)),
            pl.BlockSpec(b1f.shape, lambda i: (0, 0)),
            pl.BlockSpec(wt2.shape, lambda i: (0, 0)),
            pl.BlockSpec(b2f.shape, lambda i: (0, 0)),
            pl.BlockSpec(wt3.shape, lambda i: (0, 0)),
            pl.BlockSpec(b3.shape, lambda i: (0, 0)),
            pl.BlockSpec(wt4.shape, lambda i: (0, 0)),
            pl.BlockSpec(b4.shape, lambda i: (0, 0)),
        ],
        out_specs=pl.BlockSpec((_EB, 8), lambda i: (i, 0)),
        out_shape=jax.ShapeDtypeStruct((e_pad, 8), F32),
    )(tp, tq, ea8, m_e8, b1f, wt2, b2f, wt3, b3, wt4, b4)



def kernel(x, edge_index, edge_attr, W1, b1, g1, be1, W2, b2, g2, be2,
           cW1, cb1, cg1, cbe1, cW2, cb2, cg2, cbe2, cW3, cb3, cW4, cb4):
    n, f_in = x.shape
    e = edge_index.shape[1]
    h = W1.shape[0]
    h2 = W2.shape[0]

    n_pad = ((n + 1 + _RB - 1) // _RB) * _RB
    step = NC * NS * CH * 16
    e_pad = ((e + step - 1) // step) * step
    if e_pad % _EB:
        e_pad = ((e_pad + _EB - 1) // _EB) * _EB

    src = edge_index[0]
    dst = edge_index[1]
    pad_idx = jnp.full((e_pad - e,), n, dtype=src.dtype)
    src_p = jnp.concatenate([src, pad_idx])
    dst_p = jnp.concatenate([dst, pad_idx])
    x_p = jnp.pad(x, ((0, n_pad - n), (0, 0)))
    ea8 = jnp.pad(edge_attr[:, :2], ((0, e_pad - e), (0, 6)))

    bnf = lax.rsqrt(jnp.asarray(1.0 + 1e-5, F32))
    s1 = (g1 * bnf).reshape(1, h)
    c1 = (s1[0] * b1 + be1).reshape(1, h)
    s2 = (g2 * bnf).reshape(1, h2)
    c2 = (s2[0] * b2 + be2).reshape(1, h2)

    sc1 = cg1 * bnf
    w1f = sc1[:, None] * cW1
    b1f = (sc1 * cb1 + cbe1).reshape(1, -1)
    m_src = w1f[:, :h2].T
    m_dst = w1f[:, h2:2 * h2].T
    m_e8 = jnp.pad(w1f[:, 2 * h2:].T, ((0, 6), (0, 0)))

    sc2 = cg2 * bnf
    wt2 = (sc2[:, None] * cW2).T
    b2f = (sc2 * cb2 + cbe2).reshape(1, -1)
    wt3 = cW3.T
    b3 = cb3.reshape(1, -1)
    wt4 = jnp.pad(cW4.T, ((0, 0), (0, 7)))
    b4 = jnp.broadcast_to(cb4.reshape(1, 1), (1, 8))

    w2t = W2.T

    deg_a, deg_b = _sc_degree(dst_p, n_pad)
    y1, dinv8 = _tc_conv1(x_p, W1, deg_a, deg_b)
    agg1a, agg1b = _sc_aggregate_es(y1, src_p, dst_p)
    y2a, y2b = _tc_conv2(agg1a, agg1b, y1, dinv8, w2t, s1, c1)
    agg2a, agg2b = _sc_aggregate_cs(y2a, y2b, src_p, dst_p)
    p, q = _tc_node_proj(agg2a, agg2b, y2a, y2b, dinv8, m_src, m_dst, s2, c2)
    tp, tq = _sc_edge_gather(p, q, src_p, dst_p)
    out8 = _tc_edge_mlp(tp, tq, ea8, m_e8, b1f, wt2, b2f, wt3, b3, wt4, b4)
    return out8[:e, :1]

# --- scband reference (transcript-rebuilt; emitter-appended) ---
"""Pipeline reference for scband-gnnanomaly-detector-91070486544698 (READ-ONLY COPY).

The authoritative reference and input builder live on the scoring server;
editing this copy changes nothing except your own understanding.
"""

import jax, jax.numpy as jnp
import numpy as np

N = 10000
E = 320000
F_IN = 128
H = 128


def _gcn_conv(x, src, dst, W, b, n):
    # GCNConv with add_self_loops=True and symmetric normalization (PyG default)
    xw = x @ W.T
    loop = jnp.arange(n, dtype=src.dtype)
    s = jnp.concatenate([src, loop])
    d = jnp.concatenate([dst, loop])
    deg = jnp.zeros((n,), dtype=x.dtype).at[d].add(1.0)
    dinv = jnp.where(deg > 0, deg ** -0.5, 0.0)
    norm = dinv[s] * dinv[d]
    msg = xw[s] * norm[:, None]
    out = jnp.zeros((n, xw.shape[1]), dtype=x.dtype).at[d].add(msg)
    return out + b


def _bn(x, g, b):
    # eval-mode BatchNorm1d with running_mean=0, running_var=1
    return x * (g / jnp.sqrt(1.0 + 1e-5)) + b


def setup_inputs(seed: int = 0):
    key = jax.random.key(seed)
    ks = jax.random.split(key, 30)

    def w(k, shape, scale=0.05):
        return jax.random.normal(k, shape, dtype=jnp.float32) * scale

    inp = {}
    inp['x'] = jax.random.normal(ks[0], (N, F_IN), dtype=jnp.float32)
    inp['edge_index'] = jax.random.randint(ks[1], (2, E), 0, N, dtype=jnp.int32)
    inp['edge_attr'] = jax.random.normal(ks[2], (E, 4), dtype=jnp.float32)
    # conv1: GCNConv(128 -> 128)
    inp['W1'] = w(ks[3], (H, F_IN)); inp['b1'] = jnp.zeros((H,), dtype=jnp.float32)
    inp['g1'] = jnp.ones((H,), dtype=jnp.float32); inp['be1'] = jnp.zeros((H,), dtype=jnp.float32)
    # conv2: GCNConv(128 -> 256)
    inp['W2'] = w(ks[4], (2 * H, H)); inp['b2'] = jnp.zeros((2 * H,), dtype=jnp.float32)
    inp['g2'] = jnp.ones((2 * H,), dtype=jnp.float32); inp['be2'] = jnp.zeros((2 * H,), dtype=jnp.float32)
    # edge classifier: Linear(2*256+2=514 -> 256), BN, Linear(256 -> 128), BN, Linear(128 -> 64), Linear(64 -> 1)
    inp['cW1'] = w(ks[5], (2 * H, 4 * H + 2)); inp['cb1'] = jnp.zeros((2 * H,), dtype=jnp.float32)
    inp['cg1'] = jnp.ones((2 * H,), dtype=jnp.float32); inp['cbe1'] = jnp.zeros((2 * H,), dtype=jnp.float32)
    inp['cW2'] = w(ks[6], (H, 2 * H)); inp['cb2'] = jnp.zeros((H,), dtype=jnp.float32)
    inp['cg2'] = jnp.ones((H,), dtype=jnp.float32); inp['cbe2'] = jnp.zeros((H,), dtype=jnp.float32)
    inp['cW3'] = w(ks[7], (64, H)); inp['cb3'] = jnp.zeros((64,), dtype=jnp.float32)
    inp['cW4'] = w(ks[8], (1, 64)); inp['cb4'] = jnp.zeros((1,), dtype=jnp.float32)
    return inp


def reference(x, edge_index, edge_attr, W1, b1, g1, be1, W2, b2, g2, be2,
              cW1, cb1, cg1, cbe1, cW2, cb2, cg2, cbe2, cW3, cb3, cW4, cb4):
    n = x.shape[0]
    src = edge_index[0]
    dst = edge_index[1]
    h = _gcn_conv(x, src, dst, W1, b1, n)
    h = _bn(h, g1, be1)
    h = jax.nn.relu(h)
    # dropout p=0.3 is identity in eval mode
    h = _gcn_conv(h, src, dst, W2, b2, n)
    h = _bn(h, g2, be2)
    h = jax.nn.relu(h)
    # dropout p=0.2 is identity in eval mode
    src_nodes = h[src]
    dst_nodes = h[dst]
    edge_features = edge_attr[:, :2]
    z = jnp.concatenate([src_nodes, dst_nodes, edge_features], axis=1)
    z = z @ cW1.T + cb1
    z = _bn(z, cg1, cbe1)
    z = jax.nn.relu(z)
    z = z @ cW2.T + cb2
    z = _bn(z, cg2, cbe2)
    z = jax.nn.relu(z)
    z = z @ cW3.T + cb3
    z = jax.nn.relu(z)
    z = z @ cW4.T + cb4
    return jax.nn.sigmoid(z)

if __name__ == "__main__":
    import jax
    _d = setup_inputs()
    print(jax.jit(kernel)(*tuple(_d.values())))

</pallas_src>

<mosaic_0001>
#map = affine_map<(d0, d1) -> (0)>
#map1 = affine_map<(d0, d1) -> (0, 0)>
module attributes {stable_mosaic.version = 14 : i64} {
  func.func @k(%arg0: i32, %arg1: i32, %arg2: memref<327680xi32, #tpu.memory_space<hbm>>, %arg3: memref<10240x16xf32, #tpu.memory_space<hbm>>, %arg4: memref<10240x16xf32, #tpu.memory_space<hbm>>, %arg5: memref<10240x16xf32, #tpu.memory_space<vmem_shared>>, %arg6: memref<128xi32, #tpu.memory_space<vmem>>, %arg7: memref<640x16xf32, #tpu.memory_space<vmem>>, %arg8: memref<128x16xf32, #tpu.memory_space<vmem>>) attributes {dimension_semantics = [#tpu.dimension_semantics<core_parallel>, #tpu.dimension_semantics<subcore_parallel>], iteration_bounds = array<i64: 2, 16>, scalar_prefetch = 0 : i64, scratch_operands = 4 : i64, tpu.core_type = #tpu.core_type<sc_vector_subcore>, window_params = [{transform_indices = #map}, {transform_indices = #map1}, {transform_indices = #map1}]} {
    %mul3A = arith.constant 2 : i32
    %mul3A_0 = arith.muli %arg1, %mul3A : i32
    %add3A = arith.addi %mul3A_0, %arg0 : i32
    %scan3A = arith.constant 0 : i32
    %scan3A_1 = arith.constant 0 : i32
    %scan3A_2 = arith.constant 128 : i32
    %scan3A_3 = arith.addi %scan3A_1, %scan3A_2 : i32
    %scan3A_4 = arith.constant 1 : i32
    scf.for %scan3A_32 = %scan3A_1 to %scan3A_3 step %scan3A_4  : i32 {
      %broadcast_in_dim3A = arith.constant 1.000000e+00 : f32
      %broadcast_in_dim3A_33 = vector.broadcast %broadcast_in_dim3A : f32 to vector<16xf32>
      %swap3A = arith.index_cast %scan3A_32 : i32 to index
      %swap3A_34 = arith.constant 0 : index
      %swap3A_35 = tpu.vector_load %arg8[%swap3A, %swap3A_34] {strides = array<i32>} : memref<128x16xf32, #tpu.memory_space<vmem>>, vector<1x16xf32>,
      %swap3A_36 = vector.shape_cast %swap3A_35 : vector<1x16xf32> to vector<16xf32>
      %swap3A_37 = vector.shape_cast %broadcast_in_dim3A_33 : vector<16xf32> to vector<1x16xf32>
      tpu.vector_store %arg8[%swap3A, %swap3A_34], %swap3A_37 {strides = array<i32>} : memref<128x16xf32, #tpu.memory_space<vmem>>, vector<1x16xf32>,
    }
    %scan3A_5 = arith.constant 128 : i32
    %scan3A_6 = arith.constant 0 : i32
    %scan3A_7 = arith.constant 0 : i32
    %scan3A_8 = arith.constant 640 : i32
    %scan3A_9 = arith.addi %scan3A_7, %scan3A_8 : i32
    %scan3A_10 = arith.constant 1 : i32
    scf.for %scan3A_32 = %scan3A_7 to %scan3A_9 step %scan3A_10  : i32 {
      %broadcast_in_dim3A = arith.constant 0.000000e+00 : f32
      %broadcast_in_dim3A_33 = vector.broadcast %broadcast_in_dim3A : f32 to vector<16xf32>
      %swap3A = arith.index_cast %scan3A_32 : i32 to index
      %swap3A_34 = arith.constant 0 : index
      %swap3A_35 = tpu.vector_load %arg7[%swap3A, %swap3A_34] {strides = array<i32>} : memref<640x16xf32, #tpu.memory_space<vmem>>, vector<1x16xf32>,
      %swap3A_36 = vector.shape_cast %swap3A_35 : vector<1x16xf32> to vector<16xf32>
      %swap3A_37 = vector.shape_cast %broadcast_in_dim3A_33 : vector<16xf32> to vector<1x16xf32>
      tpu.vector_store %arg7[%swap3A, %swap3A_34], %swap3A_37 {strides = array<i32>} : memref<640x16xf32, #tpu.memory_space<vmem>>, vector<1x16xf32>,
    }
    %scan3A_11 = arith.constant 640 : i32
    %mul3A_12 = arith.constant 640 : i32
    %mul3A_13 = arith.muli %arg1, %mul3A_12 : i32
    "tpu.region"() ({
      %run_scoped3A = tpu.sem_alloc : memref<!tpu.dma_semaphore, #tpu.memory_space<semaphore_mem>>
      %dma_start3A = arith.constant 0 : i32
      %dma_start3A_32 = tpu.memref_slice %arg5[%mul3A_13, %dma_start3A] : memref<10240x16xf32, #tpu.memory_space<vmem_shared>> -> memref<640x16xf32, #tpu.memory_space<vmem_shared>>
      %dma_start3A_33 = arith.constant 0 : i32
      %dma_start3A_34 = tpu.memref_slice %arg5[%mul3A_13, %dma_start3A_33] : memref<10240x16xf32, #tpu.memory_space<vmem_shared>> -> memref<640x16xf32, #tpu.memory_space<vmem_shared>>
      tpu.enqueue_dma source(%arg7 : memref<640x16xf32, #tpu.memory_space<vmem>>) target(%dma_start3A_34 : memref<640x16xf32, #tpu.memory_space<vmem_shared>>) target_semaphore(%run_scoped3A : memref<!tpu.dma_semaphore, #tpu.memory_space<semaphore_mem>>)
      %dma_wait3A = arith.constant 0 : i32
      %dma_wait3A_35 = tpu.memref_slice %arg5[%mul3A_13, %dma_wait3A] : memref<10240x16xf32, #tpu.memory_space<vmem_shared>> -> memref<640x16xf32, #tpu.memory_space<vmem_shared>>
      %dma_wait3A_36 = arith.constant 0 : i32
      %dma_wait3A_37 = tpu.memref_slice %arg5[%mul3A_13, %dma_wait3A_36] : memref<10240x16xf32, #tpu.memory_space<vmem_shared>> -> memref<640x16xf32, #tpu.memory_space<vmem_shared>>
      tpu.wait_dma2 semaphore(%run_scoped3A : memref<!tpu.dma_semaphore, #tpu.memory_space<semaphore_mem>>) src(%arg7 : memref<640x16xf32, #tpu.memory_space<vmem>>) dst(%dma_wait3A_37 : memref<640x16xf32, #tpu.memory_space<vmem_shared>>)
      tpu.yield
    }) : () -> ()
    %barrier3A = arith.constant 0 : index
    tpu.barrier barrier_id(%barrier3A)
    %mul3A_14 = arith.constant 10240 : i32
    %mul3A_15 = arith.muli %add3A, %mul3A_14 : i32
    %scan3A_16 = arith.constant 0 : i32
    %scan3A_17 = arith.constant 0 : i32
    %scan3A_18 = arith.constant 80 : i32
    %scan3A_19 = arith.addi %scan3A_17, %scan3A_18 : i32
    %scan3A_20 = arith.constant 1 : i32
    scf.for %scan3A_32 = %scan3A_17 to %scan3A_19 step %scan3A_20  : i32 {
      %mul3A_33 = arith.constant 128 : i32
      %mul3A_34 = arith.muli %scan3A_32, %mul3A_33 : i32
      %add3A_35 = arith.addi %mul3A_15, %mul3A_34 : i32
      "tpu.region"() ({
        %run_scoped3A = tpu.sem_alloc : memref<!tpu.dma_semaphore, #tpu.memory_space<semaphore_mem>>
        %dma_start3A = tpu.memref_slice %arg2[%add3A_35] : memref<327680xi32, #tpu.memory_space<hbm>> -> memref<128xi32, #tpu.memory_space<hbm>>
        %dma_start3A_36 = tpu.memref_slice %arg2[%add3A_35] : memref<327680xi32, #tpu.memory_space<hbm>> -> memref<128xi32, #tpu.memory_space<hbm>>
        tpu.enqueue_dma source(%dma_start3A_36 : memref<128xi32, #tpu.memory_space<hbm>>) target(%arg6 : memref<128xi32, #tpu.memory_space<vmem>>) target_semaphore(%run_scoped3A : memref<!tpu.dma_semaphore, #tpu.memory_space<semaphore_mem>>)
        %dma_wait3A = tpu.memref_slice %arg2[%add3A_35] : memref<327680xi32, #tpu.memory_space<hbm>> -> memref<128xi32, #tpu.memory_space<hbm>>
        %dma_wait3A_37 = tpu.memref_slice %arg2[%add3A_35] : memref<327680xi32, #tpu.memory_space<hbm>> -> memref<128xi32, #tpu.memory_space<hbm>>
        tpu.wait_dma2 semaphore(%run_scoped3A : memref<!tpu.dma_semaphore, #tpu.memory_space<semaphore_mem>>) src(%dma_wait3A_37 : memref<128xi32, #tpu.memory_space<hbm>>) dst(%arg6 : memref<128xi32, #tpu.memory_space<vmem>>)
        tpu.yield
      }) : () -> ()
      "tpu.region"() ({
        %run_scoped3A = tpu.sem_alloc : memref<!tpu.dma_semaphore, #tpu.memory_space<semaphore_mem>>
        %dma_start3A = arith.constant 0 : i32
        %dma_start3A_36 = arith.constant 0 : i32
        %dma_start3A_37 = tpu.memref_slice %arg5[%dma_start3A, %dma_start3A_36] : memref<10240x16xf32, #tpu.memory_space<vmem_shared>> -> memref<10240x16xf32, #tpu.memory_space<vmem_shared>>
        tpu.enqueue_indirect_dma source(%arg8 : memref<128x16xf32, #tpu.memory_space<vmem>>) target(%dma_start3A_37 : memref<10240x16xf32, #tpu.memory_space<vmem_shared>>) offsets(%arg6 : memref<128xi32, #tpu.memory_space<vmem>>) semaphore(%run_scoped3A : memref<!tpu.dma_semaphore, #tpu.memory_space<semaphore_mem>>) {add = true}
        %dma_wait3A = arith.constant 0 : i32
        %dma_wait3A_38 = arith.constant 0 : i32
        %dma_wait3A_39 = tpu.memref_slice %arg5[%dma_wait3A, %dma_wait3A_38] : memref<10240x16xf32, #tpu.memory_space<vmem_shared>> -> memref<10240x16xf32, #tpu.memory_space<vmem_shared>>
        tpu.wait_indirect_dma semaphore(%run_scoped3A : memref<!tpu.dma_semaphore, #tpu.memory_space<semaphore_mem>>) src(%arg8 : memref<128x16xf32, #tpu.memory_space<vmem>>) dst(%dma_wait3A_39 : memref<10240x16xf32, #tpu.memory_space<vmem_shared>>)
        tpu.yield
      }) : () -> ()
    }
    %scan3A_21 = arith.constant 80 : i32
    %barrier3A_22 = arith.constant 0 : index
    tpu.barrier barrier_id(%barrier3A_22)
    %mul3A_23 = arith.constant 640 : i32
    %mul3A_24 = arith.muli %arg1, %mul3A_23 : i32
    "tpu.region"() ({
      %run_scoped3A = tpu.sem_alloc : memref<!tpu.dma_semaphore, #tpu.memory_space<semaphore_mem>>
      %dma_start3A = arith.constant 0 : i32
      %dma_start3A_32 = tpu.memref_slice %arg5[%mul3A_24, %dma_start3A] : memref<10240x16xf32, #tpu.memory_space<vmem_shared>> -> memref<640x16xf32, #tpu.memory_space<vmem_shared>>
      %dma_start3A_33 = arith.constant 0 : i32
      %dma_start3A_34 = tpu.memref_slice %arg5[%mul3A_24, %dma_start3A_33] : memref<10240x16xf32, #tpu.memory_space<vmem_shared>> -> memref<640x16xf32, #tpu.memory_space<vmem_shared>>
      tpu.enqueue_dma source(%dma_start3A_34 : memref<640x16xf32, #tpu.memory_space<vmem_shared>>) target(%arg7 : memref<640x16xf32, #tpu.memory_space<vmem>>) target_semaphore(%run_scoped3A : memref<!tpu.dma_semaphore, #tpu.memory_space<semaphore_mem>>)
      %dma_wait3A = arith.constant 0 : i32
      %dma_wait3A_35 = tpu.memref_slice %arg5[%mul3A_24, %dma_wait3A] : memref<10240x16xf32, #tpu.memory_space<vmem_shared>> -> memref<640x16xf32, #tpu.memory_space<vmem_shared>>
      %dma_wait3A_36 = arith.constant 0 : i32
      %dma_wait3A_37 = tpu.memref_slice %arg5[%mul3A_24, %dma_wait3A_36] : memref<10240x16xf32, #tpu.memory_space<vmem_shared>> -> memref<640x16xf32, #tpu.memory_space<vmem_shared>>
      tpu.wait_dma2 semaphore(%run_scoped3A : memref<!tpu.dma_semaphore, #tpu.memory_space<semaphore_mem>>) src(%dma_wait3A_37 : memref<640x16xf32, #tpu.memory_space<vmem_shared>>) dst(%arg7 : memref<640x16xf32, #tpu.memory_space<vmem>>)
      tpu.yield
    }) : () -> ()
    %eq3A = arith.constant 0 : i32
    %eq3A_25 = arith.cmpi eq, %arg0, %eq3A : i32
    %convert_element_type3A = arith.extui %eq3A_25 : i1 to i32
    %cond3A = arith.constant 0 : i32
    %cond3A_26 = arith.cmpi ne, %convert_element_type3A, %cond3A : i32
    scf.if %cond3A_26 {
      %mul3A_32 = arith.constant 640 : i32
      %mul3A_33 = arith.muli %arg1, %mul3A_32 : i32
      "tpu.region"() ({
        %run_scoped3A = tpu.sem_alloc : memref<!tpu.dma_semaphore, #tpu.memory_space<semaphore_mem>>
        %dma_start3A = arith.constant 0 : i32
        %dma_start3A_34 = tpu.memref_slice %arg3[%mul3A_33, %dma_start3A] : memref<10240x16xf32, #tpu.memory_space<hbm>> -> memref<640x16xf32, #tpu.memory_space<hbm>>
        %dma_start3A_35 = arith.constant 0 : i32
        %dma_start3A_36 = tpu.memref_slice %arg3[%mul3A_33, %dma_start3A_35] : memref<10240x16xf32, #tpu.memory_space<hbm>> -> memref<640x16xf32, #tpu.memory_space<hbm>>
        tpu.enqueue_dma source(%arg7 : memref<640x16xf32, #tpu.memory_space<vmem>>) target(%dma_start3A_36 : memref<640x16xf32, #tpu.memory_space<hbm>>) target_semaphore(%run_scoped3A : memref<!tpu.dma_semaphore, #tpu.memory_space<semaphore_mem>>)
        %dma_wait3A = arith.constant 0 : i32
        %dma_wait3A_37 = tpu.memref_slice %arg3[%mul3A_33, %dma_wait3A] : memref<10240x16xf32, #tpu.memory_space<hbm>> -> memref<640x16xf32, #tpu.memory_space<hbm>>
        %dma_wait3A_38 = arith.constant 0 : i32
        %dma_wait3A_39 = tpu.memref_slice %arg3[%mul3A_33, %dma_wait3A_38] : memref<10240x16xf32, #tpu.memory_space<hbm>> -> memref<640x16xf32, #tpu.memory_space<hbm>>
        tpu.wait_dma2 semaphore(%run_scoped3A : memref<!tpu.dma_semaphore, #tpu.memory_space<semaphore_mem>>) src(%arg7 : memref<640x16xf32, #tpu.memory_space<vmem>>) dst(%dma_wait3A_39 : memref<640x16xf32, #tpu.memory_space<hbm>>)
        tpu.yield
      }) : () -> ()
    } else {
    }
    %eq3A_27 = arith.constant 1 : i32
    %eq3A_28 = arith.cmpi eq, %arg0, %eq3A_27 : i32
    %convert_element_type3A_29 = arith.extui %eq3A_28 : i1 to i32
    %cond3A_30 = arith.constant 0 : i32
    %cond3A_31 = arith.cmpi ne, %convert_element_type3A_29, %cond3A_30 : i32
    scf.if %cond3A_31 {
      %mul3A_32 = arith.constant 640 : i32
      %mul3A_33 = arith.muli %arg1, %mul3A_32 : i32
      "tpu.region"() ({
        %run_scoped3A = tpu.sem_alloc : memref<!tpu.dma_semaphore, #tpu.memory_space<semaphore_mem>>
        %dma_start3A = arith.constant 0 : i32
        %dma_start3A_34 = tpu.memref_slice %arg4[%mul3A_33, %dma_start3A] : memref<10240x16xf32, #tpu.memory_space<hbm>> -> memref<640x16xf32, #tpu.memory_space<hbm>>
        %dma_start3A_35 = arith.constant 0 : i32
        %dma_start3A_36 = tpu.memref_slice %arg4[%mul3A_33, %dma_start3A_35] : memref<10240x16xf32, #tpu.memory_space<hbm>> -> memref<640x16xf32, #tpu.memory_space<hbm>>
        tpu.enqueue_dma source(%arg7 : memref<640x16xf32, #tpu.memory_space<vmem>>) target(%dma_start3A_36 : memref<640x16xf32, #tpu.memory_space<hbm>>) target_semaphore(%run_scoped3A : memref<!tpu.dma_semaphore, #tpu.memory_space<semaphore_mem>>)
        %dma_wait3A = arith.constant 0 : i32
        %dma_wait3A_37 = tpu.memref_slice %arg4[%mul3A_33, %dma_wait3A] : memref<10240x16xf32, #tpu.memory_space<hbm>> -> memref<640x16xf32, #tpu.memory_space<hbm>>
        %dma_wait3A_38 = arith.constant 0 : i32
        %dma_wait3A_39 = tpu.memref_slice %arg4[%mul3A_33, %dma_wait3A_38] : memref<10240x16xf32, #tpu.memory_space<hbm>> -> memref<640x16xf32, #tpu.memory_space<hbm>>
        tpu.wait_dma2 semaphore(%run_scoped3A : memref<!tpu.dma_semaphore, #tpu.memory_space<semaphore_mem>>) src(%arg7 : memref<640x16xf32, #tpu.memory_space<vmem>>) dst(%dma_wait3A_39 : memref<640x16xf32, #tpu.memory_space<hbm>>)
        tpu.yield
      }) : () -> ()
    } else {
    }
    return
  }
}

#map = affine_map<(d0, d1) -> (0, 0)>
#map1 = affine_map<(d0, d1) -> (0)>
module attributes {stable_mosaic.version = 14 : i64} {
  func.func @k(%arg0: i32, %arg1: i32, %arg2: memref<10240x128xf32, #tpu.memory_space<hbm>>, %arg3: memref<10240x128xf32, #tpu.memory_space<hbm>>, %arg4: memref<327680xi32, #tpu.memory_space<hbm>>, %arg5: memref<327680xi32, #tpu.memory_space<hbm>>, %arg6: memref<10240x128xf32, #tpu.memory_space<hbm>>, %arg7: memref<10240x128xf32, #tpu.memory_space<hbm>>, %arg8: memref<10240x128xf32, #tpu.memory_space<vmem_shared>>, %arg9: memref<128xi32, #tpu.memory_space<vmem>>, %arg10: memref<128xi32, #tpu.memory_space<vmem>>, %arg11: memref<128x128xf32, #tpu.memory_space<vmem>>, %arg12: memref<!tpu.dma_semaphore, #tpu.memory_space<semaphore_mem>>, %arg13: memref<!tpu.dma_semaphore, #tpu.memory_space<semaphore_mem>>) attributes {dimension_semantics = [#tpu.dimension_semantics<core_parallel>, #tpu.dimension_semantics<subcore_parallel>], iteration_bounds = array<i64: 2, 16>, scalar_prefetch = 0 : i64, scratch_operands = 6 : i64, tpu.core_type = #tpu.core_type<sc_vector_subcore>, window_params = [{transform_indices = #map}, {transform_indices = #map}, {transform_indices = #map1}, {transform_indices = #map1}, {transform_indices = #map}, {transform_indices = #map}]} {
    %scan3A = arith.constant 0 : i32
    %scan3A_0 = arith.constant 0 : i32
    %scan3A_1 = arith.constant 128 : i32
    %scan3A_2 = arith.addi %scan3A_0, %scan3A_1 : i32
    %scan3A_3 = arith.constant 1 : i32
    scf.for %scan3A_37 = %scan3A_0 to %scan3A_2 step %scan3A_3  : i32 {
      %broadcast_in_dim3A = arith.constant 0.000000e+00 : f32
      %broadcast_in_dim3A_38 = vector.broadcast %broadcast_in_dim3A : f32 to vector<16xf32>
      %swap3A = arith.index_cast %scan3A_37 : i32 to index
      %swap3A_39 = arith.constant 0 : index
      %swap3A_40 = tpu.vector_load %arg11[%swap3A, %swap3A_39] {strides = array<i32>} : memref<128x128xf32, #tpu.memory_space<vmem>>, vector<1x16xf32>,
      %swap3A_41 = vector.shape_cast %swap3A_40 : vector<1x16xf32> to vector<16xf32>
      %swap3A_42 = vector.shape_cast %broadcast_in_dim3A_38 : vector<16xf32> to vector<1x16xf32>
      tpu.vector_store %arg11[%swap3A, %swap3A_39], %swap3A_42 {strides = array<i32>} : memref<128x128xf32, #tpu.memory_space<vmem>>, vector<1x16xf32>,
      %broadcast_in_dim3A_43 = arith.constant 0.000000e+00 : f32
      %broadcast_in_dim3A_44 = vector.broadcast %broadcast_in_dim3A_43 : f32 to vector<16xf32>
      %swap3A_45 = arith.index_cast %scan3A_37 : i32 to index
      %swap3A_46 = arith.constant 16 : index
      %swap3A_47 = tpu.vector_load %arg11[%swap3A_45, %swap3A_46] {strides = array<i32>} : memref<128x128xf32, #tpu.memory_space<vmem>>, vector<1x16xf32>,
      %swap3A_48 = vector.shape_cast %swap3A_47 : vector<1x16xf32> to vector<16xf32>
      %swap3A_49 = vector.shape_cast %broadcast_in_dim3A_44 : vector<16xf32> to vector<1x16xf32>
      tpu.vector_store %arg11[%swap3A_45, %swap3A_46], %swap3A_49 {strides = array<i32>} : memref<128x128xf32, #tpu.memory_space<vmem>>, vector<1x16xf32>,
      %broadcast_in_dim3A_50 = arith.constant 0.000000e+00 : f32
      %broadcast_in_dim3A_51 = vector.broadcast %broadcast_in_dim3A_50 : f32 to vector<16xf32>
      %swap3A_52 = arith.index_cast %scan3A_37 : i32 to index
      %swap3A_53 = arith.constant 32 : index
      %swap3A_54 = tpu.vector_load %arg11[%swap3A_52, %swap3A_53] {strides = array<i32>} : memref<128x128xf32, #tpu.memory_space<vmem>>, vector<1x16xf32>,
      %swap3A_55 = vector.shape_cast %swap3A_54 : vector<1x16xf32> to vector<16xf32>
      %swap3A_56 = vector.shape_cast %broadcast_in_dim3A_51 : vector<16xf32> to vector<1x16xf32>
      tpu.vector_store %arg11[%swap3A_52, %swap3A_53], %swap3A_56 {strides = array<i32>} : memref<128x128xf32, #tpu.memory_space<vmem>>, vector<1x16xf32>,
      %broadcast_in_dim3A_57 = arith.constant 0.000000e+00 : f32
      %broadcast_in_dim3A_58 = vector.broadcast %broadcast_in_dim3A_57 : f32 to vector<16xf32>
      %swap3A_59 = arith.index_cast %scan3A_37 : i32 to index
      %swap3A_60 = arith.constant 48 : index
      %swap3A_61 = tpu.vector_load %arg11[%swap3A_59, %swap3A_60] {strides = array<i32>} : memref<128x128xf32, #tpu.memory_space<vmem>>, vector<1x16xf32>,
      %swap3A_62 = vector.shape_cast %swap3A_61 : vector<1x16xf32> to vector<16xf32>
      %swap3A_63 = vector.shape_cast %broadcast_in_dim3A_58 : vector<16xf32> to vector<1x16xf32>
      tpu.vector_store %arg11[%swap3A_59, %swap3A_60], %swap3A_63 {strides = array<i32>} : memref<128x128xf32, #tpu.memory_space<vmem>>, vector<1x16xf32>,
      %broadcast_in_dim3A_64 = arith.constant 0.000000e+00 : f32
      %broadcast_in_dim3A_65 = vector.broadcast %broadcast_in_dim3A_64 : f32 to vector<16xf32>
      %swap3A_66 = arith.index_cast %scan3A_37 : i32 to index
      %swap3A_67 = arith.constant 64 : index
      %swap3A_68 = tpu.vector_load %arg11[%swap3A_66, %swap3A_67] {strides = array<i32>} : memref<128x128xf32, #tpu.memory_space<vmem>>, vector<1x16xf32>,
      %swap3A_69 = vector.shape_cast %swap3A_68 : vector<1x16xf32> to vector<16xf32>
      %swap3A_70 = vector.shape_cast %broadcast_in_dim3A_65 : vector<16xf32> to vector<1x16xf32>
      tpu.vector_store %arg11[%swap3A_66, %swap3A_67], %swap3A_70 {strides = array<i32>} : memref<128x128xf32, #tpu.memory_space<vmem>>, vector<1x16xf32>,
      %broadcast_in_dim3A_71 = arith.constant 0.000000e+00 : f32
      %broadcast_in_dim3A_72 = vector.broadcast %broadcast_in_dim3A_71 : f32 to vector<16xf32>
      %swap3A_73 = arith.index_cast %scan3A_37 : i32 to index
      %swap3A_74 = arith.constant 80 : index
      %swap3A_75 = tpu.vector_load %arg11[%swap3A_73, %swap3A_74] {strides = array<i32>} : memref<128x128xf32, #tpu.memory_space<vmem>>, vector<1x16xf32>,
      %swap3A_76 = vector.shape_cast %swap3A_75 : vector<1x16xf32> to vector<16xf32>
      %swap3A_77 = vector.shape_cast %broadcast_in_dim3A_72 : vector<16xf32> to vector<1x16xf32>
      tpu.vector_store %arg11[%swap3A_73, %swap3A_74], %swap3A_77 {strides = array<i32>} : memref<128x128xf32, #tpu.memory_space<vmem>>, vector<1x16xf32>,
      %broadcast_in_dim3A_78 = arith.constant 0.000000e+00 : f32
      %broadcast_in_dim3A_79 = vector.broadcast %broadcast_in_dim3A_78 : f32 to vector<16xf32>
      %swap3A_80 = arith.index_cast %scan3A_37 : i32 to index
      %swap3A_81 = arith.constant 96 : index
      %swap3A_82 = tpu.vector_load %arg11[%swap3A_80, %swap3A_81] {strides = array<i32>} : memref<128x128xf32, #tpu.memory_space<vmem>>, vector<1x16xf32>,
      %swap3A_83 = vector.shape_cast %swap3A_82 : vector<1x16xf32> to vector<16xf32>
      %swap3A_84 = vector.shape_cast %broadcast_in_dim3A_79 : vector<16xf32> to vector<1x16xf32>
      tpu.vector_store %arg11[%swap3A_80, %swap3A_81], %swap3A_84 {strides = array<i32>} : memref<128x128xf32, #tpu.memory_space<vmem>>, vector<1x16xf32>,
      %broadcast_in_dim3A_85 = arith.constant 0.000000e+00 : f32
      %broadcast_in_dim3A_86 = vector.broadcast %broadcast_in_dim3A_85 : f32 to vector<16xf32>
      %swap3A_87 = arith.index_cast %scan3A_37 : i32 to index
      %swap3A_88 = arith.constant 112 : index
      %swap3A_89 = tpu.vector_load %arg11[%swap3A_87, %swap3A_88] {strides = array<i32>} : memref<128x128xf32, #tpu.memory_space<vmem>>, vector<1x16xf32>,
      %swap3A_90 = vector.shape_cast %swap3A_89 : vector<1x16xf32> to vector<16xf32>
      %swap3A_91 = vector.shape_cast %broadcast_in_dim3A_86 : vector<16xf32> to vector<1x16xf32>
      tpu.vector_store %arg11[%swap3A_87, %swap3A_88], %swap3A_91 {strides = array<i32>} : memref<128x128xf32, #tpu.memory_space<vmem>>, vector<1x16xf32>,
    }
    %scan3A_4 = arith.constant 128 : i32
    %mul3A = arith.constant 640 : i32
    %mul3A_5 = arith.muli %arg1, %mul3A : i32
    %add3A = arith.constant 0 : i32
    %add3A_6 = arith.addi %mul3A_5, %add3A : i32
    "tpu.region"() ({
      %run_scoped3A = tpu.sem_alloc : memref<!tpu.dma_semaphore, #tpu.memory_space<semaphore_mem>>
      %dma_start3A = arith.constant 0 : i32
      %dma_start3A_37 = tpu.memref_slice %arg8[%add3A_6, %dma_start3A] : memref<10240x128xf32, #tpu.memory_space<vmem_shared>> -> memref<128x128xf32, #tpu.memory_space<vmem_shared>>
      %dma_start3A_38 = arith.constant 0 : i32
      %dma_start3A_39 = tpu.memref_slice %arg8[%add3A_6, %dma_start3A_38] : memref<10240x128xf32, #tpu.memory_space<vmem_shared>> -> memref<128x128xf32, #tpu.memory_space<vmem_shared>>
      tpu.enqueue_dma source(%arg11 : memref<128x128xf32, #tpu.memory_space<vmem>>) target(%dma_start3A_39 : memref<128x128xf32, #tpu.memory_space<vmem_shared>>) target_semaphore(%run_scoped3A : memref<!tpu.dma_semaphore, #tpu.memory_space<semaphore_mem>>)
      %dma_wait3A = arith.constant 0 : i32
      %dma_wait3A_40 = tpu.memref_slice %arg8[%add3A_6, %dma_wait3A] : memref<10240x128xf32, #tpu.memory_space<vmem_shared>> -> memref<128x128xf32, #tpu.memory_space<vmem_shared>>
      %dma_wait3A_41 = arith.constant 0 : i32
      %dma_wait3A_42 = tpu.memref_slice %arg8[%add3A_6, %dma_wait3A_41] : memref<10240x128xf32, #tpu.memory_space<vmem_shared>> -> memref<128x128xf32, #tpu.memory_space<vmem_shared>>
      tpu.wait_dma2 semaphore(%run_scoped3A : memref<!tpu.dma_semaphore, #tpu.memory_space<semaphore_mem>>) src(%arg11 : memref<128x128xf32, #tpu.memory_space<vmem>>) dst(%dma_wait3A_42 : memref<128x128xf32, #tpu.memory_space<vmem_shared>>)
      tpu.yield
    }) : () -> ()
    %mul3A_7 = arith.constant 640 : i32
    %mul3A_8 = arith.muli %arg1, %mul3A_7 : i32
    %add3A_9 = arith.constant 128 : i32
    %add3A_10 = arith.addi %mul3A_8, %add3A_9 : i32
    "tpu.region"() ({
      %run_scoped3A = tpu.sem_alloc : memref<!tpu.dma_semaphore, #tpu.memory_space<semaphore_mem>>
      %dma_start3A = arith.constant 0 : i32
      %dma_start3A_37 = tpu.memref_slice %arg8[%add3A_10, %dma_start3A] : memref<10240x128xf32, #tpu.memory_space<vmem_shared>> -> memref<128x128xf32, #tpu.memory_space<vmem_shared>>
      %dma_start3A_38 = arith.constant 0 : i32
      %dma_start3A_39 = tpu.memref_slice %arg8[%add3A_10, %dma_start3A_38] : memref<10240x128xf32, #tpu.memory_space<vmem_shared>> -> memref<128x128xf32, #tpu.memory_space<vmem_shared>>
      tpu.enqueue_dma source(%arg11 : memref<128x128xf32, #tpu.memory_space<vmem>>) target(%dma_start3A_39 : memref<128x128xf32, #tpu.memory_space<vmem_shared>>) target_semaphore(%run_scoped3A : memref<!tpu.dma_semaphore, #tpu.memory_space<semaphore_mem>>)
      %dma_wait3A = arith.constant 0 : i32
      %dma_wait3A_40 = tpu.memref_slice %arg8[%add3A_10, %dma_wait3A] : memref<10240x128xf32, #tpu.memory_space<vmem_shared>> -> memref<128x128xf32, #tpu.memory_space<vmem_shared>>
      %dma_wait3A_41 = arith.constant 0 : i32
      %dma_wait3A_42 = tpu.memref_slice %arg8[%add3A_10, %dma_wait3A_41] : memref<10240x128xf32, #tpu.memory_space<vmem_shared>> -> memref<128x128xf32, #tpu.memory_space<vmem_shared>>
      tpu.wait_dma2 semaphore(%run_scoped3A : memref<!tpu.dma_semaphore, #tpu.memory_space<semaphore_mem>>) src(%arg11 : memref<128x128xf32, #tpu.memory_space<vmem>>) dst(%dma_wait3A_42 : memref<128x128xf32, #tpu.memory_space<vmem_shared>>)
      tpu.yield
    }) : () -> ()
    %mul3A_11 = arith.constant 640 : i32
    %mul3A_12 = arith.muli %arg1, %mul3A_11 : i32
    %add3A_13 = arith.constant 256 : i32
    %add3A_14 = arith.addi %mul3A_12, %add3A_13 : i32
    "tpu.region"() ({
      %run_scoped3A = tpu.sem_alloc : memref<!tpu.dma_semaphore, #tpu.memory_space<semaphore_mem>>
      %dma_start3A = arith.constant 0 : i32
      %dma_start3A_37 = tpu.memref_slice %arg8[%add3A_14, %dma_start3A] : memref<10240x128xf32, #tpu.memory_space<vmem_shared>> -> memref<128x128xf32, #tpu.memory_space<vmem_shared>>
      %dma_start3A_38 = arith.constant 0 : i32
      %dma_start3A_39 = tpu.memref_slice %arg8[%add3A_14, %dma_start3A_38] : memref<10240x128xf32, #tpu.memory_space<vmem_shared>> -> memref<128x128xf32, #tpu.memory_space<vmem_shared>>
      tpu.enqueue_dma source(%arg11 : memref<128x128xf32, #tpu.memory_space<vmem>>) target(%dma_start3A_39 : memref<128x128xf32, #tpu.memory_space<vmem_shared>>) target_semaphore(%run_scoped3A : memref<!tpu.dma_semaphore, #tpu.memory_space<semaphore_mem>>)
      %dma_wait3A = arith.constant 0 : i32
      %dma_wait3A_40 = tpu.memref_slice %arg8[%add3A_14, %dma_wait3A] : memref<10240x128xf32, #tpu.memory_space<vmem_shared>> -> memref<128x128xf32, #tpu.memory_space<vmem_shared>>
      %dma_wait3A_41 = arith.constant 0 : i32
      %dma_wait3A_42 = tpu.memref_slice %arg8[%add3A_14, %dma_wait3A_41] : memref<10240x128xf32, #tpu.memory_space<vmem_shared>> -> memref<128x128xf32, #tpu.memory_space<vmem_shared>>
      tpu.wait_dma2 semaphore(%run_scoped3A : memref<!tpu.dma_semaphore, #tpu.memory_space<semaphore_mem>>) src(%arg11 : memref<128x128xf32, #tpu.memory_space<vmem>>) dst(%dma_wait3A_42 : memref<128x128xf32, #tpu.memory_space<vmem_shared>>)
      tpu.yield
    }) : () -> ()
    %mul3A_15 = arith.constant 640 : i32
    %mul3A_16 = arith.muli %arg1, %mul3A_15 : i32
    %add3A_17 = arith.constant 384 : i32
    %add3A_18 = arith.addi %mul3A_16, %add3A_17 : i32
    "tpu.region"() ({
      %run_scoped3A = tpu.sem_alloc : memref<!tpu.dma_semaphore, #tpu.memory_space<semaphore_mem>>
      %dma_start3A = arith.constant 0 : i32
      %dma_start3A_37 = tpu.memref_slice %arg8[%add3A_18, %dma_start3A] : memref<10240x128xf32, #tpu.memory_space<vmem_shared>> -> memref<128x128xf32, #tpu.memory_space<vmem_shared>>
      %dma_start3A_38 = arith.constant 0 : i32
      %dma_start3A_39 = tpu.memref_slice %arg8[%add3A_18, %dma_start3A_38] : memref<10240x128xf32, #tpu.memory_space<vmem_shared>> -> memref<128x128xf32, #tpu.memory_space<vmem_shared>>
      tpu.enqueue_dma source(%arg11 : memref<128x128xf32, #tpu.memory_space<vmem>>) target(%dma_start3A_39 : memref<128x128xf32, #tpu.memory_space<vmem_shared>>) target_semaphore(%run_scoped3A : memref<!tpu.dma_semaphore, #tpu.memory_space<semaphore_mem>>)
      %dma_wait3A = arith.constant 0 : i32
      %dma_wait3A_40 = tpu.memref_slice %arg8[%add3A_18, %dma_wait3A] : memref<10240x128xf32, #tpu.memory_space<vmem_shared>> -> memref<128x128xf32, #tpu.memory_space<vmem_shared>>
      %dma_wait3A_41 = arith.constant 0 : i32
      %dma_wait3A_42 = tpu.memref_slice %arg8[%add3A_18, %dma_wait3A_41] : memref<10240x128xf32, #tpu.memory_space<vmem_shared>> -> memref<128x128xf32, #tpu.memory_space<vmem_shared>>
      tpu.wait_dma2 semaphore(%run_scoped3A : memref<!tpu.dma_semaphore, #tpu.memory_space<semaphore_mem>>) src(%arg11 : memref<128x128xf32, #tpu.memory_space<vmem>>) dst(%dma_wait3A_42 : memref<128x128xf32, #tpu.memory_space<vmem_shared>>)
      tpu.yield
    }) : () -> ()
    %mul3A_19 = arith.constant 640 : i32
    %mul3A_20 = arith.muli %arg1, %mul3A_19 : i32
    %add3A_21 = arith.constant 512 : i32
    %add3A_22 = arith.addi %mul3A_20, %add3A_21 : i32
    "tpu.region"() ({
      %run_scoped3A = tpu.sem_alloc : memref<!tpu.dma_semaphore, #tpu.memory_space<semaphore_mem>>
      %dma_start3A = arith.constant 0 : i32
      %dma_start3A_37 = tpu.memref_slice %arg8[%add3A_22, %dma_start3A] : memref<10240x128xf32, #tpu.memory_space<vmem_shared>> -> memref<128x128xf32, #tpu.memory_space<vmem_shared>>
      %dma_start3A_38 = arith.constant 0 : i32
      %dma_start3A_39 = tpu.memref_slice %arg8[%add3A_22, %dma_start3A_38] : memref<10240x128xf32, #tpu.memory_space<vmem_shared>> -> memref<128x128xf32, #tpu.memory_space<vmem_shared>>
      tpu.enqueue_dma source(%arg11 : memref<128x128xf32, #tpu.memory_space<vmem>>) target(%dma_start3A_39 : memref<128x128xf32, #tpu.memory_space<vmem_shared>>) target_semaphore(%run_scoped3A : memref<!tpu.dma_semaphore, #tpu.memory_space<semaphore_mem>>)
      %dma_wait3A = arith.constant 0 : i32
      %dma_wait3A_40 = tpu.memref_slice %arg8[%add3A_22, %dma_wait3A] : memref<10240x128xf32, #tpu.memory_space<vmem_shared>> -> memref<128x128xf32, #tpu.memory_space<vmem_shared>>
      %dma_wait3A_41 = arith.constant 0 : i32
      %dma_wait3A_42 = tpu.memref_slice %arg8[%add3A_22, %dma_wait3A_41] : memref<10240x128xf32, #tpu.memory_space<vmem_shared>> -> memref<128x128xf32, #tpu.memory_space<vmem_shared>>
      tpu.wait_dma2 semaphore(%run_scoped3A : memref<!tpu.dma_semaphore, #tpu.memory_space<semaphore_mem>>) src(%arg11 : memref<128x128xf32, #tpu.memory_space<vmem>>) dst(%dma_wait3A_42 : memref<128x128xf32, #tpu.memory_space<vmem_shared>>)
      tpu.yield
    }) : () -> ()
    %barrier3A = arith.constant 0 : index
    tpu.barrier barrier_id(%barrier3A)
    %eq3A = arith.constant 0 : i32
    %eq3A_23 = arith.cmpi eq, %arg0, %eq3A : i32
    %convert_element_type3A = arith.extui %eq3A_23 : i1 to i32
    %cond3A = arith.constant 0 : i32
    %cond3A_24 = arith.cmpi ne, %convert_element_type3A, %cond3A : i32
    scf.if %cond3A_24 {
      %mul3A_37 = arith.constant 20480 : i32
      %mul3A_38 = arith.muli %arg1, %mul3A_37 : i32
      %scan3A_39 = arith.constant 0 : i32
      %scan3A_40 = arith.constant 0 : i32
      %scan3A_41 = arith.constant 160 : i32
      %scan3A_42 = arith.addi %scan3A_40, %scan3A_41 : i32
      %scan3A_43 = arith.constant 1 : i32
      scf.for %scan3A_45 = %scan3A_40 to %scan3A_42 step %scan3A_43  : i32 {
        %mul3A_46 = arith.constant 128 : i32
        %mul3A_47 = arith.muli %scan3A_45, %mul3A_46 : i32
        %add3A_48 = arith.addi %mul3A_38, %mul3A_47 : i32
        "tpu.region"() ({
          %run_scoped3A = tpu.sem_alloc : memref<!tpu.dma_semaphore, #tpu.memory_space<semaphore_mem>>
          %dma_start3A_53 = tpu.memref_slice %arg4[%add3A_48] : memref<327680xi32, #tpu.memory_space<hbm>> -> memref<128xi32, #tpu.memory_space<hbm>>
          %dma_start3A_54 = tpu.memref_slice %arg4[%add3A_48] : memref<327680xi32, #tpu.memory_space<hbm>> -> memref<128xi32, #tpu.memory_space<hbm>>
          tpu.enqueue_dma source(%dma_start3A_54 : memref<128xi32, #tpu.memory_space<hbm>>) target(%arg10 : memref<128xi32, #tpu.memory_space<vmem>>) target_semaphore(%run_scoped3A : memref<!tpu.dma_semaphore, #tpu.memory_space<semaphore_mem>>)
          %dma_wait3A_55 = tpu.memref_slice %arg4[%add3A_48] : memref<327680xi32, #tpu.memory_space<hbm>> -> memref<128xi32, #tpu.memory_space<hbm>>
          %dma_wait3A_56 = tpu.memref_slice %arg4[%add3A_48] : memref<327680xi32, #tpu.memory_space<hbm>> -> memref<128xi32, #tpu.memory_space<hbm>>
          tpu.wait_dma2 semaphore(%run_scoped3A : memref<!tpu.dma_semaphore, #tpu.memory_space<semaphore_mem>>) src(%dma_wait3A_56 : memref<128xi32, #tpu.memory_space<hbm>>) dst(%arg10 : memref<128xi32, #tpu.memory_space<vmem>>)
          tpu.yield
        }) : () -> ()
        "tpu.region"() ({
          %run_scoped3A = tpu.sem_alloc : memref<!tpu.dma_semaphore, #tpu.memory_space<semaphore_mem>>
          %dma_start3A_53 = tpu.memref_slice %arg5[%add3A_48] : memref<327680xi32, #tpu.memory_space<hbm>> -> memref<128xi32, #tpu.memory_space<hbm>>
          %dma_start3A_54 = tpu.memref_slice %arg5[%add3A_48] : memref<327680xi32, #tpu.memory_space<hbm>> -> memref<128xi32, #tpu.memory_space<hbm>>
          tpu.enqueue_dma source(%dma_start3A_54 : memref<128xi32, #tpu.memory_space<hbm>>) target(%arg9 : memref<128xi32, #tpu.memory_space<vmem>>) target_semaphore(%run_scoped3A : memref<!tpu.dma_semaphore, #tpu.memory_space<semaphore_mem>>)
          %dma_wait3A_55 = tpu.memref_slice %arg5[%add3A_48] : memref<327680xi32, #tpu.memory_space<hbm>> -> memref<128xi32, #tpu.memory_space<hbm>>
          %dma_wait3A_56 = tpu.memref_slice %arg5[%add3A_48] : memref<327680xi32, #tpu.memory_space<hbm>> -> memref<128xi32, #tpu.memory_space<hbm>>
          tpu.wait_dma2 semaphore(%run_scoped3A : memref<!tpu.dma_semaphore, #tpu.memory_space<semaphore_mem>>) src(%dma_wait3A_56 : memref<128xi32, #tpu.memory_space<hbm>>) dst(%arg9 : memref<128xi32, #tpu.memory_space<vmem>>)
          tpu.yield
        }) : () -> ()
        %dma_start3A = arith.constant 0 : i32
        %dma_start3A_49 = arith.constant 0 : i32
        %dma_start3A_50 = tpu.memref_slice %arg2[%dma_start3A, %dma_start3A_49] : memref<10240x128xf32, #tpu.memory_space<hbm>> -> memref<10240x128xf32, #tpu.memory_space<hbm>>
        tpu.enqueue_indirect_dma source(%dma_start3A_50 : memref<10240x128xf32, #tpu.memory_space<hbm>>) target(%arg11 : memref<128x128xf32, #tpu.memory_space<vmem>>) offsets(%arg10 : memref<128xi32, #tpu.memory_space<vmem>>) semaphore(%arg12 : memref<!tpu.dma_semaphore, #tpu.memory_space<semaphore_mem>>)
        %dma_wait3A = arith.constant 0 : i32
        %dma_wait3A_51 = arith.constant 0 : i32
        %dma_wait3A_52 = tpu.memref_slice %arg2[%dma_wait3A, %dma_wait3A_51] : memref<10240x128xf32, #tpu.memory_space<hbm>> -> memref<10240x128xf32, #tpu.memory_space<hbm>>
        tpu.wait_indirect_dma semaphore(%arg12 : memref<!tpu.dma_semaphore, #tpu.memory_space<semaphore_mem>>) src(%dma_wait3A_52 : memref<10240x128xf32, #tpu.memory_space<hbm>>) dst(%arg11 : memref<128x128xf32, #tpu.memory_space<vmem>>)
        "tpu.region"() ({
          %run_scoped3A = tpu.sem_alloc : memref<!tpu.dma_semaphore, #tpu.memory_space<semaphore_mem>>
          %dma_start3A_53 = arith.constant 0 : i32
          %dma_start3A_54 = arith.constant 0 : i32
          %dma_start3A_55 = tpu.memref_slice %arg8[%dma_start3A_53, %dma_start3A_54] : memref<10240x128xf32, #tpu.memory_space<vmem_shared>> -> memref<10240x128xf32, #tpu.memory_space<vmem_shared>>
          tpu.enqueue_indirect_dma source(%arg11 : memref<128x128xf32, #tpu.memory_space<vmem>>) target(%dma_start3A_55 : memref<10240x128xf32, #tpu.memory_space<vmem_shared>>) offsets(%arg9 : memref<128xi32, #tpu.memory_space<vmem>>) semaphore(%run_scoped3A : memref<!tpu.dma_semaphore, #tpu.memory_space<semaphore_mem>>) {add = true}
          %dma_wait3A_56 = arith.constant 0 : i32
          %dma_wait3A_57 = arith.constant 0 : i32
          %dma_wait3A_58 = tpu.memref_slice %arg8[%dma_wait3A_56, %dma_wait3A_57] : memref<10240x128xf32, #tpu.memory_space<vmem_shared>> -> memref<10240x128xf32, #tpu.memory_space<vmem_shared>>
          tpu.wait_indirect_dma semaphore(%run_scoped3A : memref<!tpu.dma_semaphore, #tpu.memory_space<semaphore_mem>>) src(%arg11 : memref<128x128xf32, #tpu.memory_space<vmem>>) dst(%dma_wait3A_58 : memref<10240x128xf32, #tpu.memory_space<vmem_shared>>)
          tpu.yield
        }) : () -> ()
      }
      %scan3A_44 = arith.constant 160 : i32
    } else {
    }
    %eq3A_25 = arith.constant 1 : i32
    %eq3A_26 = arith.cmpi eq, %arg0, %eq3A_25 : i32
    %convert_element_type3A_27 = arith.extui %eq3A_26 : i1 to i32
    %cond3A_28 = arith.constant 0 : i32
    %cond3A_29 = arith.cmpi ne, %convert_element_type3A_27, %cond3A_28 : i32
    scf.if %cond3A_29 {
      %mul3A_37 = arith.constant 20480 : i32
      %mul3A_38 = arith.muli %arg1, %mul3A_37 : i32
      %scan3A_39 = arith.constant 0 : i32
      %scan3A_40 = arith.constant 0 : i32
      %scan3A_41 = arith.constant 160 : i32
      %scan3A_42 = arith.addi %scan3A_40, %scan3A_41 : i32
      %scan3A_43 = arith.constant 1 : i32
      scf.for %scan3A_45 = %scan3A_40 to %scan3A_42 step %scan3A_43  : i32 {
        %mul3A_46 = arith.constant 128 : i32
        %mul3A_47 = arith.muli %scan3A_45, %mul3A_46 : i32
        %add3A_48 = arith.addi %mul3A_38, %mul3A_47 : i32
        "tpu.region"() ({
          %run_scoped3A = tpu.sem_alloc : memref<!tpu.dma_semaphore, #tpu.memory_space<semaphore_mem>>
          %dma_start3A_53 = tpu.memref_slice %arg4[%add3A_48] : memref<327680xi32, #tpu.memory_space<hbm>> -> memref<128xi32, #tpu.memory_space<hbm>>
          %dma_start3A_54 = tpu.memref_slice %arg4[%add3A_48] : memref<327680xi32, #tpu.memory_space<hbm>> -> memref<128xi32, #tpu.memory_space<hbm>>
          tpu.enqueue_dma source(%dma_start3A_54 : memref<128xi32, #tpu.memory_space<hbm>>) target(%arg10 : memref<128xi32, #tpu.memory_space<vmem>>) target_semaphore(%run_scoped3A : memref<!tpu.dma_semaphore, #tpu.memory_space<semaphore_mem>>)
          %dma_wait3A_55 = tpu.memref_slice %arg4[%add3A_48] : memref<327680xi32, #tpu.memory_space<hbm>> -> memref<128xi32, #tpu.memory_space<hbm>>
          %dma_wait3A_56 = tpu.memref_slice %arg4[%add3A_48] : memref<327680xi32, #tpu.memory_space<hbm>> -> memref<128xi32, #tpu.memory_space<hbm>>
          tpu.wait_dma2 semaphore(%run_scoped3A : memref<!tpu.dma_semaphore, #tpu.memory_space<semaphore_mem>>) src(%dma_wait3A_56 : memref<128xi32, #tpu.memory_space<hbm>>) dst(%arg10 : memref<128xi32, #tpu.memory_space<vmem>>)
          tpu.yield
        }) : () -> ()
        "tpu.region"() ({
          %run_scoped3A = tpu.sem_alloc : memref<!tpu.dma_semaphore, #tpu.memory_space<semaphore_mem>>
          %dma_start3A_53 = tpu.memref_slice %arg5[%add3A_48] : memref<327680xi32, #tpu.memory_space<hbm>> -> memref<128xi32, #tpu.memory_space<hbm>>
          %dma_start3A_54 = tpu.memref_slice %arg5[%add3A_48] : memref<327680xi32, #tpu.memory_space<hbm>> -> memref<128xi32, #tpu.memory_space<hbm>>
          tpu.enqueue_dma source(%dma_start3A_54 : memref<128xi32, #tpu.memory_space<hbm>>) target(%arg9 : memref<128xi32, #tpu.memory_space<vmem>>) target_semaphore(%run_scoped3A : memref<!tpu.dma_semaphore, #tpu.memory_space<semaphore_mem>>)
          %dma_wait3A_55 = tpu.memref_slice %arg5[%add3A_48] : memref<327680xi32, #tpu.memory_space<hbm>> -> memref<128xi32, #tpu.memory_space<hbm>>
          %dma_wait3A_56 = tpu.memref_slice %arg5[%add3A_48] : memref<327680xi32, #tpu.memory_space<hbm>> -> memref<128xi32, #tpu.memory_space<hbm>>
          tpu.wait_dma2 semaphore(%run_scoped3A : memref<!tpu.dma_semaphore, #tpu.memory_space<semaphore_mem>>) src(%dma_wait3A_56 : memref<128xi32, #tpu.memory_space<hbm>>) dst(%arg9 : memref<128xi32, #tpu.memory_space<vmem>>)
          tpu.yield
        }) : () -> ()
        %dma_start3A = arith.constant 0 : i32
        %dma_start3A_49 = arith.constant 0 : i32
        %dma_start3A_50 = tpu.memref_slice %arg3[%dma_start3A, %dma_start3A_49] : memref<10240x128xf32, #tpu.memory_space<hbm>> -> memref<10240x128xf32, #tpu.memory_space<hbm>>
        tpu.enqueue_indirect_dma source(%dma_start3A_50 : memref<10240x128xf32, #tpu.memory_space<hbm>>) target(%arg11 : memref<128x128xf32, #tpu.memory_space<vmem>>) offsets(%arg10 : memref<128xi32, #tpu.memory_space<vmem>>) semaphore(%arg12 : memref<!tpu.dma_semaphore, #tpu.memory_space<semaphore_mem>>)
        %dma_wait3A = arith.constant 0 : i32
        %dma_wait3A_51 = arith.constant 0 : i32
        %dma_wait3A_52 = tpu.memref_slice %arg3[%dma_wait3A, %dma_wait3A_51] : memref<10240x128xf32, #tpu.memory_space<hbm>> -> memref<10240x128xf32, #tpu.memory_space<hbm>>
        tpu.wait_indirect_dma semaphore(%arg12 : memref<!tpu.dma_semaphore, #tpu.memory_space<semaphore_mem>>) src(%dma_wait3A_52 : memref<10240x128xf32, #tpu.memory_space<hbm>>) dst(%arg11 : memref<128x128xf32, #tpu.memory_space<vmem>>)
        "tpu.region"() ({
          %run_scoped3A = tpu.sem_alloc : memref<!tpu.dma_semaphore, #tpu.memory_space<semaphore_mem>>
          %dma_start3A_53 = arith.constant 0 : i32
          %dma_start3A_54 = arith.constant 0 : i32
          %dma_start3A_55 = tpu.memref_slice %arg8[%dma_start3A_53, %dma_start3A_54] : memref<10240x128xf32, #tpu.memory_space<vmem_shared>> -> memref<10240x128xf32, #tpu.memory_space<vmem_shared>>
          tpu.enqueue_indirect_dma source(%arg11 : memref<128x128xf32, #tpu.memory_space<vmem>>) target(%dma_start3A_55 : memref<10240x128xf32, #tpu.memory_space<vmem_shared>>) offsets(%arg9 : memref<128xi32, #tpu.memory_space<vmem>>) semaphore(%run_scoped3A : memref<!tpu.dma_semaphore, #tpu.memory_space<semaphore_mem>>) {add = true}
          %dma_wait3A_56 = arith.constant 0 : i32
          %dma_wait3A_57 = arith.constant 0 : i32
          %dma_wait3A_58 = tpu.memref_slice %arg8[%dma_wait3A_56, %dma_wait3A_57] : memref<10240x128xf32, #tpu.memory_space<vmem_shared>> -> memref<10240x128xf32, #tpu.memory_space<vmem_shared>>
          tpu.wait_indirect_dma semaphore(%run_scoped3A : memref<!tpu.dma_semaphore, #tpu.memory_space<semaphore_mem>>) src(%arg11 : memref<128x128xf32, #tpu.memory_space<vmem>>) dst(%dma_wait3A_58 : memref<10240x128xf32, #tpu.memory_space<vmem_shared>>)
          tpu.yield
        }) : () -> ()
      }
      %scan3A_44 = arith.constant 160 : i32
    } else {
    }
    %barrier3A_30 = arith.constant 0 : index
    tpu.barrier barrier_id(%barrier3A_30)
    %scan3A_31 = arith.constant 0 : i32
    %scan3A_32 = arith.constant 0 : i32
    %scan3A_33 = arith.constant 5 : i32
    %scan3A_34 = arith.addi %scan3A_32, %scan3A_33 : i32
    %scan3A_35 = arith.constant 1 : i32
    scf.for %scan3A_37 = %scan3A_32 to %scan3A_34 step %scan3A_35  : i32 {
      %mul3A_38 = arith.constant 640 : i32
      %mul3A_39 = arith.muli %arg1, %mul3A_38 : i32
      %mul3A_40 = arith.constant 128 : i32
      %mul3A_41 = arith.muli %scan3A_37, %mul3A_40 : i32
      %add3A_42 = arith.addi %mul3A_39, %mul3A_41 : i32
      "tpu.region"() ({
        %run_scoped3A = tpu.sem_alloc : memref<!tpu.dma_semaphore, #tpu.memory_space<semaphore_mem>>
        %dma_start3A = arith.constant 0 : i32
        %dma_start3A_53 = tpu.memref_slice %arg8[%add3A_42, %dma_start3A] : memref<10240x128xf32, #tpu.memory_space<vmem_shared>> -> memref<128x128xf32, #tpu.memory_space<vmem_shared>>
        %dma_start3A_54 = arith.constant 0 : i32
        %dma_start3A_55 = tpu.memref_slice %arg8[%add3A_42, %dma_start3A_54] : memref<10240x128xf32, #tpu.memory_space<vmem_shared>> -> memref<128x128xf32, #tpu.memory_space<vmem_shared>>
        tpu.enqueue_dma source(%dma_start3A_55 : memref<128x128xf32, #tpu.memory_space<vmem_shared>>) target(%arg11 : memref<128x128xf32, #tpu.memory_space<vmem>>) target_semaphore(%run_scoped3A : memref<!tpu.dma_semaphore, #tpu.memory_space<semaphore_mem>>)
        %dma_wait3A = arith.constant 0 : i32
        %dma_wait3A_56 = tpu.memref_slice %arg8[%add3A_42, %dma_wait3A] : memref<10240x128xf32, #tpu.memory_space<vmem_shared>> -> memref<128x128xf32, #tpu.memory_space<vmem_shared>>
        %dma_wait3A_57 = arith.constant 0 : i32
        %dma_wait3A_58 = tpu.memref_slice %arg8[%add3A_42, %dma_wait3A_57] : memref<10240x128xf32, #tpu.memory_space<vmem_shared>> -> memref<128x128xf32, #tpu.memory_space<vmem_shared>>
        tpu.wait_dma2 semaphore(%run_scoped3A : memref<!tpu.dma_semaphore, #tpu.memory_space<semaphore_mem>>) src(%dma_wait3A_58 : memref<128x128xf32, #tpu.memory_space<vmem_shared>>) dst(%arg11 : memref<128x128xf32, #tpu.memory_space<vmem>>)
        tpu.yield
      }) : () -> ()
      %eq3A_43 = arith.constant 0 : i32
      %eq3A_44 = arith.cmpi eq, %arg0, %eq3A_43 : i32
      %convert_element_type3A_45 = arith.extui %eq3A_44 : i1 to i32
      %cond3A_46 = arith.constant 0 : i32
      %cond3A_47 = arith.cmpi ne, %convert_element_type3A_45, %cond3A_46 : i32
      scf.if %cond3A_47 {
        "tpu.region"() ({
          %run_scoped3A = tpu.sem_alloc : memref<!tpu.dma_semaphore, #tpu.memory_space<semaphore_mem>>
          %dma_start3A = arith.constant 0 : i32
          %dma_start3A_53 = tpu.memref_slice %arg6[%add3A_42, %dma_start3A] : memref<10240x128xf32, #tpu.memory_space<hbm>> -> memref<128x128xf32, #tpu.memory_space<hbm>>
          %dma_start3A_54 = arith.constant 0 : i32
          %dma_start3A_55 = tpu.memref_slice %arg6[%add3A_42, %dma_start3A_54] : memref<10240x128xf32, #tpu.memory_space<hbm>> -> memref<128x128xf32, #tpu.memory_space<hbm>>
          tpu.enqueue_dma source(%arg11 : memref<128x128xf32, #tpu.memory_space<vmem>>) target(%dma_start3A_55 : memref<128x128xf32, #tpu.memory_space<hbm>>) target_semaphore(%run_scoped3A : memref<!tpu.dma_semaphore, #tpu.memory_space<semaphore_mem>>)
          %dma_wait3A = arith.constant 0 : i32
          %dma_wait3A_56 = tpu.memref_slice %arg6[%add3A_42, %dma_wait3A] : memref<10240x128xf32, #tpu.memory_space<hbm>> -> memref<128x128xf32, #tpu.memory_space<hbm>>
          %dma_wait3A_57 = arith.constant 0 : i32
          %dma_wait3A_58 = tpu.memref_slice %arg6[%add3A_42, %dma_wait3A_57] : memref<10240x128xf32, #tpu.memory_space<hbm>> -> memref<128x128xf32, #tpu.memory_space<hbm>>
          tpu.wait_dma2 semaphore(%run_scoped3A : memref<!tpu.dma_semaphore, #tpu.memory_space<semaphore_mem>>) src(%arg11 : memref<128x128xf32, #tpu.memory_space<vmem>>) dst(%dma_wait3A_58 : memref<128x128xf32, #tpu.memory_space<hbm>>)
          tpu.yield
        }) : () -> ()
      } else {
      }
      %eq3A_48 = arith.constant 1 : i32
      %eq3A_49 = arith.cmpi eq, %arg0, %eq3A_48 : i32
      %convert_element_type3A_50 = arith.extui %eq3A_49 : i1 to i32
      %cond3A_51 = arith.constant 0 : i32
      %cond3A_52 = arith.cmpi ne, %convert_element_type3A_50, %cond3A_51 : i32
      scf.if %cond3A_52 {
        "tpu.region"() ({
          %run_scoped3A = tpu.sem_alloc : memref<!tpu.dma_semaphore, #tpu.memory_space<semaphore_mem>>
          %dma_start3A = arith.constant 0 : i32
          %dma_start3A_53 = tpu.memref_slice %arg7[%add3A_42, %dma_start3A] : memref<10240x128xf32, #tpu.memory_space<hbm>> -> memref<128x128xf32, #tpu.memory_space<hbm>>
          %dma_start3A_54 = arith.constant 0 : i32
          %dma_start3A_55 = tpu.memref_slice %arg7[%add3A_42, %dma_start3A_54] : memref<10240x128xf32, #tpu.memory_space<hbm>> -> memref<128x128xf32, #tpu.memory_space<hbm>>
          tpu.enqueue_dma source(%arg11 : memref<128x128xf32, #tpu.memory_space<vmem>>) target(%dma_start3A_55 : memref<128x128xf32, #tpu.memory_space<hbm>>) target_semaphore(%run_scoped3A : memref<!tpu.dma_semaphore, #tpu.memory_space<semaphore_mem>>)
          %dma_wait3A = arith.constant 0 : i32
          %dma_wait3A_56 = tpu.memref_slice %arg7[%add3A_42, %dma_wait3A] : memref<10240x128xf32, #tpu.memory_space<hbm>> -> memref<128x128xf32, #tpu.memory_space<hbm>>
          %dma_wait3A_57 = arith.constant 0 : i32
          %dma_wait3A_58 = tpu.memref_slice %arg7[%add3A_42, %dma_wait3A_57] : memref<10240x128xf32, #tpu.memory_space<hbm>> -> memref<128x128xf32, #tpu.memory_space<hbm>>
          tpu.wait_dma2 semaphore(%run_scoped3A : memref<!tpu.dma_semaphore, #tpu.memory_space<semaphore_mem>>) src(%arg11 : memref<128x128xf32, #tpu.memory_space<vmem>>) dst(%dma_wait3A_58 : memref<128x128xf32, #tpu.memory_space<hbm>>)
          tpu.yield
        }) : () -> ()
      } else {
      }
    }
    %scan3A_36 = arith.constant 5 : i32
    return
  }
}

#map = affine_map<(d0, d1) -> (0, 0)>
#map1 = affine_map<(d0, d1) -> (0)>
module attributes {stable_mosaic.version = 14 : i64} {
  func.func @k(%arg0: i32, %arg1: i32, %arg2: memref<10240x128xf32, #tpu.memory_space<hbm>>, %arg3: memref<327680xi32, #tpu.memory_space<hbm>>, %arg4: memref<327680xi32, #tpu.memory_space<hbm>>, %arg5: memref<10240x128xf32, #tpu.memory_space<hbm>>, %arg6: memref<10240x128xf32, #tpu.memory_space<hbm>>, %arg7: memref<10240x128xf32, #tpu.memory_space<vmem_shared>>, %arg8: memref<128xi32, #tpu.memory_space<vmem>>, %arg9: memref<128xi32, #tpu.memory_space<vmem>>, %arg10: memref<128x128xf32, #tpu.memory_space<vmem>>, %arg11: memref<!tpu.dma_semaphore, #tpu.memory_space<semaphore_mem>>, %arg12: memref<!tpu.dma_semaphore, #tpu.memory_space<semaphore_mem>>) attributes {dimension_semantics = [#tpu.dimension_semantics<core_parallel>, #tpu.dimension_semantics<subcore_parallel>], iteration_bounds = array<i64: 2, 16>, scalar_prefetch = 0 : i64, scratch_operands = 6 : i64, tpu.core_type = #tpu.core_type<sc_vector_subcore>, window_params = [{transform_indices = #map}, {transform_indices = #map1}, {transform_indices = #map1}, {transform_indices = #map}, {transform_indices = #map}]} {
    %mul3A = arith.constant 2 : i32
    %mul3A_0 = arith.muli %arg1, %mul3A : i32
    %add3A = arith.addi %mul3A_0, %arg0 : i32
    %scan3A = arith.constant 0 : i32
    %scan3A_1 = arith.constant 0 : i32
    %scan3A_2 = arith.constant 128 : i32
    %scan3A_3 = arith.addi %scan3A_1, %scan3A_2 : i32
    %scan3A_4 = arith.constant 1 : i32
    scf.for %scan3A_41 = %scan3A_1 to %scan3A_3 step %scan3A_4  : i32 {
      %broadcast_in_dim3A = arith.constant 0.000000e+00 : f32
      %broadcast_in_dim3A_42 = vector.broadcast %broadcast_in_dim3A : f32 to vector<16xf32>
      %swap3A = arith.index_cast %scan3A_41 : i32 to index
      %swap3A_43 = arith.constant 0 : index
      %swap3A_44 = tpu.vector_load %arg10[%swap3A, %swap3A_43] {strides = array<i32>} : memref<128x128xf32, #tpu.memory_space<vmem>>, vector<1x16xf32>,
      %swap3A_45 = vector.shape_cast %swap3A_44 : vector<1x16xf32> to vector<16xf32>
      %swap3A_46 = vector.shape_cast %broadcast_in_dim3A_42 : vector<16xf32> to vector<1x16xf32>
      tpu.vector_store %arg10[%swap3A, %swap3A_43], %swap3A_46 {strides = array<i32>} : memref<128x128xf32, #tpu.memory_space<vmem>>, vector<1x16xf32>,
      %broadcast_in_dim3A_47 = arith.constant 0.000000e+00 : f32
      %broadcast_in_dim3A_48 = vector.broadcast %broadcast_in_dim3A_47 : f32 to vector<16xf32>
      %swap3A_49 = arith.index_cast %scan3A_41 : i32 to index
      %swap3A_50 = arith.constant 16 : index
      %swap3A_51 = tpu.vector_load %arg10[%swap3A_49, %swap3A_50] {strides = array<i32>} : memref<128x128xf32, #tpu.memory_space<vmem>>, vector<1x16xf32>,
      %swap3A_52 = vector.shape_cast %swap3A_51 : vector<1x16xf32> to vector<16xf32>
      %swap3A_53 = vector.shape_cast %broadcast_in_dim3A_48 : vector<16xf32> to vector<1x16xf32>
      tpu.vector_store %arg10[%swap3A_49, %swap3A_50], %swap3A_53 {strides = array<i32>} : memref<128x128xf32, #tpu.memory_space<vmem>>, vector<1x16xf32>,
      %broadcast_in_dim3A_54 = arith.constant 0.000000e+00 : f32
      %broadcast_in_dim3A_55 = vector.broadcast %broadcast_in_dim3A_54 : f32 to vector<16xf32>
      %swap3A_56 = arith.index_cast %scan3A_41 : i32 to index
      %swap3A_57 = arith.constant 32 : index
      %swap3A_58 = tpu.vector_load %arg10[%swap3A_56, %swap3A_57] {strides = array<i32>} : memref<128x128xf32, #tpu.memory_space<vmem>>, vector<1x16xf32>,
      %swap3A_59 = vector.shape_cast %swap3A_58 : vector<1x16xf32> to vector<16xf32>
      %swap3A_60 = vector.shape_cast %broadcast_in_dim3A_55 : vector<16xf32> to vector<1x16xf32>
      tpu.vector_store %arg10[%swap3A_56, %swap3A_57], %swap3A_60 {strides = array<i32>} : memref<128x128xf32, #tpu.memory_space<vmem>>, vector<1x16xf32>,
      %broadcast_in_dim3A_61 = arith.constant 0.000000e+00 : f32
      %broadcast_in_dim3A_62 = vector.broadcast %broadcast_in_dim3A_61 : f32 to vector<16xf32>
      %swap3A_63 = arith.index_cast %scan3A_41 : i32 to index
      %swap3A_64 = arith.constant 48 : index
      %swap3A_65 = tpu.vector_load %arg10[%swap3A_63, %swap3A_64] {strides = array<i32>} : memref<128x128xf32, #tpu.memory_space<vmem>>, vector<1x16xf32>,
      %swap3A_66 = vector.shape_cast %swap3A_65 : vector<1x16xf32> to vector<16xf32>
      %swap3A_67 = vector.shape_cast %broadcast_in_dim3A_62 : vector<16xf32> to vector<1x16xf32>
      tpu.vector_store %arg10[%swap3A_63, %swap3A_64], %swap3A_67 {strides = array<i32>} : memref<128x128xf32, #tpu.memory_space<vmem>>, vector<1x16xf32>,
      %broadcast_in_dim3A_68 = arith.constant 0.000000e+00 : f32
      %broadcast_in_dim3A_69 = vector.broadcast %broadcast_in_dim3A_68 : f32 to vector<16xf32>
      %swap3A_70 = arith.index_cast %scan3A_41 : i32 to index
      %swap3A_71 = arith.constant 64 : index
      %swap3A_72 = tpu.vector_load %arg10[%swap3A_70, %swap3A_71] {strides = array<i32>} : memref<128x128xf32, #tpu.memory_space<vmem>>, vector<1x16xf32>,
      %swap3A_73 = vector.shape_cast %swap3A_72 : vector<1x16xf32> to vector<16xf32>
      %swap3A_74 = vector.shape_cast %broadcast_in_dim3A_69 : vector<16xf32> to vector<1x16xf32>
      tpu.vector_store %arg10[%swap3A_70, %swap3A_71], %swap3A_74 {strides = array<i32>} : memref<128x128xf32, #tpu.memory_space<vmem>>, vector<1x16xf32>,
      %broadcast_in_dim3A_75 = arith.constant 0.000000e+00 : f32
      %broadcast_in_dim3A_76 = vector.broadcast %broadcast_in_dim3A_75 : f32 to vector<16xf32>
      %swap3A_77 = arith.index_cast %scan3A_41 : i32 to index
      %swap3A_78 = arith.constant 80 : index
      %swap3A_79 = tpu.vector_load %arg10[%swap3A_77, %swap3A_78] {strides = array<i32>} : memref<128x128xf32, #tpu.memory_space<vmem>>, vector<1x16xf32>,
      %swap3A_80 = vector.shape_cast %swap3A_79 : vector<1x16xf32> to vector<16xf32>
      %swap3A_81 = vector.shape_cast %broadcast_in_dim3A_76 : vector<16xf32> to vector<1x16xf32>
      tpu.vector_store %arg10[%swap3A_77, %swap3A_78], %swap3A_81 {strides = array<i32>} : memref<128x128xf32, #tpu.memory_space<vmem>>, vector<1x16xf32>,
      %broadcast_in_dim3A_82 = arith.constant 0.000000e+00 : f32
      %broadcast_in_dim3A_83 = vector.broadcast %broadcast_in_dim3A_82 : f32 to vector<16xf32>
      %swap3A_84 = arith.index_cast %scan3A_41 : i32 to index
      %swap3A_85 = arith.constant 96 : index
      %swap3A_86 = tpu.vector_load %arg10[%swap3A_84, %swap3A_85] {strides = array<i32>} : memref<128x128xf32, #tpu.memory_space<vmem>>, vector<1x16xf32>,
      %swap3A_87 = vector.shape_cast %swap3A_86 : vector<1x16xf32> to vector<16xf32>
      %swap3A_88 = vector.shape_cast %broadcast_in_dim3A_83 : vector<16xf32> to vector<1x16xf32>
      tpu.vector_store %arg10[%swap3A_84, %swap3A_85], %swap3A_88 {strides = array<i32>} : memref<128x128xf32, #tpu.memory_space<vmem>>, vector<1x16xf32>,
      %broadcast_in_dim3A_89 = arith.constant 0.000000e+00 : f32
      %broadcast_in_dim3A_90 = vector.broadcast %broadcast_in_dim3A_89 : f32 to vector<16xf32>
      %swap3A_91 = arith.index_cast %scan3A_41 : i32 to index
      %swap3A_92 = arith.constant 112 : index
      %swap3A_93 = tpu.vector_load %arg10[%swap3A_91, %swap3A_92] {strides = array<i32>} : memref<128x128xf32, #tpu.memory_space<vmem>>, vector<1x16xf32>,
      %swap3A_94 = vector.shape_cast %swap3A_93 : vector<1x16xf32> to vector<16xf32>
      %swap3A_95 = vector.shape_cast %broadcast_in_dim3A_90 : vector<16xf32> to vector<1x16xf32>
      tpu.vector_store %arg10[%swap3A_91, %swap3A_92], %swap3A_95 {strides = array<i32>} : memref<128x128xf32, #tpu.memory_space<vmem>>, vector<1x16xf32>,
    }
    %scan3A_5 = arith.constant 128 : i32
    %mul3A_6 = arith.constant 640 : i32
    %mul3A_7 = arith.muli %arg1, %mul3A_6 : i32
    %add3A_8 = arith.constant 0 : i32
    %add3A_9 = arith.addi %mul3A_7, %add3A_8 : i32
    "tpu.region"() ({
      %run_scoped3A = tpu.sem_alloc : memref<!tpu.dma_semaphore, #tpu.memory_space<semaphore_mem>>
      %dma_start3A = arith.constant 0 : i32
      %dma_start3A_41 = tpu.memref_slice %arg7[%add3A_9, %dma_start3A] : memref<10240x128xf32, #tpu.memory_space<vmem_shared>> -> memref<128x128xf32, #tpu.memory_space<vmem_shared>>
      %dma_start3A_42 = arith.constant 0 : i32
      %dma_start3A_43 = tpu.memref_slice %arg7[%add3A_9, %dma_start3A_42] : memref<10240x128xf32, #tpu.memory_space<vmem_shared>> -> memref<128x128xf32, #tpu.memory_space<vmem_shared>>
      tpu.enqueue_dma source(%arg10 : memref<128x128xf32, #tpu.memory_space<vmem>>) target(%dma_start3A_43 : memref<128x128xf32, #tpu.memory_space<vmem_shared>>) target_semaphore(%run_scoped3A : memref<!tpu.dma_semaphore, #tpu.memory_space<semaphore_mem>>)
      %dma_wait3A = arith.constant 0 : i32
      %dma_wait3A_44 = tpu.memref_slice %arg7[%add3A_9, %dma_wait3A] : memref<10240x128xf32, #tpu.memory_space<vmem_shared>> -> memref<128x128xf32, #tpu.memory_space<vmem_shared>>
      %dma_wait3A_45 = arith.constant 0 : i32
      %dma_wait3A_46 = tpu.memref_slice %arg7[%add3A_9, %dma_wait3A_45] : memref<10240x128xf32, #tpu.memory_space<vmem_shared>> -> memref<128x128xf32, #tpu.memory_space<vmem_shared>>
      tpu.wait_dma2 semaphore(%run_scoped3A : memref<!tpu.dma_semaphore, #tpu.memory_space<semaphore_mem>>) src(%arg10 : memref<128x128xf32, #tpu.memory_space<vmem>>) dst(%dma_wait3A_46 : memref<128x128xf32, #tpu.memory_space<vmem_shared>>)
      tpu.yield
    }) : () -> ()
    %mul3A_10 = arith.constant 640 : i32
    %mul3A_11 = arith.muli %arg1, %mul3A_10 : i32
    %add3A_12 = arith.constant 128 : i32
    %add3A_13 = arith.addi %mul3A_11, %add3A_12 : i32
    "tpu.region"() ({
      %run_scoped3A = tpu.sem_alloc : memref<!tpu.dma_semaphore, #tpu.memory_space<semaphore_mem>>
      %dma_start3A = arith.constant 0 : i32
      %dma_start3A_41 = tpu.memref_slice %arg7[%add3A_13, %dma_start3A] : memref<10240x128xf32, #tpu.memory_space<vmem_shared>> -> memref<128x128xf32, #tpu.memory_space<vmem_shared>>
      %dma_start3A_42 = arith.constant 0 : i32
      %dma_start3A_43 = tpu.memref_slice %arg7[%add3A_13, %dma_start3A_42] : memref<10240x128xf32, #tpu.memory_space<vmem_shared>> -> memref<128x128xf32, #tpu.memory_space<vmem_shared>>
      tpu.enqueue_dma source(%arg10 : memref<128x128xf32, #tpu.memory_space<vmem>>) target(%dma_start3A_43 : memref<128x128xf32, #tpu.memory_space<vmem_shared>>) target_semaphore(%run_scoped3A : memref<!tpu.dma_semaphore, #tpu.memory_space<semaphore_mem>>)
      %dma_wait3A = arith.constant 0 : i32
      %dma_wait3A_44 = tpu.memref_slice %arg7[%add3A_13, %dma_wait3A] : memref<10240x128xf32, #tpu.memory_space<vmem_shared>> -> memref<128x128xf32, #tpu.memory_space<vmem_shared>>
      %dma_wait3A_45 = arith.constant 0 : i32
      %dma_wait3A_46 = tpu.memref_slice %arg7[%add3A_13, %dma_wait3A_45] : memref<10240x128xf32, #tpu.memory_space<vmem_shared>> -> memref<128x128xf32, #tpu.memory_space<vmem_shared>>
      tpu.wait_dma2 semaphore(%run_scoped3A : memref<!tpu.dma_semaphore, #tpu.memory_space<semaphore_mem>>) src(%arg10 : memref<128x128xf32, #tpu.memory_space<vmem>>) dst(%dma_wait3A_46 : memref<128x128xf32, #tpu.memory_space<vmem_shared>>)
      tpu.yield
    }) : () -> ()
    %mul3A_14 = arith.constant 640 : i32
    %mul3A_15 = arith.muli %arg1, %mul3A_14 : i32
    %add3A_16 = arith.constant 256 : i32
    %add3A_17 = arith.addi %mul3A_15, %add3A_16 : i32
    "tpu.region"() ({
      %run_scoped3A = tpu.sem_alloc : memref<!tpu.dma_semaphore, #tpu.memory_space<semaphore_mem>>
      %dma_start3A = arith.constant 0 : i32
      %dma_start3A_41 = tpu.memref_slice %arg7[%add3A_17, %dma_start3A] : memref<10240x128xf32, #tpu.memory_space<vmem_shared>> -> memref<128x128xf32, #tpu.memory_space<vmem_shared>>
      %dma_start3A_42 = arith.constant 0 : i32
      %dma_start3A_43 = tpu.memref_slice %arg7[%add3A_17, %dma_start3A_42] : memref<10240x128xf32, #tpu.memory_space<vmem_shared>> -> memref<128x128xf32, #tpu.memory_space<vmem_shared>>
      tpu.enqueue_dma source(%arg10 : memref<128x128xf32, #tpu.memory_space<vmem>>) target(%dma_start3A_43 : memref<128x128xf32, #tpu.memory_space<vmem_shared>>) target_semaphore(%run_scoped3A : memref<!tpu.dma_semaphore, #tpu.memory_space<semaphore_mem>>)
      %dma_wait3A = arith.constant 0 : i32
      %dma_wait3A_44 = tpu.memref_slice %arg7[%add3A_17, %dma_wait3A] : memref<10240x128xf32, #tpu.memory_space<vmem_shared>> -> memref<128x128xf32, #tpu.memory_space<vmem_shared>>
      %dma_wait3A_45 = arith.constant 0 : i32
      %dma_wait3A_46 = tpu.memref_slice %arg7[%add3A_17, %dma_wait3A_45] : memref<10240x128xf32, #tpu.memory_space<vmem_shared>> -> memref<128x128xf32, #tpu.memory_space<vmem_shared>>
      tpu.wait_dma2 semaphore(%run_scoped3A : memref<!tpu.dma_semaphore, #tpu.memory_space<semaphore_mem>>) src(%arg10 : memref<128x128xf32, #tpu.memory_space<vmem>>) dst(%dma_wait3A_46 : memref<128x128xf32, #tpu.memory_space<vmem_shared>>)
      tpu.yield
    }) : () -> ()
    %mul3A_18 = arith.constant 640 : i32
    %mul3A_19 = arith.muli %arg1, %mul3A_18 : i32
    %add3A_20 = arith.constant 384 : i32
    %add3A_21 = arith.addi %mul3A_19, %add3A_20 : i32
    "tpu.region"() ({
      %run_scoped3A = tpu.sem_alloc : memref<!tpu.dma_semaphore, #tpu.memory_space<semaphore_mem>>
      %dma_start3A = arith.constant 0 : i32
      %dma_start3A_41 = tpu.memref_slice %arg7[%add3A_21, %dma_start3A] : memref<10240x128xf32, #tpu.memory_space<vmem_shared>> -> memref<128x128xf32, #tpu.memory_space<vmem_shared>>
      %dma_start3A_42 = arith.constant 0 : i32
      %dma_start3A_43 = tpu.memref_slice %arg7[%add3A_21, %dma_start3A_42] : memref<10240x128xf32, #tpu.memory_space<vmem_shared>> -> memref<128x128xf32, #tpu.memory_space<vmem_shared>>
      tpu.enqueue_dma source(%arg10 : memref<128x128xf32, #tpu.memory_space<vmem>>) target(%dma_start3A_43 : memref<128x128xf32, #tpu.memory_space<vmem_shared>>) target_semaphore(%run_scoped3A : memref<!tpu.dma_semaphore, #tpu.memory_space<semaphore_mem>>)
      %dma_wait3A = arith.constant 0 : i32
      %dma_wait3A_44 = tpu.memref_slice %arg7[%add3A_21, %dma_wait3A] : memref<10240x128xf32, #tpu.memory_space<vmem_shared>> -> memref<128x128xf32, #tpu.memory_space<vmem_shared>>
      %dma_wait3A_45 = arith.constant 0 : i32
      %dma_wait3A_46 = tpu.memref_slice %arg7[%add3A_21, %dma_wait3A_45] : memref<10240x128xf32, #tpu.memory_space<vmem_shared>> -> memref<128x128xf32, #tpu.memory_space<vmem_shared>>
      tpu.wait_dma2 semaphore(%run_scoped3A : memref<!tpu.dma_semaphore, #tpu.memory_space<semaphore_mem>>) src(%arg10 : memref<128x128xf32, #tpu.memory_space<vmem>>) dst(%dma_wait3A_46 : memref<128x128xf32, #tpu.memory_space<vmem_shared>>)
      tpu.yield
    }) : () -> ()
    %mul3A_22 = arith.constant 640 : i32
    %mul3A_23 = arith.muli %arg1, %mul3A_22 : i32
    %add3A_24 = arith.constant 512 : i32
    %add3A_25 = arith.addi %mul3A_23, %add3A_24 : i32
    "tpu.region"() ({
      %run_scoped3A = tpu.sem_alloc : memref<!tpu.dma_semaphore, #tpu.memory_space<semaphore_mem>>
      %dma_start3A = arith.constant 0 : i32
      %dma_start3A_41 = tpu.memref_slice %arg7[%add3A_25, %dma_start3A] : memref<10240x128xf32, #tpu.memory_space<vmem_shared>> -> memref<128x128xf32, #tpu.memory_space<vmem_shared>>
      %dma_start3A_42 = arith.constant 0 : i32
      %dma_start3A_43 = tpu.memref_slice %arg7[%add3A_25, %dma_start3A_42] : memref<10240x128xf32, #tpu.memory_space<vmem_shared>> -> memref<128x128xf32, #tpu.memory_space<vmem_shared>>
      tpu.enqueue_dma source(%arg10 : memref<128x128xf32, #tpu.memory_space<vmem>>) target(%dma_start3A_43 : memref<128x128xf32, #tpu.memory_space<vmem_shared>>) target_semaphore(%run_scoped3A : memref<!tpu.dma_semaphore, #tpu.memory_space<semaphore_mem>>)
      %dma_wait3A = arith.constant 0 : i32
      %dma_wait3A_44 = tpu.memref_slice %arg7[%add3A_25, %dma_wait3A] : memref<10240x128xf32, #tpu.memory_space<vmem_shared>> -> memref<128x128xf32, #tpu.memory_space<vmem_shared>>
      %dma_wait3A_45 = arith.constant 0 : i32
      %dma_wait3A_46 = tpu.memref_slice %arg7[%add3A_25, %dma_wait3A_45] : memref<10240x128xf32, #tpu.memory_space<vmem_shared>> -> memref<128x128xf32, #tpu.memory_space<vmem_shared>>
      tpu.wait_dma2 semaphore(%run_scoped3A : memref<!tpu.dma_semaphore, #tpu.memory_space<semaphore_mem>>) src(%arg10 : memref<128x128xf32, #tpu.memory_space<vmem>>) dst(%dma_wait3A_46 : memref<128x128xf32, #tpu.memory_space<vmem_shared>>)
      tpu.yield
    }) : () -> ()
    %barrier3A = arith.constant 0 : index
    tpu.barrier barrier_id(%barrier3A)
    %mul3A_26 = arith.constant 10240 : i32
    %mul3A_27 = arith.muli %add3A, %mul3A_26 : i32
    %scan3A_28 = arith.constant 0 : i32
    %scan3A_29 = arith.constant 0 : i32
    %scan3A_30 = arith.constant 80 : i32
    %scan3A_31 = arith.addi %scan3A_29, %scan3A_30 : i32
    %scan3A_32 = arith.constant 1 : i32
    scf.for %scan3A_41 = %scan3A_29 to %scan3A_31 step %scan3A_32  : i32 {
      %mul3A_42 = arith.constant 128 : i32
      %mul3A_43 = arith.muli %scan3A_41, %mul3A_42 : i32
      %add3A_44 = arith.addi %mul3A_27, %mul3A_43 : i32
      "tpu.region"() ({
        %run_scoped3A = tpu.sem_alloc : memref<!tpu.dma_semaphore, #tpu.memory_space<semaphore_mem>>
        %dma_start3A_49 = tpu.memref_slice %arg3[%add3A_44] : memref<327680xi32, #tpu.memory_space<hbm>> -> memref<128xi32, #tpu.memory_space<hbm>>
        %dma_start3A_50 = tpu.memref_slice %arg3[%add3A_44] : memref<327680xi32, #tpu.memory_space<hbm>> -> memref<128xi32, #tpu.memory_space<hbm>>
        tpu.enqueue_dma source(%dma_start3A_50 : memref<128xi32, #tpu.memory_space<hbm>>) target(%arg9 : memref<128xi32, #tpu.memory_space<vmem>>) target_semaphore(%run_scoped3A : memref<!tpu.dma_semaphore, #tpu.memory_space<semaphore_mem>>)
        %dma_wait3A_51 = tpu.memref_slice %arg3[%add3A_44] : memref<327680xi32, #tpu.memory_space<hbm>> -> memref<128xi32, #tpu.memory_space<hbm>>
        %dma_wait3A_52 = tpu.memref_slice %arg3[%add3A_44] : memref<327680xi32, #tpu.memory_space<hbm>> -> memref<128xi32, #tpu.memory_space<hbm>>
        tpu.wait_dma2 semaphore(%run_scoped3A : memref<!tpu.dma_semaphore, #tpu.memory_space<semaphore_mem>>) src(%dma_wait3A_52 : memref<128xi32, #tpu.memory_space<hbm>>) dst(%arg9 : memref<128xi32, #tpu.memory_space<vmem>>)
        tpu.yield
      }) : () -> ()
      "tpu.region"() ({
        %run_scoped3A = tpu.sem_alloc : memref<!tpu.dma_semaphore, #tpu.memory_space<semaphore_mem>>
        %dma_start3A_49 = tpu.memref_slice %arg4[%add3A_44] : memref<327680xi32, #tpu.memory_space<hbm>> -> memref<128xi32, #tpu.memory_space<hbm>>
        %dma_start3A_50 = tpu.memref_slice %arg4[%add3A_44] : memref<327680xi32, #tpu.memory_space<hbm>> -> memref<128xi32, #tpu.memory_space<hbm>>
        tpu.enqueue_dma source(%dma_start3A_50 : memref<128xi32, #tpu.memory_space<hbm>>) target(%arg8 : memref<128xi32, #tpu.memory_space<vmem>>) target_semaphore(%run_scoped3A : memref<!tpu.dma_semaphore, #tpu.memory_space<semaphore_mem>>)
        %dma_wait3A_51 = tpu.memref_slice %arg4[%add3A_44] : memref<327680xi32, #tpu.memory_space<hbm>> -> memref<128xi32, #tpu.memory_space<hbm>>
        %dma_wait3A_52 = tpu.memref_slice %arg4[%add3A_44] : memref<327680xi32, #tpu.memory_space<hbm>> -> memref<128xi32, #tpu.memory_space<hbm>>
        tpu.wait_dma2 semaphore(%run_scoped3A : memref<!tpu.dma_semaphore, #tpu.memory_space<semaphore_mem>>) src(%dma_wait3A_52 : memref<128xi32, #tpu.memory_space<hbm>>) dst(%arg8 : memref<128xi32, #tpu.memory_space<vmem>>)
        tpu.yield
      }) : () -> ()
      %dma_start3A = arith.constant 0 : i32
      %dma_start3A_45 = arith.constant 0 : i32
      %dma_start3A_46 = tpu.memref_slice %arg2[%dma_start3A, %dma_start3A_45] : memref<10240x128xf32, #tpu.memory_space<hbm>> -> memref<10240x128xf32, #tpu.memory_space<hbm>>
      tpu.enqueue_indirect_dma source(%dma_start3A_46 : memref<10240x128xf32, #tpu.memory_space<hbm>>) target(%arg10 : memref<128x128xf32, #tpu.memory_space<vmem>>) offsets(%arg9 : memref<128xi32, #tpu.memory_space<vmem>>) semaphore(%arg11 : memref<!tpu.dma_semaphore, #tpu.memory_space<semaphore_mem>>)
      %dma_wait3A = arith.constant 0 : i32
      %dma_wait3A_47 = arith.constant 0 : i32
      %dma_wait3A_48 = tpu.memref_slice %arg2[%dma_wait3A, %dma_wait3A_47] : memref<10240x128xf32, #tpu.memory_space<hbm>> -> memref<10240x128xf32, #tpu.memory_space<hbm>>
      tpu.wait_indirect_dma semaphore(%arg11 : memref<!tpu.dma_semaphore, #tpu.memory_space<semaphore_mem>>) src(%dma_wait3A_48 : memref<10240x128xf32, #tpu.memory_space<hbm>>) dst(%arg10 : memref<128x128xf32, #tpu.memory_space<vmem>>)
      "tpu.region"() ({
        %run_scoped3A = tpu.sem_alloc : memref<!tpu.dma_semaphore, #tpu.memory_space<semaphore_mem>>
        %dma_start3A_49 = arith.constant 0 : i32
        %dma_start3A_50 = arith.constant 0 : i32
        %dma_start3A_51 = tpu.memref_slice %arg7[%dma_start3A_49, %dma_start3A_50] : memref<10240x128xf32, #tpu.memory_space<vmem_shared>> -> memref<10240x128xf32, #tpu.memory_space<vmem_shared>>
        tpu.enqueue_indirect_dma source(%arg10 : memref<128x128xf32, #tpu.memory_space<vmem>>) target(%dma_start3A_51 : memref<10240x128xf32, #tpu.memory_space<vmem_shared>>) offsets(%arg8 : memref<128xi32, #tpu.memory_space<vmem>>) semaphore(%run_scoped3A : memref<!tpu.dma_semaphore, #tpu.memory_space<semaphore_mem>>) {add = true}
        %dma_wait3A_52 = arith.constant 0 : i32
        %dma_wait3A_53 = arith.constant 0 : i32
        %dma_wait3A_54 = tpu.memref_slice %arg7[%dma_wait3A_52, %dma_wait3A_53] : memref<10240x128xf32, #tpu.memory_space<vmem_shared>> -> memref<10240x128xf32, #tpu.memory_space<vmem_shared>>
        tpu.wait_indirect_dma semaphore(%run_scoped3A : memref<!tpu.dma_semaphore, #tpu.memory_space<semaphore_mem>>) src(%arg10 : memref<128x128xf32, #tpu.memory_space<vmem>>) dst(%dma_wait3A_54 : memref<10240x128xf32, #tpu.memory_space<vmem_shared>>)
        tpu.yield
      }) : () -> ()
    }
    %scan3A_33 = arith.constant 80 : i32
    %barrier3A_34 = arith.constant 0 : index
    tpu.barrier barrier_id(%barrier3A_34)
    %scan3A_35 = arith.constant 0 : i32
    %scan3A_36 = arith.constant 0 : i32
    %scan3A_37 = arith.constant 5 : i32
    %scan3A_38 = arith.addi %scan3A_36, %scan3A_37 : i32
    %scan3A_39 = arith.constant 1 : i32
    scf.for %scan3A_41 = %scan3A_36 to %scan3A_38 step %scan3A_39  : i32 {
      %mul3A_42 = arith.constant 640 : i32
      %mul3A_43 = arith.muli %arg1, %mul3A_42 : i32
      %mul3A_44 = arith.constant 128 : i32
      %mul3A_45 = arith.muli %scan3A_41, %mul3A_44 : i32
      %add3A_46 = arith.addi %mul3A_43, %mul3A_45 : i32
      "tpu.region"() ({
        %run_scoped3A = tpu.sem_alloc : memref<!tpu.dma_semaphore, #tpu.memory_space<semaphore_mem>>
        %dma_start3A = arith.constant 0 : i32
        %dma_start3A_54 = tpu.memref_slice %arg7[%add3A_46, %dma_start3A] : memref<10240x128xf32, #tpu.memory_space<vmem_shared>> -> memref<128x128xf32, #tpu.memory_space<vmem_shared>>
        %dma_start3A_55 = arith.constant 0 : i32
        %dma_start3A_56 = tpu.memref_slice %arg7[%add3A_46, %dma_start3A_55] : memref<10240x128xf32, #tpu.memory_space<vmem_shared>> -> memref<128x128xf32, #tpu.memory_space<vmem_shared>>
        tpu.enqueue_dma source(%dma_start3A_56 : memref<128x128xf32, #tpu.memory_space<vmem_shared>>) target(%arg10 : memref<128x128xf32, #tpu.memory_space<vmem>>) target_semaphore(%run_scoped3A : memref<!tpu.dma_semaphore, #tpu.memory_space<semaphore_mem>>)
        %dma_wait3A = arith.constant 0 : i32
        %dma_wait3A_57 = tpu.memref_slice %arg7[%add3A_46, %dma_wait3A] : memref<10240x128xf32, #tpu.memory_space<vmem_shared>> -> memref<128x128xf32, #tpu.memory_space<vmem_shared>>
        %dma_wait3A_58 = arith.constant 0 : i32
        %dma_wait3A_59 = tpu.memref_slice %arg7[%add3A_46, %dma_wait3A_58] : memref<10240x128xf32, #tpu.memory_space<vmem_shared>> -> memref<128x128xf32, #tpu.memory_space<vmem_shared>>
        tpu.wait_dma2 semaphore(%run_scoped3A : memref<!tpu.dma_semaphore, #tpu.memory_space<semaphore_mem>>) src(%dma_wait3A_59 : memref<128x128xf32, #tpu.memory_space<vmem_shared>>) dst(%arg10 : memref<128x128xf32, #tpu.memory_space<vmem>>)
        tpu.yield
      }) : () -> ()
      %eq3A = arith.constant 0 : i32
      %eq3A_47 = arith.cmpi eq, %arg0, %eq3A : i32
      %convert_element_type3A = arith.extui %eq3A_47 : i1 to i32
      %cond3A = arith.constant 0 : i32
      %cond3A_48 = arith.cmpi ne, %convert_element_type3A, %cond3A : i32
      scf.if %cond3A_48 {
        "tpu.region"() ({
          %run_scoped3A = tpu.sem_alloc : memref<!tpu.dma_semaphore, #tpu.memory_space<semaphore_mem>>
          %dma_start3A = arith.constant 0 : i32
          %dma_start3A_54 = tpu.memref_slice %arg5[%add3A_46, %dma_start3A] : memref<10240x128xf32, #tpu.memory_space<hbm>> -> memref<128x128xf32, #tpu.memory_space<hbm>>
          %dma_start3A_55 = arith.constant 0 : i32
          %dma_start3A_56 = tpu.memref_slice %arg5[%add3A_46, %dma_start3A_55] : memref<10240x128xf32, #tpu.memory_space<hbm>> -> memref<128x128xf32, #tpu.memory_space<hbm>>
          tpu.enqueue_dma source(%arg10 : memref<128x128xf32, #tpu.memory_space<vmem>>) target(%dma_start3A_56 : memref<128x128xf32, #tpu.memory_space<hbm>>) target_semaphore(%run_scoped3A : memref<!tpu.dma_semaphore, #tpu.memory_space<semaphore_mem>>)
          %dma_wait3A = arith.constant 0 : i32
          %dma_wait3A_57 = tpu.memref_slice %arg5[%add3A_46, %dma_wait3A] : memref<10240x128xf32, #tpu.memory_space<hbm>> -> memref<128x128xf32, #tpu.memory_space<hbm>>
          %dma_wait3A_58 = arith.constant 0 : i32
          %dma_wait3A_59 = tpu.memref_slice %arg5[%add3A_46, %dma_wait3A_58] : memref<10240x128xf32, #tpu.memory_space<hbm>> -> memref<128x128xf32, #tpu.memory_space<hbm>>
          tpu.wait_dma2 semaphore(%run_scoped3A : memref<!tpu.dma_semaphore, #tpu.memory_space<semaphore_mem>>) src(%arg10 : memref<128x128xf32, #tpu.memory_space<vmem>>) dst(%dma_wait3A_59 : memref<128x128xf32, #tpu.memory_space<hbm>>)
          tpu.yield
        }) : () -> ()
      } else {
      }
      %eq3A_49 = arith.constant 1 : i32
      %eq3A_50 = arith.cmpi eq, %arg0, %eq3A_49 : i32
      %convert_element_type3A_51 = arith.extui %eq3A_50 : i1 to i32
      %cond3A_52 = arith.constant 0 : i32
      %cond3A_53 = arith.cmpi ne, %convert_element_type3A_51, %cond3A_52 : i32
      scf.if %cond3A_53 {
        "tpu.region"() ({
          %run_scoped3A = tpu.sem_alloc : memref<!tpu.dma_semaphore, #tpu.memory_space<semaphore_mem>>
          %dma_start3A = arith.constant 0 : i32
          %dma_start3A_54 = tpu.memref_slice %arg6[%add3A_46, %dma_start3A] : memref<10240x128xf32, #tpu.memory_space<hbm>> -> memref<128x128xf32, #tpu.memory_space<hbm>>
          %dma_start3A_55 = arith.constant 0 : i32
          %dma_start3A_56 = tpu.memref_slice %arg6[%add3A_46, %dma_start3A_55] : memref<10240x128xf32, #tpu.memory_space<hbm>> -> memref<128x128xf32, #tpu.memory_space<hbm>>
          tpu.enqueue_dma source(%arg10 : memref<128x128xf32, #tpu.memory_space<vmem>>) target(%dma_start3A_56 : memref<128x128xf32, #tpu.memory_space<hbm>>) target_semaphore(%run_scoped3A : memref<!tpu.dma_semaphore, #tpu.memory_space<semaphore_mem>>)
          %dma_wait3A = arith.constant 0 : i32
          %dma_wait3A_57 = tpu.memref_slice %arg6[%add3A_46, %dma_wait3A] : memref<10240x128xf32, #tpu.memory_space<hbm>> -> memref<128x128xf32, #tpu.memory_space<hbm>>
          %dma_wait3A_58 = arith.constant 0 : i32
          %dma_wait3A_59 = tpu.memref_slice %arg6[%add3A_46, %dma_wait3A_58] : memref<10240x128xf32, #tpu.memory_space<hbm>> -> memref<128x128xf32, #tpu.memory_space<hbm>>
          tpu.wait_dma2 semaphore(%run_scoped3A : memref<!tpu.dma_semaphore, #tpu.memory_space<semaphore_mem>>) src(%arg10 : memref<128x128xf32, #tpu.memory_space<vmem>>) dst(%dma_wait3A_59 : memref<128x128xf32, #tpu.memory_space<hbm>>)
          tpu.yield
        }) : () -> ()
      } else {
      }
    }
    %scan3A_40 = arith.constant 5 : i32
    return
  }
}

#map = affine_map<(d0, d1) -> (0, 0)>
#map1 = affine_map<(d0, d1) -> (0)>
module attributes {stable_mosaic.version = 14 : i64} {
  func.func @k(%arg0: i32, %arg1: i32, %arg2: memref<10240x256xf32, #tpu.memory_space<hbm>>, %arg3: memref<10240x256xf32, #tpu.memory_space<hbm>>, %arg4: memref<327680xi32, #tpu.memory_space<hbm>>, %arg5: memref<327680xi32, #tpu.memory_space<hbm>>, %arg6: memref<327680x256xf32, #tpu.memory_space<hbm>>, %arg7: memref<327680x256xf32, #tpu.memory_space<hbm>>, %arg8: memref<128x256xf32, #tpu.memory_space<vmem>>, %arg9: memref<128x256xf32, #tpu.memory_space<vmem>>, %arg10: memref<128xi32, #tpu.memory_space<vmem>>, %arg11: memref<128xi32, #tpu.memory_space<vmem>>, %arg12: memref<!tpu.dma_semaphore, #tpu.memory_space<semaphore_mem>>, %arg13: memref<!tpu.dma_semaphore, #tpu.memory_space<semaphore_mem>>) attributes {dimension_semantics = [#tpu.dimension_semantics<core_parallel>, #tpu.dimension_semantics<subcore_parallel>], iteration_bounds = array<i64: 2, 16>, scalar_prefetch = 0 : i64, scratch_operands = 6 : i64, tpu.core_type = #tpu.core_type<sc_vector_subcore>, window_params = [{transform_indices = #map}, {transform_indices = #map}, {transform_indices = #map1}, {transform_indices = #map1}, {transform_indices = #map}, {transform_indices = #map}]} {
    %mul3A = arith.constant 2 : i32
    %mul3A_0 = arith.muli %arg1, %mul3A : i32
    %add3A = arith.addi %mul3A_0, %arg0 : i32
    %mul3A_1 = arith.constant 10240 : i32
    %mul3A_2 = arith.muli %add3A, %mul3A_1 : i32
    %scan3A = arith.constant 0 : i32
    %scan3A_3 = arith.constant 0 : i32
    %scan3A_4 = arith.constant 80 : i32
    %scan3A_5 = arith.addi %scan3A_3, %scan3A_4 : i32
    %scan3A_6 = arith.constant 1 : i32
    scf.for %scan3A_8 = %scan3A_3 to %scan3A_5 step %scan3A_6  : i32 {
      %mul3A_9 = arith.constant 128 : i32
      %mul3A_10 = arith.muli %scan3A_8, %mul3A_9 : i32
      %add3A_11 = arith.addi %mul3A_2, %mul3A_10 : i32
      "tpu.region"() ({
        %run_scoped3A = tpu.sem_alloc : memref<!tpu.dma_semaphore, #tpu.memory_space<semaphore_mem>>
        %dma_start3A_22 = tpu.memref_slice %arg4[%add3A_11] : memref<327680xi32, #tpu.memory_space<hbm>> -> memref<128xi32, #tpu.memory_space<hbm>>
        %dma_start3A_23 = tpu.memref_slice %arg4[%add3A_11] : memref<327680xi32, #tpu.memory_space<hbm>> -> memref<128xi32, #tpu.memory_space<hbm>>
        tpu.enqueue_dma source(%dma_start3A_23 : memref<128xi32, #tpu.memory_space<hbm>>) target(%arg11 : memref<128xi32, #tpu.memory_space<vmem>>) target_semaphore(%run_scoped3A : memref<!tpu.dma_semaphore, #tpu.memory_space<semaphore_mem>>)
        %dma_wait3A_24 = tpu.memref_slice %arg4[%add3A_11] : memref<327680xi32, #tpu.memory_space<hbm>> -> memref<128xi32, #tpu.memory_space<hbm>>
        %dma_wait3A_25 = tpu.memref_slice %arg4[%add3A_11] : memref<327680xi32, #tpu.memory_space<hbm>> -> memref<128xi32, #tpu.memory_space<hbm>>
        tpu.wait_dma2 semaphore(%run_scoped3A : memref<!tpu.dma_semaphore, #tpu.memory_space<semaphore_mem>>) src(%dma_wait3A_25 : memref<128xi32, #tpu.memory_space<hbm>>) dst(%arg11 : memref<128xi32, #tpu.memory_space<vmem>>)
        tpu.yield
      }) : () -> ()
      "tpu.region"() ({
        %run_scoped3A = tpu.sem_alloc : memref<!tpu.dma_semaphore, #tpu.memory_space<semaphore_mem>>
        %dma_start3A_22 = tpu.memref_slice %arg5[%add3A_11] : memref<327680xi32, #tpu.memory_space<hbm>> -> memref<128xi32, #tpu.memory_space<hbm>>
        %dma_start3A_23 = tpu.memref_slice %arg5[%add3A_11] : memref<327680xi32, #tpu.memory_space<hbm>> -> memref<128xi32, #tpu.memory_space<hbm>>
        tpu.enqueue_dma source(%dma_start3A_23 : memref<128xi32, #tpu.memory_space<hbm>>) target(%arg10 : memref<128xi32, #tpu.memory_space<vmem>>) target_semaphore(%run_scoped3A : memref<!tpu.dma_semaphore, #tpu.memory_space<semaphore_mem>>)
        %dma_wait3A_24 = tpu.memref_slice %arg5[%add3A_11] : memref<327680xi32, #tpu.memory_space<hbm>> -> memref<128xi32, #tpu.memory_space<hbm>>
        %dma_wait3A_25 = tpu.memref_slice %arg5[%add3A_11] : memref<327680xi32, #tpu.memory_space<hbm>> -> memref<128xi32, #tpu.memory_space<hbm>>
        tpu.wait_dma2 semaphore(%run_scoped3A : memref<!tpu.dma_semaphore, #tpu.memory_space<semaphore_mem>>) src(%dma_wait3A_25 : memref<128xi32, #tpu.memory_space<hbm>>) dst(%arg10 : memref<128xi32, #tpu.memory_space<vmem>>)
        tpu.yield
      }) : () -> ()
      %dma_start3A = arith.constant 0 : i32
      %dma_start3A_12 = arith.constant 0 : i32
      %dma_start3A_13 = tpu.memref_slice %arg2[%dma_start3A, %dma_start3A_12] : memref<10240x256xf32, #tpu.memory_space<hbm>> -> memref<10240x256xf32, #tpu.memory_space<hbm>>
      tpu.enqueue_indirect_dma source(%dma_start3A_13 : memref<10240x256xf32, #tpu.memory_space<hbm>>) target(%arg8 : memref<128x256xf32, #tpu.memory_space<vmem>>) offsets(%arg11 : memref<128xi32, #tpu.memory_space<vmem>>) semaphore(%arg12 : memref<!tpu.dma_semaphore, #tpu.memory_space<semaphore_mem>>)
      %dma_wait3A = arith.constant 0 : i32
      %dma_wait3A_14 = arith.constant 0 : i32
      %dma_wait3A_15 = tpu.memref_slice %arg2[%dma_wait3A, %dma_wait3A_14] : memref<10240x256xf32, #tpu.memory_space<hbm>> -> memref<10240x256xf32, #tpu.memory_space<hbm>>
      tpu.wait_indirect_dma semaphore(%arg12 : memref<!tpu.dma_semaphore, #tpu.memory_space<semaphore_mem>>) src(%dma_wait3A_15 : memref<10240x256xf32, #tpu.memory_space<hbm>>) dst(%arg8 : memref<128x256xf32, #tpu.memory_space<vmem>>)
      "tpu.region"() ({
        %run_scoped3A = tpu.sem_alloc : memref<!tpu.dma_semaphore, #tpu.memory_space<semaphore_mem>>
        %dma_start3A_22 = arith.constant 0 : i32
        %dma_start3A_23 = tpu.memref_slice %arg6[%add3A_11, %dma_start3A_22] : memref<327680x256xf32, #tpu.memory_space<hbm>> -> memref<128x256xf32, #tpu.memory_space<hbm>>
        %dma_start3A_24 = arith.constant 0 : i32
        %dma_start3A_25 = tpu.memref_slice %arg6[%add3A_11, %dma_start3A_24] : memref<327680x256xf32, #tpu.memory_space<hbm>> -> memref<128x256xf32, #tpu.memory_space<hbm>>
        tpu.enqueue_dma source(%arg8 : memref<128x256xf32, #tpu.memory_space<vmem>>) target(%dma_start3A_25 : memref<128x256xf32, #tpu.memory_space<hbm>>) target_semaphore(%run_scoped3A : memref<!tpu.dma_semaphore, #tpu.memory_space<semaphore_mem>>)
        %dma_wait3A_26 = arith.constant 0 : i32
        %dma_wait3A_27 = tpu.memref_slice %arg6[%add3A_11, %dma_wait3A_26] : memref<327680x256xf32, #tpu.memory_space<hbm>> -> memref<128x256xf32, #tpu.memory_space<hbm>>
        %dma_wait3A_28 = arith.constant 0 : i32
        %dma_wait3A_29 = tpu.memref_slice %arg6[%add3A_11, %dma_wait3A_28] : memref<327680x256xf32, #tpu.memory_space<hbm>> -> memref<128x256xf32, #tpu.memory_space<hbm>>
        tpu.wait_dma2 semaphore(%run_scoped3A : memref<!tpu.dma_semaphore, #tpu.memory_space<semaphore_mem>>) src(%arg8 : memref<128x256xf32, #tpu.memory_space<vmem>>) dst(%dma_wait3A_29 : memref<128x256xf32, #tpu.memory_space<hbm>>)
        tpu.yield
      }) : () -> ()
      %dma_start3A_16 = arith.constant 0 : i32
      %dma_start3A_17 = arith.constant 0 : i32
      %dma_start3A_18 = tpu.memref_slice %arg3[%dma_start3A_16, %dma_start3A_17] : memref<10240x256xf32, #tpu.memory_space<hbm>> -> memref<10240x256xf32, #tpu.memory_space<hbm>>
      tpu.enqueue_indirect_dma source(%dma_start3A_18 : memref<10240x256xf32, #tpu.memory_space<hbm>>) target(%arg9 : memref<128x256xf32, #tpu.memory_space<vmem>>) offsets(%arg10 : memref<128xi32, #tpu.memory_space<vmem>>) semaphore(%arg13 : memref<!tpu.dma_semaphore, #tpu.memory_space<semaphore_mem>>)
      %dma_wait3A_19 = arith.constant 0 : i32
      %dma_wait3A_20 = arith.constant 0 : i32
      %dma_wait3A_21 = tpu.memref_slice %arg3[%dma_wait3A_19, %dma_wait3A_20] : memref<10240x256xf32, #tpu.memory_space<hbm>> -> memref<10240x256xf32, #tpu.memory_space<hbm>>
      tpu.wait_indirect_dma semaphore(%arg13 : memref<!tpu.dma_semaphore, #tpu.memory_space<semaphore_mem>>) src(%dma_wait3A_21 : memref<10240x256xf32, #tpu.memory_space<hbm>>) dst(%arg9 : memref<128x256xf32, #tpu.memory_space<vmem>>)
      "tpu.region"() ({
        %run_scoped3A = tpu.sem_alloc : memref<!tpu.dma_semaphore, #tpu.memory_space<semaphore_mem>>
        %dma_start3A_22 = arith.constant 0 : i32
        %dma_start3A_23 = tpu.memref_slice %arg7[%add3A_11, %dma_start3A_22] : memref<327680x256xf32, #tpu.memory_space<hbm>> -> memref<128x256xf32, #tpu.memory_space<hbm>>
        %dma_start3A_24 = arith.constant 0 : i32
        %dma_start3A_25 = tpu.memref_slice %arg7[%add3A_11, %dma_start3A_24] : memref<327680x256xf32, #tpu.memory_space<hbm>> -> memref<128x256xf32, #tpu.memory_space<hbm>>
        tpu.enqueue_dma source(%arg9 : memref<128x256xf32, #tpu.memory_space<vmem>>) target(%dma_start3A_25 : memref<128x256xf32, #tpu.memory_space<hbm>>) target_semaphore(%run_scoped3A : memref<!tpu.dma_semaphore, #tpu.memory_space<semaphore_mem>>)
        %dma_wait3A_26 = arith.constant 0 : i32
        %dma_wait3A_27 = tpu.memref_slice %arg7[%add3A_11, %dma_wait3A_26] : memref<327680x256xf32, #tpu.memory_space<hbm>> -> memref<128x256xf32, #tpu.memory_space<hbm>>
        %dma_wait3A_28 = arith.constant 0 : i32
        %dma_wait3A_29 = tpu.memref_slice %arg7[%add3A_11, %dma_wait3A_28] : memref<327680x256xf32, #tpu.memory_space<hbm>> -> memref<128x256xf32, #tpu.memory_space<hbm>>
        tpu.wait_dma2 semaphore(%run_scoped3A : memref<!tpu.dma_semaphore, #tpu.memory_space<semaphore_mem>>) src(%arg9 : memref<128x256xf32, #tpu.memory_space<vmem>>) dst(%dma_wait3A_29 : memref<128x256xf32, #tpu.memory_space<hbm>>)
        tpu.yield
      }) : () -> ()
    }
    %scan3A_7 = arith.constant 80 : i32
    return
  }
}

module attributes {stable_mosaic.version = 14 : i64} {
  func.func @body(%arg0: i32, %arg1: memref<256x128xf32, #tpu.memory_space<vmem>>, %arg2: memref<128x128xf32, #tpu.memory_space<vmem>>, %arg3: memref<256x16xf32, #tpu.memory_space<vmem>>, %arg4: memref<256x16xf32, #tpu.memory_space<vmem>>, %arg5: memref<256x128xf32, #tpu.memory_space<vmem>>, %arg6: memref<256x8xf32, #tpu.memory_space<vmem>>) attributes {dimension_semantics = [#tpu.dimension_semantics<arbitrary>], iteration_bounds = array<i64: 40>, scalar_prefetch = 0 : i64, scratch_operands = 0 : i64, tpu.core_type = #tpu.core_type<tc>, window_params = [{transform_indices = @transform_0, window_bounds = array<i64: 256, 128>}, {pipeline_mode = #tpu.pipeline_mode<synchronous>, transform_indices = @transform_1, window_bounds = array<i64: 128, 128>}, {transform_indices = @transform_2, window_bounds = array<i64: 256, 16>}, {transform_indices = @transform_3, window_bounds = array<i64: 256, 16>}, {transform_indices = @transform_4, window_bounds = array<i64: 256, 128>}, {transform_indices = @transform_5, window_bounds = array<i64: 256, 8>}]} {
    %get3A = arith.constant 0 : index
    %get3A_0 = arith.constant 0 : index
    %get3A_1 = vector.load %arg1[%get3A, %get3A_0] : memref<256x128xf32, #tpu.memory_space<vmem>>, vector<256x128xf32>
    %get3A_2 = arith.constant 0 : index
    %get3A_3 = arith.constant 0 : index
    %get3A_4 = vector.load %arg2[%get3A_2, %get3A_3] : memref<128x128xf32, #tpu.memory_space<vmem>>, vector<128x128xf32>
    %dot_general3A = arith.constant dense<0.000000e+00> : vector<256x128xf32>
    %dot_general3A_5 = tpu.matmul %get3A_1, %get3A_4, %dot_general3A {dimension_numbers = #tpu.dot_dimension_numbers<[1], [1], [0], [0], [0, 0, 1, 0], [], []>, transpose_lhs_hint = false} : vector<256x128xf32>, vector<128x128xf32>, vector<256x128xf32> -> vector<256x128xf32>
    %get3A_6 = arith.constant 0 : index
    %get3A_7 = arith.constant 0 : index
    %get3A_8 = vector.load %arg3[%get3A_6, %get3A_7] : memref<256x16xf32, #tpu.memory_space<vmem>>, vector<256x1xf32>
    %get3A_9 = arith.constant 0 : index
    %get3A_10 = arith.constant 0 : index
    %get3A_11 = vector.load %arg4[%get3A_9, %get3A_10] : memref<256x16xf32, #tpu.memory_space<vmem>>, vector<256x1xf32>
    %add3A = arith.addf %get3A_8, %get3A_11 : vector<256x1xf32>
    %add3A_12 = arith.constant 1.000000e+00 : f32
    %add3A_13 = vector.broadcast %add3A_12 : f32 to vector<256x1xf32>
    %add3A_14 = arith.addf %add3A, %add3A_13 : vector<256x1xf32>
    %rsqrt3A = math.rsqrt %add3A_14 : vector<256x1xf32>
    %mul3A = vector.broadcast %rsqrt3A : vector<256x1xf32> to vector<256x128xf32>
    %mul3A_15 = arith.mulf %dot_general3A_5, %mul3A : vector<256x128xf32>
    %swap3A = arith.constant 0 : index
    %swap3A_16 = arith.constant 0 : index
    %swap3A_17 = vector.load %arg5[%swap3A, %swap3A_16] : memref<256x128xf32, #tpu.memory_space<vmem>>, vector<256x128xf32>
    tpu.vector_store %arg5[%swap3A, %swap3A_16], %mul3A_15 {strides = array<i32>} : memref<256x128xf32, #tpu.memory_space<vmem>>, vector<256x128xf32>,
    %broadcast_in_dim3A = vector.shape_cast %rsqrt3A : vector<256x1xf32> to vector<256x1xf32>
    %broadcast_in_dim3A_18 = vector.broadcast %broadcast_in_dim3A : vector<256x1xf32> to vector<256x8xf32>
    %swap3A_19 = arith.constant 0 : index
    %swap3A_20 = arith.constant 0 : index
    %swap3A_21 = vector.load %arg6[%swap3A_19, %swap3A_20] : memref<256x8xf32, #tpu.memory_space<vmem>>, vector<256x8xf32>
    tpu.vector_store %arg6[%swap3A_19, %swap3A_20], %broadcast_in_dim3A_18 {strides = array<i32>} : memref<256x8xf32, #tpu.memory_space<vmem>>, vector<256x8xf32>,
    return
  }
  func.func @transform_0(%arg0: i32) -> (i32, i32) {
    %c0_i32 = arith.constant 0 : i32
    %c0_i32_0 = arith.constant 0 : i32
    return %arg0, %c0_i32 : i32, i32
  }
  func.func @transform_1(%arg0: i32) -> (i32, i32) {
    %c0_i32 = arith.constant 0 : i32
    %c0_i32_0 = arith.constant 0 : i32
    %c0_i32_1 = arith.constant 0 : i32
    return %c0_i32, %c0_i32_0 : i32, i32
  }
  func.func @transform_2(%arg0: i32) -> (i32, i32) {
    %c0_i32 = arith.constant 0 : i32
    %c0_i32_0 = arith.constant 0 : i32
    return %arg0, %c0_i32 : i32, i32
  }
  func.func @transform_3(%arg0: i32) -> (i32, i32) {
    %c0_i32 = arith.constant 0 : i32
    %c0_i32_0 = arith.constant 0 : i32
    return %arg0, %c0_i32 : i32, i32
  }
  func.func @transform_4(%arg0: i32) -> (i32, i32) {
    %c0_i32 = arith.constant 0 : i32
    %c0_i32_0 = arith.constant 0 : i32
    return %arg0, %c0_i32 : i32, i32
  }
  func.func @transform_5(%arg0: i32) -> (i32, i32) {
    %c0_i32 = arith.constant 0 : i32
    %c0_i32_0 = arith.constant 0 : i32
    return %arg0, %c0_i32 : i32, i32
  }
}

module attributes {stable_mosaic.version = 14 : i64} {
  func.func @body(%arg0: i32, %arg1: memref<256x128xf32, #tpu.memory_space<vmem>>, %arg2: memref<256x128xf32, #tpu.memory_space<vmem>>, %arg3: memref<256x128xf32, #tpu.memory_space<vmem>>, %arg4: memref<256x128xf32, #tpu.memory_space<vmem>>, %arg5: memref<256x8xf32, #tpu.memory_space<vmem>>, %arg6: memref<256x256xf32, #tpu.memory_space<vmem>>, %arg7: memref<256x256xf32, #tpu.memory_space<vmem>>, %arg8: memref<1x256xf32, #tpu.memory_space<vmem>>, %arg9: memref<1x256xf32, #tpu.memory_space<vmem>>, %arg10: memref<256x256xf32, #tpu.memory_space<vmem>>, %arg11: memref<256x256xf32, #tpu.memory_space<vmem>>) attributes {dimension_semantics = [#tpu.dimension_semantics<arbitrary>], iteration_bounds = array<i64: 40>, scalar_prefetch = 0 : i64, scratch_operands = 0 : i64, tpu.core_type = #tpu.core_type<tc>, window_params = [{transform_indices = @transform_0, window_bounds = array<i64: 256, 128>}, {transform_indices = @transform_1, window_bounds = array<i64: 256, 128>}, {transform_indices = @transform_2, window_bounds = array<i64: 256, 128>}, {transform_indices = @transform_3, window_bounds = array<i64: 256, 128>}, {transform_indices = @transform_4, window_bounds = array<i64: 256, 8>}, {pipeline_mode = #tpu.pipeline_mode<synchronous>, transform_indices = @transform_5, window_bounds = array<i64: 256, 256>}, {pipeline_mode = #tpu.pipeline_mode<synchronous>, transform_indices = @transform_6, window_bounds = array<i64: 256, 256>}, {pipeline_mode = #tpu.pipeline_mode<synchronous>, transform_indices = @transform_7, window_bounds = array<i64: 1, 256>}, {pipeline_mode = #tpu.pipeline_mode<synchronous>, transform_indices = @transform_8, window_bounds = array<i64: 1, 256>}, {transform_indices = @transform_9, window_bounds = array<i64: 256, 256>}, {transform_indices = @transform_10, window_bounds = array<i64: 256, 256>}]} {
    %get3A = arith.constant 0 : index
    %get3A_0 = arith.constant 0 : index
    %get3A_1 = vector.load %arg5[%get3A, %get3A_0] : memref<256x8xf32, #tpu.memory_space<vmem>>, vector<256x1xf32>
    %get3A_2 = arith.constant 0 : index
    %get3A_3 = arith.constant 0 : index
    %get3A_4 = vector.load %arg1[%get3A_2, %get3A_3] : memref<256x128xf32, #tpu.memory_space<vmem>>, vector<256x128xf32>
    %get3A_5 = arith.constant 0 : index
    %get3A_6 = arith.constant 0 : index
    %get3A_7 = vector.load %arg3[%get3A_5, %get3A_6] : memref<256x128xf32, #tpu.memory_space<vmem>>, vector<256x128xf32>
    %add3A = arith.addf %get3A_4, %get3A_7 : vector<256x128xf32>
    %mul3A = vector.broadcast %get3A_1 : vector<256x1xf32> to vector<256x128xf32>
    %mul3A_8 = arith.mulf %add3A, %mul3A : vector<256x128xf32>
    %get3A_9 = arith.constant 0 : index
    %get3A_10 = arith.constant 0 : index
    %get3A_11 = vector.load %arg2[%get3A_9, %get3A_10] : memref<256x128xf32, #tpu.memory_space<vmem>>, vector<256x128xf32>
    %get3A_12 = arith.constant 0 : index
    %get3A_13 = arith.constant 0 : index
    %get3A_14 = vector.load %arg4[%get3A_12, %get3A_13] : memref<256x128xf32, #tpu.memory_space<vmem>>, vector<256x128xf32>
    %add3A_15 = arith.addf %get3A_11, %get3A_14 : vector<256x128xf32>
    %mul3A_16 = vector.broadcast %get3A_1 : vector<256x1xf32> to vector<256x128xf32>
    %mul3A_17 = arith.mulf %add3A_15, %mul3A_16 : vector<256x128xf32>
    %concatenate3A = tpu.concatenate %mul3A_8, %mul3A_17 in 1 : vector<256x128xf32>, vector<256x128xf32> -> vector<256x256xf32>
    %get3A_18 = arith.constant 0 : index
    %get3A_19 = arith.constant 0 : index
    %get3A_20 = vector.load %arg8[%get3A_18, %get3A_19] : memref<1x256xf32, #tpu.memory_space<vmem>>, vector<1x256xf32>
    %mul3A_21 = vector.broadcast %get3A_20 : vector<1x256xf32> to vector<256x256xf32>
    %mul3A_22 = arith.mulf %concatenate3A, %mul3A_21 : vector<256x256xf32>
    %get3A_23 = arith.constant 0 : index
    %get3A_24 = arith.constant 0 : index
    %get3A_25 = vector.load %arg9[%get3A_23, %get3A_24] : memref<1x256xf32, #tpu.memory_space<vmem>>, vector<1x256xf32>
    %add3A_26 = vector.broadcast %get3A_25 : vector<1x256xf32> to vector<256x256xf32>
    %add3A_27 = arith.addf %mul3A_22, %add3A_26 : vector<256x256xf32>
    %max3A = arith.constant 0.000000e+00 : f32
    %max3A_28 = vector.broadcast %max3A : f32 to vector<256x256xf32>
    %max3A_29 = arith.maximumf %add3A_27, %max3A_28 : vector<256x256xf32>
    %get3A_30 = arith.constant 0 : index
    %get3A_31 = arith.constant 0 : index
    %get3A_32 = vector.load %arg6[%get3A_30, %get3A_31] : memref<256x256xf32, #tpu.memory_space<vmem>>, vector<256x256xf32>
    %dot_general3A = arith.constant dense<0.000000e+00> : vector<256x256xf32>
    %dot_general3A_33 = tpu.matmul %max3A_29, %get3A_32, %dot_general3A {dimension_numbers = #tpu.dot_dimension_numbers<[1], [0], [0], [1], [0, 0, 1, 1], [], []>, transpose_lhs_hint = false} : vector<256x256xf32>, vector<256x256xf32>, vector<256x256xf32> -> vector<256x256xf32>
    %swap3A = arith.constant 0 : index
    %swap3A_34 = arith.constant 0 : index
    %swap3A_35 = vector.load %arg10[%swap3A, %swap3A_34] : memref<256x256xf32, #tpu.memory_space<vmem>>, vector<256x256xf32>
    tpu.vector_store %arg10[%swap3A, %swap3A_34], %dot_general3A_33 {strides = array<i32>} : memref<256x256xf32, #tpu.memory_space<vmem>>, vector<256x256xf32>,
    %get3A_36 = arith.constant 0 : index
    %get3A_37 = arith.constant 0 : index
    %get3A_38 = vector.load %arg7[%get3A_36, %get3A_37] : memref<256x256xf32, #tpu.memory_space<vmem>>, vector<256x256xf32>
    %dot_general3A_39 = arith.constant dense<0.000000e+00> : vector<256x256xf32>
    %dot_general3A_40 = tpu.matmul %max3A_29, %get3A_38, %dot_general3A_39 {dimension_numbers = #tpu.dot_dimension_numbers<[1], [0], [0], [1], [0, 0, 1, 1], [], []>, transpose_lhs_hint = false} : vector<256x256xf32>, vector<256x256xf32>, vector<256x256xf32> -> vector<256x256xf32>
    %swap3A_41 = arith.constant 0 : index
    %swap3A_42 = arith.constant 0 : index
    %swap3A_43 = vector.load %arg11[%swap3A_41, %swap3A_42] : memref<256x256xf32, #tpu.memory_space<vmem>>, vector<256x256xf32>
    tpu.vector_store %arg11[%swap3A_41, %swap3A_42], %dot_general3A_40 {strides = array<i32>} : memref<256x256xf32, #tpu.memory_space<vmem>>, vector<256x256xf32>,
    return
  }
  func.func @transform_0(%arg0: i32) -> (i32, i32) {
    %c0_i32 = arith.constant 0 : i32
    %c0_i32_0 = arith.constant 0 : i32
    return %arg0, %c0_i32 : i32, i32
  }
  func.func @transform_1(%arg0: i32) -> (i32, i32) {
    %c0_i32 = arith.constant 0 : i32
    %c0_i32_0 = arith.constant 0 : i32
    return %arg0, %c0_i32 : i32, i32
  }
  func.func @transform_2(%arg0: i32) -> (i32, i32) {
    %c0_i32 = arith.constant 0 : i32
    %c0_i32_0 = arith.constant 0 : i32
    return %arg0, %c0_i32 : i32, i32
  }
  func.func @transform_3(%arg0: i32) -> (i32, i32) {
    %c0_i32 = arith.constant 0 : i32
    %c0_i32_0 = arith.constant 0 : i32
    return %arg0, %c0_i32 : i32, i32
  }
  func.func @transform_4(%arg0: i32) -> (i32, i32) {
    %c0_i32 = arith.constant 0 : i32
    %c0_i32_0 = arith.constant 0 : i32
    return %arg0, %c0_i32 : i32, i32
  }
  func.func @transform_5(%arg0: i32) -> (i32, i32) {
    %c0_i32 = arith.constant 0 : i32
    %c0_i32_0 = arith.constant 0 : i32
    %c0_i32_1 = arith.constant 0 : i32
    return %c0_i32, %c0_i32_0 : i32, i32
  }
  func.func @transform_6(%arg0: i32) -> (i32, i32) {
    %c0_i32 = arith.constant 0 : i32
    %c0_i32_0 = arith.constant 0 : i32
    %c0_i32_1 = arith.constant 0 : i32
    return %c0_i32, %c0_i32_0 : i32, i32
  }
  func.func @transform_7(%arg0: i32) -> (i32, i32) {
    %c0_i32 = arith.constant 0 : i32
    %c0_i32_0 = arith.constant 0 : i32
    %c0_i32_1 = arith.constant 0 : i32
    return %c0_i32, %c0_i32_0 : i32, i32
  }
  func.func @transform_8(%arg0: i32) -> (i32, i32) {
    %c0_i32 = arith.constant 0 : i32
    %c0_i32_0 = arith.constant 0 : i32
    %c0_i32_1 = arith.constant 0 : i32
    return %c0_i32, %c0_i32_0 : i32, i32
  }
  func.func @transform_9(%arg0: i32) -> (i32, i32) {
    %c0_i32 = arith.constant 0 : i32
    %c0_i32_0 = arith.constant 0 : i32
    return %arg0, %c0_i32 : i32, i32
  }
  func.func @transform_10(%arg0: i32) -> (i32, i32) {
    %c0_i32 = arith.constant 0 : i32
    %c0_i32_0 = arith.constant 0 : i32
    return %arg0, %c0_i32 : i32, i32
  }
}

module attributes {stable_mosaic.version = 14 : i64} {
  func.func @body(%arg0: i32, %arg1: memref<256x128xf32, #tpu.memory_space<vmem>>, %arg2: memref<256x128xf32, #tpu.memory_space<vmem>>, %arg3: memref<256x128xf32, #tpu.memory_space<vmem>>, %arg4: memref<256x8xf32, #tpu.memory_space<vmem>>, %arg5: memref<128x256xf32, #tpu.memory_space<vmem>>, %arg6: memref<1x128xf32, #tpu.memory_space<vmem>>, %arg7: memref<1x128xf32, #tpu.memory_space<vmem>>, %arg8: memref<256x128xf32, #tpu.memory_space<vmem>>, %arg9: memref<256x128xf32, #tpu.memory_space<vmem>>) attributes {dimension_semantics = [#tpu.dimension_semantics<arbitrary>], iteration_bounds = array<i64: 40>, scalar_prefetch = 0 : i64, scratch_operands = 0 : i64, tpu.core_type = #tpu.core_type<tc>, window_params = [{transform_indices = @transform_0, window_bounds = array<i64: 256, 128>}, {transform_indices = @transform_1, window_bounds = array<i64: 256, 128>}, {transform_indices = @transform_2, window_bounds = array<i64: 256, 128>}, {transform_indices = @transform_3, window_bounds = array<i64: 256, 8>}, {pipeline_mode = #tpu.pipeline_mode<synchronous>, transform_indices = @transform_4, window_bounds = array<i64: 128, 256>}, {pipeline_mode = #tpu.pipeline_mode<synchronous>, transform_indices = @transform_5, window_bounds = array<i64: 1, 128>}, {pipeline_mode = #tpu.pipeline_mode<synchronous>, transform_indices = @transform_6, window_bounds = array<i64: 1, 128>}, {transform_indices = @transform_7, window_bounds = array<i64: 256, 128>}, {transform_indices = @transform_8, window_bounds = array<i64: 256, 128>}]} {
    %get3A = arith.constant 0 : index
    %get3A_0 = arith.constant 0 : index
    %get3A_1 = vector.load %arg4[%get3A, %get3A_0] : memref<256x8xf32, #tpu.memory_space<vmem>>, vector<256x1xf32>
    %get3A_2 = arith.constant 0 : index
    %get3A_3 = arith.constant 0 : index
    %get3A_4 = vector.load %arg1[%get3A_2, %get3A_3] : memref<256x128xf32, #tpu.memory_space<vmem>>, vector<256x128xf32>
    %get3A_5 = arith.constant 0 : index
    %get3A_6 = arith.constant 0 : index
    %get3A_7 = vector.load %arg2[%get3A_5, %get3A_6] : memref<256x128xf32, #tpu.memory_space<vmem>>, vector<256x128xf32>
    %add3A = arith.addf %get3A_4, %get3A_7 : vector<256x128xf32>
    %get3A_8 = arith.constant 0 : index
    %get3A_9 = arith.constant 0 : index
    %get3A_10 = vector.load %arg3[%get3A_8, %get3A_9] : memref<256x128xf32, #tpu.memory_space<vmem>>, vector<256x128xf32>
    %add3A_11 = arith.addf %add3A, %get3A_10 : vector<256x128xf32>
    %mul3A = vector.broadcast %get3A_1 : vector<256x1xf32> to vector<256x128xf32>
    %mul3A_12 = arith.mulf %add3A_11, %mul3A : vector<256x128xf32>
    %get3A_13 = arith.constant 0 : index
    %get3A_14 = arith.constant 0 : index
    %get3A_15 = vector.load %arg6[%get3A_13, %get3A_14] : memref<1x128xf32, #tpu.memory_space<vmem>>, vector<1x128xf32>
    %mul3A_16 = vector.broadcast %get3A_15 : vector<1x128xf32> to vector<256x128xf32>
    %mul3A_17 = arith.mulf %mul3A_12, %mul3A_16 : vector<256x128xf32>
    %get3A_18 = arith.constant 0 : index
    %get3A_19 = arith.constant 0 : index
    %get3A_20 = vector.load %arg7[%get3A_18, %get3A_19] : memref<1x128xf32, #tpu.memory_space<vmem>>, vector<1x128xf32>
    %add3A_21 = vector.broadcast %get3A_20 : vector<1x128xf32> to vector<256x128xf32>
    %add3A_22 = arith.addf %mul3A_17, %add3A_21 : vector<256x128xf32>
    %max3A = arith.constant 0.000000e+00 : f32
    %max3A_23 = vector.broadcast %max3A : f32 to vector<256x128xf32>
    %max3A_24 = arith.maximumf %add3A_22, %max3A_23 : vector<256x128xf32>
    %get3A_25 = arith.constant 0 : index
    %get3A_26 = arith.constant 0 : index
    %get3A_27 = vector.load %arg5[%get3A_25, %get3A_26] : memref<128x256xf32, #tpu.memory_space<vmem>>, vector<128x256xf32>
    %dot_general3A = arith.constant dense<0.000000e+00> : vector<256x256xf32>
    %dot_general3A_28 = tpu.matmul %max3A_24, %get3A_27, %dot_general3A {dimension_numbers = #tpu.dot_dimension_numbers<[1], [0], [0], [1], [0, 0, 1, 1], [], []>, transpose_lhs_hint = false} : vector<256x128xf32>, vector<128x256xf32>, vector<256x256xf32> -> vector<256x256xf32>
    %mul3A_29 = vector.broadcast %get3A_1 : vector<256x1xf32> to vector<256x256xf32>
    %mul3A_30 = arith.mulf %dot_general3A_28, %mul3A_29 : vector<256x256xf32>
    %slice3A = vector.extract_strided_slice %mul3A_30 {offsets = [0, 0], sizes = [256, 128], strides = [1, 1]} : vector<256x256xf32> to vector<256x128xf32>
    %swap3A = arith.constant 0 : index
    %swap3A_31 = arith.constant 0 : index
    %swap3A_32 = vector.load %arg8[%swap3A, %swap3A_31] : memref<256x128xf32, #tpu.memory_space<vmem>>, vector<256x128xf32>
    tpu.vector_store %arg8[%swap3A, %swap3A_31], %slice3A {strides = array<i32>} : memref<256x128xf32, #tpu.memory_space<vmem>>, vector<256x128xf32>,
    %slice3A_33 = vector.extract_strided_slice %mul3A_30 {offsets = [0, 128], sizes = [256, 128], strides = [1, 1]} : vector<256x256xf32> to vector<256x128xf32>
    %swap3A_34 = arith.constant 0 : index
    %swap3A_35 = arith.constant 0 : index
    %swap3A_36 = vector.load %arg9[%swap3A_34, %swap3A_35] : memref<256x128xf32, #tpu.memory_space<vmem>>, vector<256x128xf32>
    tpu.vector_store %arg9[%swap3A_34, %swap3A_35], %slice3A_33 {strides = array<i32>} : memref<256x128xf32, #tpu.memory_space<vmem>>, vector<256x128xf32>,
    return
  }
  func.func @transform_0(%arg0: i32) -> (i32, i32) {
    %c0_i32 = arith.constant 0 : i32
    %c0_i32_0 = arith.constant 0 : i32
    return %arg0, %c0_i32 : i32, i32
  }
  func.func @transform_1(%arg0: i32) -> (i32, i32) {
    %c0_i32 = arith.constant 0 : i32
    %c0_i32_0 = arith.constant 0 : i32
    return %arg0, %c0_i32 : i32, i32
  }
  func.func @transform_2(%arg0: i32) -> (i32, i32) {
    %c0_i32 = arith.constant 0 : i32
    %c0_i32_0 = arith.constant 0 : i32
    return %arg0, %c0_i32 : i32, i32
  }
  func.func @transform_3(%arg0: i32) -> (i32, i32) {
    %c0_i32 = arith.constant 0 : i32
    %c0_i32_0 = arith.constant 0 : i32
    return %arg0, %c0_i32 : i32, i32
  }
  func.func @transform_4(%arg0: i32) -> (i32, i32) {
    %c0_i32 = arith.constant 0 : i32
    %c0_i32_0 = arith.constant 0 : i32
    %c0_i32_1 = arith.constant 0 : i32
    return %c0_i32, %c0_i32_0 : i32, i32
  }
  func.func @transform_5(%arg0: i32) -> (i32, i32) {
    %c0_i32 = arith.constant 0 : i32
    %c0_i32_0 = arith.constant 0 : i32
    %c0_i32_1 = arith.constant 0 : i32
    return %c0_i32, %c0_i32_0 : i32, i32
  }
  func.func @transform_6(%arg0: i32) -> (i32, i32) {
    %c0_i32 = arith.constant 0 : i32
    %c0_i32_0 = arith.constant 0 : i32
    %c0_i32_1 = arith.constant 0 : i32
    return %c0_i32, %c0_i32_0 : i32, i32
  }
  func.func @transform_7(%arg0: i32) -> (i32, i32) {
    %c0_i32 = arith.constant 0 : i32
    %c0_i32_0 = arith.constant 0 : i32
    return %arg0, %c0_i32 : i32, i32
  }
  func.func @transform_8(%arg0: i32) -> (i32, i32) {
    %c0_i32 = arith.constant 0 : i32
    %c0_i32_0 = arith.constant 0 : i32
    return %arg0, %c0_i32 : i32, i32
  }
}

module attributes {stable_mosaic.version = 14 : i64} {
  func.func @body(%arg0: i32, %arg1: memref<512x256xf32, #tpu.memory_space<vmem>>, %arg2: memref<512x256xf32, #tpu.memory_space<vmem>>, %arg3: memref<512x8xf32, #tpu.memory_space<vmem>>, %arg4: memref<8x256xf32, #tpu.memory_space<vmem>>, %arg5: memref<1x256xf32, #tpu.memory_space<vmem>>, %arg6: memref<256x128xf32, #tpu.memory_space<vmem>>, %arg7: memref<1x128xf32, #tpu.memory_space<vmem>>, %arg8: memref<128x64xf32, #tpu.memory_space<vmem>>, %arg9: memref<1x64xf32, #tpu.memory_space<vmem>>, %arg10: memref<64x8xf32, #tpu.memory_space<vmem>>, %arg11: memref<1x8xf32, #tpu.memory_space<vmem>>, %arg12: memref<512x8xf32, #tpu.memory_space<vmem>>) attributes {dimension_semantics = [#tpu.dimension_semantics<arbitrary>], iteration_bounds = array<i64: 640>, scalar_prefetch = 0 : i64, scratch_operands = 0 : i64, tpu.core_type = #tpu.core_type<tc>, window_params = [{transform_indices = @transform_0, window_bounds = array<i64: 512, 256>}, {transform_indices = @transform_1, window_bounds = array<i64: 512, 256>}, {transform_indices = @transform_2, window_bounds = array<i64: 512, 8>}, {pipeline_mode = #tpu.pipeline_mode<synchronous>, transform_indices = @transform_3, window_bounds = array<i64: 8, 256>}, {pipeline_mode = #tpu.pipeline_mode<synchronous>, transform_indices = @transform_4, window_bounds = array<i64: 1, 256>}, {pipeline_mode = #tpu.pipeline_mode<synchronous>, transform_indices = @transform_5, window_bounds = array<i64: 256, 128>}, {pipeline_mode = #tpu.pipeline_mode<synchronous>, transform_indices = @transform_6, window_bounds = array<i64: 1, 128>}, {pipeline_mode = #tpu.pipeline_mode<synchronous>, transform_indices = @transform_7, window_bounds = array<i64: 128, 64>}, {pipeline_mode = #tpu.pipeline_mode<synchronous>, transform_indices = @transform_8, window_bounds = array<i64: 1, 64>}, {pipeline_mode = #tpu.pipeline_mode<synchronous>, transform_indices = @transform_9, window_bounds = array<i64: 64, 8>}, {pipeline_mode = #tpu.pipeline_mode<synchronous>, transform_indices = @transform_10, window_bounds = array<i64: 1, 8>}, {transform_indices = @transform_11, window_bounds = array<i64: 512, 8>}]} {
    %get3A = arith.constant 0 : index
    %get3A_0 = arith.constant 0 : index
    %get3A_1 = vector.load %arg3[%get3A, %get3A_0] : memref<512x8xf32, #tpu.memory_space<vmem>>, vector<512x8xf32>
    %get3A_2 = arith.constant 0 : index
    %get3A_3 = arith.constant 0 : index
    %get3A_4 = vector.load %arg4[%get3A_2, %get3A_3] : memref<8x256xf32, #tpu.memory_space<vmem>>, vector<8x256xf32>
    %dot_general3A = arith.constant dense<0.000000e+00> : vector<512x256xf32>
    %dot_general3A_5 = tpu.matmul %get3A_1, %get3A_4, %dot_general3A {dimension_numbers = #tpu.dot_dimension_numbers<[1], [0], [0], [1], [0, 0, 1, 1], [], []>, transpose_lhs_hint = false} : vector<512x8xf32>, vector<8x256xf32>, vector<512x256xf32> -> vector<512x256xf32>
    %get3A_6 = arith.constant 0 : index
    %get3A_7 = arith.constant 0 : index
    %get3A_8 = vector.load %arg1[%get3A_6, %get3A_7] : memref<512x256xf32, #tpu.memory_space<vmem>>, vector<512x256xf32>
    %get3A_9 = arith.constant 0 : index
    %get3A_10 = arith.constant 0 : index
    %get3A_11 = vector.load %arg2[%get3A_9, %get3A_10] : memref<512x256xf32, #tpu.memory_space<vmem>>, vector<512x256xf32>
    %add3A = arith.addf %get3A_8, %get3A_11 : vector<512x256xf32>
    %add3A_12 = arith.addf %add3A, %dot_general3A_5 : vector<512x256xf32>
    %get3A_13 = arith.constant 0 : index
    %get3A_14 = arith.constant 0 : index
    %get3A_15 = vector.load %arg5[%get3A_13, %get3A_14] : memref<1x256xf32, #tpu.memory_space<vmem>>, vector<1x256xf32>
    %add3A_16 = vector.broadcast %get3A_15 : vector<1x256xf32> to vector<512x256xf32>
    %add3A_17 = arith.addf %add3A_12, %add3A_16 : vector<512x256xf32>
    %max3A = arith.constant 0.000000e+00 : f32
    %max3A_18 = vector.broadcast %max3A : f32 to vector<512x256xf32>
    %max3A_19 = arith.maximumf %add3A_17, %max3A_18 : vector<512x256xf32>
    %get3A_20 = arith.constant 0 : index
    %get3A_21 = arith.constant 0 : index
    %get3A_22 = vector.load %arg6[%get3A_20, %get3A_21] : memref<256x128xf32, #tpu.memory_space<vmem>>, vector<256x128xf32>
    %dot_general3A_23 = arith.constant dense<0.000000e+00> : vector<512x128xf32>
    %dot_general3A_24 = tpu.matmul %max3A_19, %get3A_22, %dot_general3A_23 {dimension_numbers = #tpu.dot_dimension_numbers<[1], [0], [0], [1], [0, 0, 1, 1], [], []>, transpose_lhs_hint = false} : vector<512x256xf32>, vector<256x128xf32>, vector<512x128xf32> -> vector<512x128xf32>
    %get3A_25 = arith.constant 0 : index
    %get3A_26 = arith.constant 0 : index
    %get3A_27 = vector.load %arg7[%get3A_25, %get3A_26] : memref<1x128xf32, #tpu.memory_space<vmem>>, vector<1x128xf32>
    %add3A_28 = vector.broadcast %get3A_27 : vector<1x128xf32> to vector<512x128xf32>
    %add3A_29 = arith.addf %dot_general3A_24, %add3A_28 : vector<512x128xf32>
    %max3A_30 = arith.constant 0.000000e+00 : f32
    %max3A_31 = vector.broadcast %max3A_30 : f32 to vector<512x128xf32>
    %max3A_32 = arith.maximumf %add3A_29, %max3A_31 : vector<512x128xf32>
    %get3A_33 = arith.constant 0 : index
    %get3A_34 = arith.constant 0 : index
    %get3A_35 = vector.load %arg8[%get3A_33, %get3A_34] : memref<128x64xf32, #tpu.memory_space<vmem>>, vector<128x64xf32>
    %dot_general3A_36 = arith.constant dense<0.000000e+00> : vector<512x64xf32>
    %dot_general3A_37 = tpu.matmul %max3A_32, %get3A_35, %dot_general3A_36 {dimension_numbers = #tpu.dot_dimension_numbers<[1], [0], [0], [1], [0, 0, 1, 1], [], []>, transpose_lhs_hint = false} : vector<512x128xf32>, vector<128x64xf32>, vector<512x64xf32> -> vector<512x64xf32>
    %get3A_38 = arith.constant 0 : index
    %get3A_39 = arith.constant 0 : index
    %get3A_40 = vector.load %arg9[%get3A_38, %get3A_39] : memref<1x64xf32, #tpu.memory_space<vmem>>, vector<1x64xf32>
    %add3A_41 = vector.broadcast %get3A_40 : vector<1x64xf32> to vector<512x64xf32>
    %add3A_42 = arith.addf %dot_general3A_37, %add3A_41 : vector<512x64xf32>
    %max3A_43 = arith.constant 0.000000e+00 : f32
    %max3A_44 = vector.broadcast %max3A_43 : f32 to vector<512x64xf32>
    %max3A_45 = arith.maximumf %add3A_42, %max3A_44 : vector<512x64xf32>
    %get3A_46 = arith.constant 0 : index
    %get3A_47 = arith.constant 0 : index
    %get3A_48 = vector.load %arg10[%get3A_46, %get3A_47] : memref<64x8xf32, #tpu.memory_space<vmem>>, vector<64x8xf32>
    %dot_general3A_49 = arith.constant dense<0.000000e+00> : vector<512x8xf32>
    %dot_general3A_50 = tpu.matmul %max3A_45, %get3A_48, %dot_general3A_49 {dimension_numbers = #tpu.dot_dimension_numbers<[1], [0], [0], [1], [0, 0, 1, 1], [], []>, transpose_lhs_hint = false} : vector<512x64xf32>, vector<64x8xf32>, vector<512x8xf32> -> vector<512x8xf32>
    %get3A_51 = arith.constant 0 : index
    %get3A_52 = arith.constant 0 : index
    %get3A_53 = vector.load %arg11[%get3A_51, %get3A_52] : memref<1x8xf32, #tpu.memory_space<vmem>>, vector<1x8xf32>
    %add3A_54 = vector.broadcast %get3A_53 : vector<1x8xf32> to vector<512x8xf32>
    %add3A_55 = arith.addf %dot_general3A_50, %add3A_54 : vector<512x8xf32>
    %logistic3A = arith.negf %add3A_55 : vector<512x8xf32>
    %logistic3A_56 = math.exp %logistic3A : vector<512x8xf32>
    %logistic3A_57 = arith.constant 1.000000e+00 : f32
    %logistic3A_58 = vector.broadcast %logistic3A_57 : f32 to vector<512x8xf32>
    %logistic3A_59 = arith.addf %logistic3A_58, %logistic3A_56 : vector<512x8xf32>
    %logistic3A_60 = arith.divf %logistic3A_58, %logistic3A_59 : vector<512x8xf32>
    %swap3A = arith.constant 0 : index
    %swap3A_61 = arith.constant 0 : index
    %swap3A_62 = vector.load %arg12[%swap3A, %swap3A_61] : memref<512x8xf32, #tpu.memory_space<vmem>>, vector<512x8xf32>
    tpu.vector_store %arg12[%swap3A, %swap3A_61], %logistic3A_60 {strides = array<i32>} : memref<512x8xf32, #tpu.memory_space<vmem>>, vector<512x8xf32>,
    return
  }
  func.func @transform_0(%arg0: i32) -> (i32, i32) {
    %c0_i32 = arith.constant 0 : i32
    %c0_i32_0 = arith.constant 0 : i32
    return %arg0, %c0_i32 : i32, i32
  }
  func.func @transform_1(%arg0: i32) -> (i32, i32) {
    %c0_i32 = arith.constant 0 : i32
    %c0_i32_0 = arith.constant 0 : i32
    return %arg0, %c0_i32 : i32, i32
  }
  func.func @transform_2(%arg0: i32) -> (i32, i32) {
    %c0_i32 = arith.constant 0 : i32
    %c0_i32_0 = arith.constant 0 : i32
    return %arg0, %c0_i32 : i32, i32
  }
  func.func @transform_3(%arg0: i32) -> (i32, i32) {
    %c0_i32 = arith.constant 0 : i32
    %c0_i32_0 = arith.constant 0 : i32
    %c0_i32_1 = arith.constant 0 : i32
    return %c0_i32, %c0_i32_0 : i32, i32
  }
  func.func @transform_4(%arg0: i32) -> (i32, i32) {
    %c0_i32 = arith.constant 0 : i32
    %c0_i32_0 = arith.constant 0 : i32
    %c0_i32_1 = arith.constant 0 : i32
    return %c0_i32, %c0_i32_0 : i32, i32
  }
  func.func @transform_5(%arg0: i32) -> (i32, i32) {
    %c0_i32 = arith.constant 0 : i32
    %c0_i32_0 = arith.constant 0 : i32
    %c0_i32_1 = arith.constant 0 : i32
    return %c0_i32, %c0_i32_0 : i32, i32
  }
  func.func @transform_6(%arg0: i32) -> (i32, i32) {
    %c0_i32 = arith.constant 0 : i32
    %c0_i32_0 = arith.constant 0 : i32
    %c0_i32_1 = arith.constant 0 : i32
    return %c0_i32, %c0_i32_0 : i32, i32
  }
  func.func @transform_7(%arg0: i32) -> (i32, i32) {
    %c0_i32 = arith.constant 0 : i32
    %c0_i32_0 = arith.constant 0 : i32
    %c0_i32_1 = arith.constant 0 : i32
    return %c0_i32, %c0_i32_0 : i32, i32
  }
  func.func @transform_8(%arg0: i32) -> (i32, i32) {
    %c0_i32 = arith.constant 0 : i32
    %c0_i32_0 = arith.constant 0 : i32
    %c0_i32_1 = arith.constant 0 : i32
    return %c0_i32, %c0_i32_0 : i32, i32
  }
  func.func @transform_9(%arg0: i32) -> (i32, i32) {
    %c0_i32 = arith.constant 0 : i32
    %c0_i32_0 = arith.constant 0 : i32
    %c0_i32_1 = arith.constant 0 : i32
    return %c0_i32, %c0_i32_0 : i32, i32
  }
  func.func @transform_10(%arg0: i32) -> (i32, i32) {
    %c0_i32 = arith.constant 0 : i32
    %c0_i32_0 = arith.constant 0 : i32
    %c0_i32_1 = arith.constant 0 : i32
    return %c0_i32, %c0_i32_0 : i32, i32
  }
  func.func @transform_11(%arg0: i32) -> (i32, i32) {
    %c0_i32 = arith.constant 0 : i32
    %c0_i32_0 = arith.constant 0 : i32
    return %arg0, %c0_i32 : i32, i32
  }
}

</mosaic_0001>

<sc_bundles>
// kernel: kernel.10.cloned.1.call-start
scs
__scs_entry_jumppad:
0x0: {  	(pc) =	sbr.rel $0x88, $3  }
0x1: {  	(tag) =	ssettag $0x0;
	lr =	simm.s32 $0x1  }
0x2: {  	[smem:$0x3F8A] =	sst lr;
	_ =	strace $0xD0000000  }
0x3: {  	_ = 	snop  }
0x4: {  	_ = 	snop  }
0x5: {  	_ = 	snop  }
0x6: {  	_ = 	snop  }
0x7: {  	_ = 	snop  }
__scs_overlays_trampoline_lowered:
0x8: {  	[smem:$0x3F99] =	sst s0  }
0x9: {  	[smem:$0x3F9A] =	sst s1  }
0xa: {  	[smem:$0x3F9B] =	sst s2  }
0xb: {  	[smem:$0x3F9C] =	sst s3  }
0xc: {  	[smem:$0x3F9D] =	sst s4  }
0xd: {  	[smem:$0x3F9E] =	sst s5  }
0xe: {  	[smem:$0x3F9F] =	sst s6  }
0xf: {  	[smem:$0x3FA0] =	sst s7  }
0x10: {  	[smem:$0x3FA1] =	sst s8  }
0x11: {  	[smem:$0x3FA2] =	sst s9;
	s0 =	simm.s32 @!p0 $0x0  }
0x12: {  	s1 =	sld [smem:$0x3F88];
	s0 =	simm.s32 @p0 $0x1  }
0x13: {  	[smem:$0x3FA3] =	sst s0;
	s0 =	simm.s32 @!p1 $0x0  }
0x14: {  	s2 =	sld [smem:$0x3F87];
	s0 =	simm.s32 @p1 $0x1  }
0x15: {  	[smem:$0x3FA4] =	sst s0;
	s0 =	simm.s32 @!p2 $0x0  }
0x16: {  	s3 =	sld [smem:$0x3FDB];
	s0 =	simm.s32 @p2 $0x1  }
0x17: {  	s4 =	simm.s32 $0x1BF5;
	[smem:$0x3FA6] =	sst s0  }
0x18: {  	s0 =	sld [smem:$0x3F89];
	_ =	swait.ge [sflag:s4], $0x0  }
0x19: {  	s7 =	sld [smem:$0x3F8A]  }
0x1a: {  	s8 =	sadd.s32 $0xFFFFE003, lr  }
0x1b: {  	s9 =	sadd.s32 $0xFFFFFEF7, lr;
	s5 =	simm.s32 $0xFFFFFFFF;
	p2 =	slt.u32 s8, $0xFFFFF086  }
0x1c: {  	p1 =	slt.u32 s9, $0xF7A;
	s5 =	simm.s32 @!p2 $0x0  }
0x1d: {  	s5 =	simm.s32 @p1 $0x1;
	p0 =	seq.s32 s7, s2  }
0x1e: {  	s7 =	smul.u32 @!p0 $0xF7A, s2;
	p2 =	seq.s32 @!p0 s5, $0x0  }
0x1f: {  	s9 =	smul.u32 $0xF7A, s1;
	s8 =	simm.s32 @!p0 $0x1BF5;
	p2 =	por !p2, p0  }
0x20: {  	[sflag:s8] =	ssyncset.s32 @!p0 $0xFFFFF086;
	s6 =	sadd.s32 @!p0 s3, s7;
	s7 =	simm.s32 @!p0 $0x108  }
0x21: {  	s3 =	sadd.s32 s3, s9;
	s6 =	sadd.s32 @!p0 $0x88, s6;
	s7 =	simm.s32 @p2 $0x1082  }
0x22: {  	[simem:s7], [sflag:s8] =	dma.local @!p0 [hbm:s6], $0xF7A  }
0x23: {  	s9 =	sor.u32 $0xD0000000, s2;
	s6 =	simm.s32 $0x108;
	_ =	swait.ge @!p0 [sflag:s8], $0x0  }
0x24: {  	s3 =	sadd.s32 $0x88, s3;
	s6 =	simm.s32 @!p1 $0x1082;
	[sflag:s4] =	ssyncset.s32 $0xFFFFF086  }
0x25: {  	[simem:s6], [sflag:s4] =	dma.local [hbm:s3], $0xF7A  }
0x26: {  	[smem:$0x3F8A] =	sst s1;
	(tag) =	ssettag s2;
	_ =	strace s9  }
0x27: {  	s1 =	sld [smem:$0x3F9A]  }
0x28: {  	s2 =	sld [smem:$0x3F9B]  }
0x29: {  	s4 =	sld [smem:$0x3F9D]  }
0x2a: {  	p0 =	seq.s32 s5, $0x0;
	s5 =	sld [smem:$0x3F9E]  }
0x2b: {  	s6 =	sld [smem:$0x3F9F]  }
0x2c: {  	s7 =	sld [smem:$0x3FA0]  }
0x2d: {  	s3 =	simm.s32 $0x108;
	s8 =	sld [smem:$0x3FA1]  }
0x2e: {  	s3 =	simm.s32 @!p0 $0x1082;
	s9 =	sld [smem:$0x3FA2]  }
0x2f: {  	lr =	sadd.s32 s0, s3;
	s0 =	sld [smem:$0x3F99]  }
0x30: {  	s3 =	sld [smem:$0x3F9C]  }
0x31: {  	[smem:$0x3FA5] =	sst s10  }
0x32: {  	s10 =	sld [smem:$0x3FA3];
	_ =	sdelay $0x3  }
0x33: {  	p0 =	seq.s32 s10, $0x1;
	s10 =	sld [smem:$0x3FA5];
	_ =	sdelay $0x3  }
0x34: {  	[smem:$0x3FA5] =	sst s10  }
0x35: {  	s10 =	sld [smem:$0x3FA4];
	_ =	sdelay $0x3  }
0x36: {  	p1 =	seq.s32 s10, $0x1;
	s10 =	sld [smem:$0x3FA5];
	_ =	sdelay $0x3  }
0x37: {  	[smem:$0x3FA5] =	sst s10  }
0x38: {  	s10 =	sld [smem:$0x3FA6]  }
0x39: {  	_ = 	snop;
	(pc) =	sbr.ind lr, $3  }
0x3a: {  	_ = 	snop  }
0x3b: {  	_ = 	snop  }
0x3c: {  	p2 =	seq.s32 s10, $0x1;
	s10 =	sld [smem:$0x3FA5]  }
0x3d: {  	_ =	shalt  }
0x3e: {  	_ =	shalt  }
0x3f: {  	_ =	shalt  }
0x40: {  	_ =	shalt  }
0x41: {  	_ =	shalt  }
0x42: {  	_ =	shalt  }
0x43: {  	_ =	shalt  }
0x44: {  	_ =	shalt  }
0x45: {  	_ =	shalt  }
0x46: {  	_ =	shalt  }
0x47: {  	_ =	shalt  }
0x48: {  	_ =	shalt  }
0x49: {  	_ =	shalt  }
0x4a: {  	_ =	shalt  }
0x4b: {  	_ =	shalt  }
0x4c: {  	_ =	shalt  }
0x4d: {  	_ =	shalt  }
0x4e: {  	_ =	shalt  }
0x4f: {  	_ =	shalt  }
0x50: {  	_ =	shalt  }
0x51: {  	_ =	shalt  }
0x52: {  	_ =	shalt  }
0x53: {  	_ =	shalt  }
0x54: {  	_ =	shalt  }
0x55: {  	_ =	shalt  }
0x56: {  	_ =	shalt  }
0x57: {  	_ =	shalt  }
0x58: {  	_ =	shalt  }
0x59: {  	_ =	shalt  }
0x5a: {  	_ =	shalt  }
0x5b: {  	_ =	shalt  }
0x5c: {  	_ =	shalt  }
0x5d: {  	_ =	shalt  }
0x5e: {  	_ =	shalt  }
0x5f: {  	_ =	shalt  }
0x60: {  	_ =	shalt  }
0x61: {  	_ =	shalt  }
0x62: {  	_ =	shalt  }
0x63: {  	_ =	shalt  }
0x64: {  	_ =	shalt  }
0x65: {  	_ =	shalt  }
0x66: {  	_ =	shalt  }
0x67: {  	_ =	shalt  }
0x68: {  	_ =	shalt  }
0x69: {  	_ =	shalt  }
0x6a: {  	_ =	shalt  }
0x6b: {  	_ =	shalt  }
0x6c: {  	_ =	shalt  }
0x6d: {  	_ =	shalt  }
0x6e: {  	_ =	shalt  }
0x6f: {  	_ =	shalt  }
0x70: {  	_ =	shalt  }
0x71: {  	_ =	shalt  }
0x72: {  	_ =	shalt  }
0x73: {  	_ =	shalt  }
0x74: {  	_ =	shalt  }
0x75: {  	_ =	shalt  }
0x76: {  	_ =	shalt  }
0x77: {  	_ =	shalt  }
0x78: {  	_ =	shalt  }
0x79: {  	_ =	shalt  }
0x7a: {  	_ =	shalt  }
0x7b: {  	_ =	shalt  }
0x7c: {  	_ =	shalt  }
0x7d: {  	_ =	shalt  }
0x7e: {  	_ =	shalt  }
0x7f: {  	_ =	shalt  }
0x80: {  	_ =	shalt  }
0x81: {  	_ =	shalt  }
0x82: {  	_ =	shalt  }
0x83: {  	_ =	shalt  }
0x84: {  	_ =	shalt  }
0x85: {  	_ =	shalt  }
0x86: {  	_ =	shalt  }
0x87: {  	_ =	shalt  }
.Lfunc_end0:
.L_simem_size_0:
called_computation_lowered:
.L_overlay_start_0:
0x88: {  	s2 =	sld [smem:$0x3FD9]  }
0x89: {  	s3 =	sld [smem:$0x3FFE];
	_ =	sdelay $0x1  }
0x8a: {  	s1 =	srdreg.scid  }
0x8b: {  	s0 =	sand.u32 $0x1, s1  }
0x8c: {  	s16 =	sshll.u32 s0, $0xA;
	s2 =	sadd.s32 s3, s2  }
0x8d: {  	s2 =	sadd.s32 s2, s16  }
0x8e: {  	[smem:$0x3FB1] =	sst s2  }
0x8f: {  	_ = 	snop  }
0x90: {  	(tm) =	ssettm $0x1  }
0x91: {  	s17 =	sld [smem:$0x3FFB];
	_ =	sdelay $0x3  }
0x92: {  	_ =	strace s17  }
0x93: {  	s2 =	sld [smem:$0x3FFC];
	_ =	sdelay $0x3  }
0x94: {  	_ =	strace s2  }
0x95: {  	s2 =	sld [smem:$0x3FFD];
	_ =	sdelay $0x3  }
0x96: {  	_ =	strace s2  }
0x97: {  	_ =	strace $0x8FFFFFFF  }
0x98: {  	s18 =	sld [smem:$0x3FDB];
	_ =	sdelay $0x1  }
0x99: {  	s19 =	simm.s32 $_scs_section_size  }
0x9a: {  	s4 =	simm.s32 $_size__tile_overlayer_lowered;
	s5 =	simm.s32 $_tile_overlayer_lowered  }
0x9b: {  	s22 =	simm.s32 $0x1BFF;
	s21 =	sshll.u32 s5, $0x1;
	s2 =	sadd.s32 s19, s18  }
0x9c: {  	s6 =	simm.s32 $0x0;
	s20 =	sshll.u32 s4, $0x1;
	s4 =	sadd.s32 s21, s2  }
0x9d: {  	[timem:s6], [sflag:s22] =	dma.local [hbm:s4], s20  }
0x9e: {  	_ =	swait.ge [sflag:s22], s20  }
0x9f: {  	s3 =	ssub.s32 $0x0, s20;
	[sflag:s22] =	ssyncset.done $0x0  }
0xa0: {  	[sflag:s22] =	ssyncadd.s32 s3;
	_ =	sdelay $0x1  }
0xa1: {  	s23 =	simm.s32 $0x1B8B  }
0xa2: {  	_ =	swait.ge [sflag:s23], $0x1  }
0xa3: {  	[sflag:s23] =	ssyncset.done $0x0  }
0xa4: {  	s25 =	simm.s32 $0x1B8E;
	s24 =	sld [smem:$0x3FFE];
	[sflag:s23] =	ssyncadd.s32 $0xFFFFFFFF  }
0xa5: {  	s26 =	simm.s32 $execute0_lowered;
	[smem:$0x3FD2] =	sst s25  }
0xa6: {  	s4 =	sshll.u32 s26, $0x1;
	_ =	strace $0x80000046;
	[dreg:$0x1] =	wrdreg $0xFFFFFFFF  }
0xa7: {  	s28 =	simm.s32 $_size_execute0_lowered;
	s2 =	sadd.s32 s2, s4;
	[dreg:$0x0] =	wrdreg $0x0  }
0xa8: {  	s4 =	sshll.u32 s28, $0x1;
	[dreg:$0x2] =	wrdreg s2  }
0xa9: {  	[dreg:$0x3] =	wrdreg s4  }
0xaa: {  	[dreg:$0x4] =	wrdreg $0xC0  }
0xab: {  	_ =	task [dreg:s6], $0x5FFFF  }
0xac: {  	[dreg:$0x1] =	wrdreg $0xFFFFFFFF  }
0xad: {  	[dreg:$0x0] =	wrdreg $0x60  }
0xae: {  	[dreg:$0x2] =	wrdreg s24  }
0xaf: {  	[dreg:$0x3] =	wrdreg $0x0  }
0xb0: {  	[dreg:$0x4] =	wrdreg $0x9  }
0xb1: {  	_ =	task.clear_ibuf [dreg:s6], $0x5FFFF;
	_ =	strace $0x90000046  }
0xb2: {  	s29 =	simm.s32 $0x9;
	_ =	strace $0x80000048  }
0xb3: {  	_ =	swait.ge [sflag:s29], $0x1  }
0xb4: {  	[sflag:s29] =	ssyncadd.s32 $0xFFFFFFFF  }
0xb5: {  	_ =	strace $0x90000048  }
0xb6: {  	_ =	sfence  }
0xb7: {  	s30 =	sld [smem:$0x0];
	_ =	sdelay $0x2  }
0xb8: {  	s31 =	sshll.u32 s1, $0xD;
	s1 =	sshrl.u32 s1, $0x2  }
0xb9: {  	s3 =	sand.u32 $0x4000, s31;
	s1 =	sadd.s32 s1, s30  }
0xba: {  	s0 =	sor.u32 s3, s0;
	s1 =	sshll.u32 s1, $0x11  }
0xbb: {  	s0 =	sor.u32 s1, s0  }
0xbc: {  	s0 =	sadd.s32 $0x8F2B, s0  }
0xbd: {  	[sflag:s0] =	ssyncadd.remote.s32 $0x1  }
0xbe: {  	_ =	sfence.sel $0xFFFF  }
0xbf: {  	[dreg:$0x0] =	wrdreg $0xFFFFFFFF;
	(pc) =	sbr.abs _section_cstart, $3  }
0xc0: {  	[dreg:$0x1] =	wrdreg $0xFFFFFFFF  }
0xc1: {  	_ =	task.clear_ibuf [dreg:s6], $0x2FFFF;
	_ =	strace $0x9FFFFFFF  }
0xc2: {  	(tm) =	ssettm $0x7FFFFFFF  }
0xc3: {  	_ =	shalt  }
tec
execute0_lowered:
.L_overlay_start_1:
0x0: {  	(tag) =	ssettag $0x1  }
0x1: {  	s5 =	rddreg [dreg:$0x0]  }
0x2: {  	s2 =	rddreg [dreg:$0x1]  }
0x3: {  	s0 =	rddreg [dreg:$0x2]  }
0x4: {  	s4 =	srdreg.scid;
	s3 =	simm.s32 $0x0;
	s1 =	stileid.u32  }
0x5: {  	s9 =	simm.s32 $0x39E00;
	s11 =	simm.s32 $0x80;
	s6 =	smul.u32 $0xA00, s1  }
0x6: {  	s12 =	simm.s32 $0x16880;
	s13 =	simm.s32 $0x0;
	s29 =	smul.u32 $0x50000, s1  }
0x7: {  	s4 =	sand.u32 $0x1, s4;
	[smem:$0x7FF] =	sst s3;
	s31 =	smul.u32 $0x2800, s1  }
0x8: {  	s7 =	ssub.s32 $0x2, s4;
	_ =	strace $0x80000047;
	p0 =	seq.s32 s4, $0x1  }
0x9: {  	s10 =	smul.u32 $0x500, s4;
	s8 =	sshrl.u32 s7, $0x1;
	s6 =	sadd.s32 s6, s5  }
0xa: {  	s30 =	sshrl.u32 s29, $0x2;
	s9 =	simm.s32 @!p0 $0x11E00;
	s7 =	ssub.s32 s7, s8  }
0xb: {  	s4 =	sadd.s32 s30, s2;
	s9 =	sadd.s32 s9, s5;
	s10 =	sadd.s32 s10, s6  }
0xc: {  	s8 =	simm.s32 $0x2880;
	s5 =	smax.u32 s7, $0x1;
	s6 =	sadd.s32 s9, s31  }
0xd: {  	v0 =	vimm.f32 $1.000000000e+00;
	v1 =	vimm.f32 $0.0e+00;
	s7 =	sadd.s32 $0x7E00, s10;
	s9 =	simm.s32 $0x1;
	s10 =	simm.s32 $0x2800  }
.LBB2_1:
0xe: {  	s14 =	simm.s32 $0x0  }
.LBB2_2:
0xf: {  	p0 =	sne.s32 s14, $0xFE00  }
.Ltmp0:
0x10: {  	_ = 	snop;
	(pc) =	sbr.rel @p0 .LBB2_2-.Ltmp0, $3  }
0x11: {  	_ =	sdelay $0x1  }
0x12: {  	s15 =	sshra.s32 s14, $0x2  }
0x13: {  	s14 =	sadd.s32 $0x200, s14;
	[tilespmem:s15+$0x16880] =	vst v0  }
0x14: {  	s14 =	simm.s32 $0x200;
	s15 =	simm.s32 $0x0  }
.LBB2_4:
0x15: {  	p0 =	sne.s32 s14, $0x4FE00;
	[tilespmem:s15+$0x2880] =	vst v1;
	s15 =	smov.u32 s14;
	s14 =	sadd.s32 $0x200, s14  }
.Ltmp1:
0x16: {  	(pc) =	sbr.rel @p0 .LBB2_4-.Ltmp1, $2  }
0x17: {  	_ =	sdelay $0x2  }
0x18: {  	s15 =	sshra.s32 s15, $0x2  }
0x19: {  	[tilespmem:s15+$0x2880] =	vst v1  }
0x1a: {  	[spmem:s4] =	stream.linear.scatter [tilespmem:s8], [sflag:$0x1], $0x14000, $0x38;
	[tilespmem:$0x1A880] =	vst v63  }
0x1b: {  	_ =	swait.ge [sflag:s9], $0x14000  }
0x1c: {  	[sflag:s9] =	ssyncset.done $0x0  }
0x1d: {  	[sflag:s9] =	ssyncadd.s32 $0xFFFEC000  }
0x1e: {  	s14 =	sadd.s32 $0x0, s7;
	[bflag:$0x0] =	sbarrier.arrive $0xFFFF  }
0x1f: {  	[tilespmem:s10], [sflag:$0x1] =	stream.linear.gather [hbm4b:s14+s3], $0x80, $0x38;
	[tilespmem:$0x1A880] =	vst v63  }
0x20: {  	_ =	swait.ge [sflag:s9], $0x80  }
0x21: {  	[sflag:s9] =	ssyncset.done $0x0  }
0x22: {  	[sflag:s9] =	ssyncadd.s32 $0xFFFFFF80  }
0x23: {  	[spmem:s2] =	stream.indirect.scatter.add.f32 [tilespmem:s12], [sflag:$0x1], $0x10, s10, s11, $0xb8;
	[tilespmem:$0x1A880] =	vst v63  }
0x24: {  	_ =	swait.ge [sflag:s9], $0x800  }
0x25: {  	s15 =	simm.s32 $0x20;
	s14 =	simm.s32 $0x10;
	[sflag:s9] =	ssyncset.done $0x0  }
.LBB2_6:
0x26: {  	s16 =	sadd.s32 s14, s7  }
0x27: {  	[sflag:s9] =	ssyncadd.s32 $0xFFFFF800;
	s14 =	smov.u32 s15;
	s17 =	sadd.s32 $0x10, s15  }
0x28: {  	[tilespmem:s10], [sflag:$0x1] =	stream.linear.gather [hbm4b:s16+s3], $0x80, $0x38;
	[tilespmem:$0x1A880] =	vst v63  }
0x29: {  	p0 =	sne.s32 s15, $0x4F0;
	_ =	swait.ge [sflag:s9], $0x80  }
.Ltmp2:
0x2a: {  	[sflag:s9] =	ssyncset.done $0x0;
	(pc) =	sbr.rel @p0 .LBB2_6-.Ltmp2, $4  }
0x2b: {  	[sflag:s9] =	ssyncadd.s32 $0xFFFFFF80  }
0x2c: {  	[spmem:s2] =	stream.indirect.scatter.add.f32 [tilespmem:s12], [sflag:$0x1], $0x10, s10, s11, $0xb8;
	[tilespmem:$0x1A880] =	vst v63  }
0x2d: {  	_ =	swait.ge [sflag:s9], $0x800  }
0x2e: {  	s15 =	smov.u32 s17;
	[sflag:s9] =	ssyncset.done $0x0  }
0x2f: {  	s14 =	sadd.s32 s14, s7;
	[sflag:s9] =	ssyncadd.s32 $0xFFFFF800  }
0x30: {  	[tilespmem:s10], [sflag:$0x1] =	stream.linear.gather [hbm4b:s14+s3], $0x80, $0x38;
	[tilespmem:$0x1A880] =	vst v63  }
0x31: {  	_ =	swait.ge [sflag:s9], $0x80  }
0x32: {  	[sflag:s9] =	ssyncset.done $0x0  }
0x33: {  	[sflag:s9] =	ssyncadd.s32 $0xFFFFFF80  }
0x34: {  	[spmem:s2] =	stream.indirect.scatter.add.f32 [tilespmem:s12], [sflag:$0x1], $0x10, s10, s11, $0xb8;
	[tilespmem:$0x1A880] =	vst v63  }
0x35: {  	_ =	swait.ge [sflag:s9], $0x800  }
0x36: {  	[sflag:s9] =	ssyncset.done $0x0  }
0x37: {  	[sflag:s9] =	ssyncadd.s32 $0xFFFFF800  }
0x38: {  	[bflag:$0x0] =	sbarrier.arrive $0xFFFF  }
0x39: {  	[tilespmem:s8], [sflag:$0x1] =	stream.linear.gather [spmem:s4], $0x14000, $0x38;
	[tilespmem:$0x1A880] =	vst v63  }
0x3a: {  	s13 =	sadd.s32 $0x1, s13;
	_ =	swait.ge [sflag:s9], $0x14000  }
0x3b: {  	p0 =	sne.s32 s13, s5;
	[sflag:s9] =	ssyncset.done $0x0  }
.Ltmp3:
0x3c: {  	[sflag:s9] =	ssyncadd.s32 $0xFFFEC000;
	(pc) =	sbr.rel @p0 .LBB2_1-.Ltmp3, $4  }
0x3d: {  	[hbm4b:s6+s3] =	stream.linear.scatter [tilespmem:s8], [sflag:$0x1], $0x14000, $0x38;
	[tilespmem:$0x1A880] =	vst v63  }
0x3e: {  	_ =	swait.ge [sflag:s9], $0x14000  }
0x3f: {  	[sflag:s9] =	ssyncset.done $0x0  }
0x40: {  	[sflag:s9] =	ssyncadd.s32 $0xFFFEC000  }
0x41: {  	_ =	sfence.sel $0x180000  }
0x42: {  	[bflag:$0x0] =	sbarrier.arrive $0xFFFF  }
0x43: {  	p0 =	sne.s32 s1, $0x0;
	_ =	strace $0x90000047  }
0x44: {  	s0 =	sadd.s32 @!p0 $0x100000, s0;
	[bflag:$0x2] =	sbarrier.arrive $0xFFFF  }
0x45: {  	[sflag:s0] =	ssyncadd.tile.s32 @!p0 $0x1;
	_ =	shalt  }
.Lfunc_end2:
_tile_overlayer_lowered:
.L_overlay_start_2:
0x46: {  	(tag) =	ssettag $0x2  }
0x47: {  	s0 =	rddreg [dreg:$0x0];
	s2 =	stileid.u32  }
0x48: {  	s1 =	rddreg [dreg:$0x1];
	p0 =	sne.s32 s2, $0x0  }
0x49: {  	s3 =	rddreg [dreg:$0x2];
	[bflag:$0x3] =	sbarrier.arrive $0xFFFF;
	s2 =	simm.s32 @!p0 $0x1C01  }
0x4a: {  	[timem:s3], [sflag:s2] =	dma.local @!p0 [hbm:s0], s1  }
0x4b: {  	s0 =	simm.s32 @!p0 $0x1  }
0x4c: {  	_ =	swait.ge @!p0 [sflag:s0], s1  }
0x4d: {  	s1 =	ssub.s32 @!p0 $0x0, s1;
	[sflag:s0] =	ssyncset.done @!p0 $0x0  }
0x4e: {  	[sflag:s0] =	ssyncadd.s32 @!p0 s1  }
0x4f: {  	[bflag:$0x3] =	sbarrier.arrive $0xFFFF  }
0x50: {  	_ =	shalt  }

// kernel: kernel.13.cloned.1.call-start
scs
__scs_entry_jumppad:
0x0: {  	(pc) =	sbr.rel $0x88, $3  }
0x1: {  	(tag) =	ssettag $0x0;
	lr =	simm.s32 $0x1  }
0x2: {  	[smem:$0x3F8A] =	sst lr;
	_ =	strace $0xD0000000  }
0x3: {  	_ = 	snop  }
0x4: {  	_ = 	snop  }
0x5: {  	_ = 	snop  }
0x6: {  	_ = 	snop  }
0x7: {  	_ = 	snop  }
__scs_overlays_trampoline_lowered:
0x8: {  	[smem:$0x3F99] =	sst s0  }
0x9: {  	[smem:$0x3F9A] =	sst s1  }
0xa: {  	[smem:$0x3F9B] =	sst s2  }
0xb: {  	[smem:$0x3F9C] =	sst s3  }
0xc: {  	[smem:$0x3F9D] =	sst s4  }
0xd: {  	[smem:$0x3F9E] =	sst s5  }
0xe: {  	[smem:$0x3F9F] =	sst s6  }
0xf: {  	[smem:$0x3FA0] =	sst s7  }
0x10: {  	[smem:$0x3FA1] =	sst s8  }
0x11: {  	[smem:$0x3FA2] =	sst s9;
	s0 =	simm.s32 @!p0 $0x0  }
0x12: {  	s1 =	sld [smem:$0x3F88];
	s0 =	simm.s32 @p0 $0x1  }
0x13: {  	[smem:$0x3FA3] =	sst s0;
	s0 =	simm.s32 @!p1 $0x0  }
0x14: {  	s2 =	sld [smem:$0x3F87];
	s0 =	simm.s32 @p1 $0x1  }
0x15: {  	[smem:$0x3FA4] =	sst s0;
	s0 =	simm.s32 @!p2 $0x0  }
0x16: {  	s3 =	sld [smem:$0x3FDB];
	s0 =	simm.s32 @p2 $0x1  }
0x17: {  	s4 =	simm.s32 $0x1BF5;
	[smem:$0x3FA6] =	sst s0  }
0x18: {  	s0 =	sld [smem:$0x3F89];
	_ =	swait.ge [sflag:s4], $0x0  }
0x19: {  	s7 =	sld [smem:$0x3F8A]  }
0x1a: {  	s8 =	sadd.s32 $0xFFFFE003, lr  }
0x1b: {  	s9 =	sadd.s32 $0xFFFFFEF7, lr;
	s5 =	simm.s32 $0xFFFFFFFF;
	p2 =	slt.u32 s8, $0xFFFFF086  }
0x1c: {  	p1 =	slt.u32 s9, $0xF7A;
	s5 =	simm.s32 @!p2 $0x0  }
0x1d: {  	s5 =	simm.s32 @p1 $0x1;
	p0 =	seq.s32 s7, s2  }
0x1e: {  	s7 =	smul.u32 @!p0 $0xF7A, s2;
	p2 =	seq.s32 @!p0 s5, $0x0  }
0x1f: {  	s9 =	smul.u32 $0xF7A, s1;
	s8 =	simm.s32 @!p0 $0x1BF5;
	p2 =	por !p2, p0  }
0x20: {  	[sflag:s8] =	ssyncset.s32 @!p0 $0xFFFFF086;
	s6 =	sadd.s32 @!p0 s3, s7;
	s7 =	simm.s32 @!p0 $0x108  }
0x21: {  	s3 =	sadd.s32 s3, s9;
	s6 =	sadd.s32 @!p0 $0x88, s6;
	s7 =	simm.s32 @p2 $0x1082  }
0x22: {  	[simem:s7], [sflag:s8] =	dma.local @!p0 [hbm:s6], $0xF7A  }
0x23: {  	s9 =	sor.u32 $0xD0000000, s2;
	s6 =	simm.s32 $0x108;
	_ =	swait.ge @!p0 [sflag:s8], $0x0  }
0x24: {  	s3 =	sadd.s32 $0x88, s3;
	s6 =	simm.s32 @!p1 $0x1082;
	[sflag:s4] =	ssyncset.s32 $0xFFFFF086  }
0x25: {  	[simem:s6], [sflag:s4] =	dma.local [hbm:s3], $0xF7A  }
0x26: {  	[smem:$0x3F8A] =	sst s1;
	(tag) =	ssettag s2;
	_ =	strace s9  }
0x27: {  	s1 =	sld [smem:$0x3F9A]  }
0x28: {  	s2 =	sld [smem:$0x3F9B]  }
0x29: {  	s4 =	sld [smem:$0x3F9D]  }
0x2a: {  	p0 =	seq.s32 s5, $0x0;
	s5 =	sld [smem:$0x3F9E]  }
0x2b: {  	s6 =	sld [smem:$0x3F9F]  }
0x2c: {  	s7 =	sld [smem:$0x3FA0]  }
0x2d: {  	s3 =	simm.s32 $0x108;
	s8 =	sld [smem:$0x3FA1]  }
0x2e: {  	s3 =	simm.s32 @!p0 $0x1082;
	s9 =	sld [smem:$0x3FA2]  }
0x2f: {  	lr =	sadd.s32 s0, s3;
	s0 =	sld [smem:$0x3F99]  }
0x30: {  	s3 =	sld [smem:$0x3F9C]  }
0x31: {  	[smem:$0x3FA5] =	sst s10  }
0x32: {  	s10 =	sld [smem:$0x3FA3];
	_ =	sdelay $0x3  }
0x33: {  	p0 =	seq.s32 s10, $0x1;
	s10 =	sld [smem:$0x3FA5];
	_ =	sdelay $0x3  }
0x34: {  	[smem:$0x3FA5] =	sst s10  }
0x35: {  	s10 =	sld [smem:$0x3FA4];
	_ =	sdelay $0x3  }
0x36: {  	p1 =	seq.s32 s10, $0x1;
	s10 =	sld [smem:$0x3FA5];
	_ =	sdelay $0x3  }
0x37: {  	[smem:$0x3FA5] =	sst s10  }
0x38: {  	s10 =	sld [smem:$0x3FA6]  }
0x39: {  	_ = 	snop;
	(pc) =	sbr.ind lr, $3  }
0x3a: {  	_ = 	snop  }
0x3b: {  	_ = 	snop  }
0x3c: {  	p2 =	seq.s32 s10, $0x1;
	s10 =	sld [smem:$0x3FA5]  }
0x3d: {  	_ =	shalt  }
0x3e: {  	_ =	shalt  }
0x3f: {  	_ =	shalt  }
0x40: {  	_ =	shalt  }
0x41: {  	_ =	shalt  }
0x42: {  	_ =	shalt  }
0x43: {  	_ =	shalt  }
0x44: {  	_ =	shalt  }
0x45: {  	_ =	shalt  }
0x46: {  	_ =	shalt  }
0x47: {  	_ =	shalt  }
0x48: {  	_ =	shalt  }
0x49: {  	_ =	shalt  }
0x4a: {  	_ =	shalt  }
0x4b: {  	_ =	shalt  }
0x4c: {  	_ =	shalt  }
0x4d: {  	_ =	shalt  }
0x4e: {  	_ =	shalt  }
0x4f: {  	_ =	shalt  }
0x50: {  	_ =	shalt  }
0x51: {  	_ =	shalt  }
0x52: {  	_ =	shalt  }
0x53: {  	_ =	shalt  }
0x54: {  	_ =	shalt  }
0x55: {  	_ =	shalt  }
0x56: {  	_ =	shalt  }
0x57: {  	_ =	shalt  }
0x58: {  	_ =	shalt  }
0x59: {  	_ =	shalt  }
0x5a: {  	_ =	shalt  }
0x5b: {  	_ =	shalt  }
0x5c: {  	_ =	shalt  }
0x5d: {  	_ =	shalt  }
0x5e: {  	_ =	shalt  }
0x5f: {  	_ =	shalt  }
0x60: {  	_ =	shalt  }
0x61: {  	_ =	shalt  }
0x62: {  	_ =	shalt  }
0x63: {  	_ =	shalt  }
0x64: {  	_ =	shalt  }
0x65: {  	_ =	shalt  }
0x66: {  	_ =	shalt  }
0x67: {  	_ =	shalt  }
0x68: {  	_ =	shalt  }
0x69: {  	_ =	shalt  }
0x6a: {  	_ =	shalt  }
0x6b: {  	_ =	shalt  }
0x6c: {  	_ =	shalt  }
0x6d: {  	_ =	shalt  }
0x6e: {  	_ =	shalt  }
0x6f: {  	_ =	shalt  }
0x70: {  	_ =	shalt  }
0x71: {  	_ =	shalt  }
0x72: {  	_ =	shalt  }
0x73: {  	_ =	shalt  }
0x74: {  	_ =	shalt  }
0x75: {  	_ =	shalt  }
0x76: {  	_ =	shalt  }
0x77: {  	_ =	shalt  }
0x78: {  	_ =	shalt  }
0x79: {  	_ =	shalt  }
0x7a: {  	_ =	shalt  }
0x7b: {  	_ =	shalt  }
0x7c: {  	_ =	shalt  }
0x7d: {  	_ =	shalt  }
0x7e: {  	_ =	shalt  }
0x7f: {  	_ =	shalt  }
0x80: {  	_ =	shalt  }
0x81: {  	_ =	shalt  }
0x82: {  	_ =	shalt  }
0x83: {  	_ =	shalt  }
0x84: {  	_ =	shalt  }
0x85: {  	_ =	shalt  }
0x86: {  	_ =	shalt  }
0x87: {  	_ =	shalt  }
.Lfunc_end0:
.L_simem_size_0:
called_computation.1_lowered:
.L_overlay_start_0:
0x88: {  	s2 =	sld [smem:$0x3FD9]  }
0x89: {  	s3 =	sld [smem:$0x3FFE];
	_ =	sdelay $0x1  }
0x8a: {  	s1 =	srdreg.scid  }
0x8b: {  	s0 =	sand.u32 $0x1, s1  }
0x8c: {  	s16 =	sshll.u32 s0, $0xA;
	s2 =	sadd.s32 s3, s2  }
0x8d: {  	s2 =	sadd.s32 s2, s16  }
0x8e: {  	[smem:$0x3FB1] =	sst s2  }
0x8f: {  	_ = 	snop  }
0x90: {  	(tm) =	ssettm $0x1  }
0x91: {  	s17 =	sld [smem:$0x3FFB];
	_ =	sdelay $0x3  }
0x92: {  	_ =	strace s17  }
0x93: {  	s2 =	sld [smem:$0x3FFC];
	_ =	sdelay $0x3  }
0x94: {  	_ =	strace s2  }
0x95: {  	s2 =	sld [smem:$0x3FFD];
	_ =	sdelay $0x3  }
0x96: {  	_ =	strace s2  }
0x97: {  	_ =	strace $0x8FFFFFFF  }
0x98: {  	s18 =	sld [smem:$0x3FDB];
	_ =	sdelay $0x1  }
0x99: {  	s19 =	simm.s32 $_scs_section_size  }
0x9a: {  	s4 =	simm.s32 $_size__tile_overlayer_lowered;
	s5 =	simm.s32 $_tile_overlayer_lowered  }
0x9b: {  	s22 =	simm.s32 $0x1BFF;
	s21 =	sshll.u32 s5, $0x1;
	s2 =	sadd.s32 s19, s18  }
0x9c: {  	s6 =	simm.s32 $0x0;
	s20 =	sshll.u32 s4, $0x1;
	s4 =	sadd.s32 s21, s2  }
0x9d: {  	[timem:s6], [sflag:s22] =	dma.local [hbm:s4], s20  }
0x9e: {  	_ =	swait.ge [sflag:s22], s20  }
0x9f: {  	s3 =	ssub.s32 $0x0, s20;
	[sflag:s22] =	ssyncset.done $0x0  }
0xa0: {  	[sflag:s22] =	ssyncadd.s32 s3;
	_ =	sdelay $0x1  }
0xa1: {  	s23 =	simm.s32 $0x1B8B  }
0xa2: {  	_ =	swait.ge [sflag:s23], $0x1  }
0xa3: {  	[sflag:s23] =	ssyncset.done $0x0  }
0xa4: {  	s25 =	simm.s32 $0x1B8E;
	s24 =	sld [smem:$0x3FFE];
	[sflag:s23] =	ssyncadd.s32 $0xFFFFFFFF  }
0xa5: {  	s26 =	simm.s32 $execute0_lowered;
	[smem:$0x3FD2] =	sst s25  }
0xa6: {  	s4 =	sshll.u32 s26, $0x1;
	_ =	strace $0x80000049;
	[dreg:$0x1] =	wrdreg $0xFFFFFFFF  }
0xa7: {  	s28 =	simm.s32 $_size_execute0_lowered;
	s2 =	sadd.s32 s2, s4;
	[dreg:$0x0] =	wrdreg $0x0  }
0xa8: {  	s4 =	sshll.u32 s28, $0x1;
	[dreg:$0x2] =	wrdreg s2  }
0xa9: {  	[dreg:$0x3] =	wrdreg s4  }
0xaa: {  	[dreg:$0x4] =	wrdreg $0xC0  }
0xab: {  	_ =	task [dreg:s6], $0x5FFFF  }
0xac: {  	[dreg:$0x1] =	wrdreg $0xFFFFFFFF  }
0xad: {  	[dreg:$0x0] =	wrdreg $0x60  }
0xae: {  	[dreg:$0x2] =	wrdreg s24  }
0xaf: {  	[dreg:$0x3] =	wrdreg $0x0  }
0xb0: {  	[dreg:$0x4] =	wrdreg $0x9  }
0xb1: {  	_ =	task.clear_ibuf [dreg:s6], $0x5FFFF;
	_ =	strace $0x90000049  }
0xb2: {  	s29 =	simm.s32 $0x9;
	_ =	strace $0x8000004B  }
0xb3: {  	_ =	swait.ge [sflag:s29], $0x1  }
0xb4: {  	[sflag:s29] =	ssyncadd.s32 $0xFFFFFFFF  }
0xb5: {  	_ =	strace $0x9000004B  }
0xb6: {  	_ =	sfence  }
0xb7: {  	s30 =	sld [smem:$0x0];
	_ =	sdelay $0x2  }
0xb8: {  	s31 =	sshll.u32 s1, $0xD;
	s1 =	sshrl.u32 s1, $0x2  }
0xb9: {  	s3 =	sand.u32 $0x4000, s31;
	s1 =	sadd.s32 s1, s30  }
0xba: {  	s0 =	sor.u32 s3, s0;
	s1 =	sshll.u32 s1, $0x11  }
0xbb: {  	s0 =	sor.u32 s1, s0  }
0xbc: {  	s0 =	sadd.s32 $0x8F2B, s0  }
0xbd: {  	[sflag:s0] =	ssyncadd.remote.s32 $0x1  }
0xbe: {  	_ =	sfence.sel $0xFFFF  }
0xbf: {  	[dreg:$0x0] =	wrdreg $0xFFFFFFFF;
	(pc) =	sbr.abs _section_cstart, $3  }
0xc0: {  	[dreg:$0x1] =	wrdreg $0xFFFFFFFF  }
0xc1: {  	_ =	task.clear_ibuf [dreg:s6], $0x2FFFF;
	_ =	strace $0x9FFFFFFF  }
0xc2: {  	(tm) =	ssettm $0x7FFFFFFF  }
0xc3: {  	_ =	shalt  }
tec
execute0_lowered:
.L_overlay_start_1:
0x0: {  	(tag) =	ssettag $0x1  }
0x1: {  	s0 =	rddreg [dreg:$0x0]  }
0x2: {  	s2 =	rddreg [dreg:$0x1];
	s1 =	stileid.u32  }
0x3: {  	s3 =	simm.s32 $0x0;
	s4 =	srdreg.scid;
	s5 =	smul.u32 $0x50000, s1  }
0x4: {  	s28 =	simm.s32 $0x1;
	s29 =	simm.s32 $0x3;
	s6 =	smul.u32 $0xA00, s1  }
0x5: {  	s30 =	simm.s32 $0x0;
	[smem:$0x7FF] =	sst s3;
	s15 =	smul.u32 $0x280, s1  }
0x6: {  	s14 =	sand.u32 $0x1, s4;
	s4 =	sadd.s32 $0x11E00, s0;
	s16 =	smul.u32 $0x2800, s1  }
0x7: {  	_ =	strace $0x8000004A;
	s7 =	ssub.s32 $0x2, s14;
	p0 =	seq.s32 s14, $0x0  }
0x8: {  	s5 =	sshrl.u32 s5, $0x2;
	s18 =	sadd.s32 s6, s0;
	s22 =	sshrl.u32 s7, $0x1  }
0x9: {  	s12 =	sadd.s32 $0x80, s15;
	s13 =	sadd.s32 $0x100, s15;
	s19 =	sadd.s32 $0x180, s15  }
0xa: {  	s15 =	sadd.s32 $0x200, s15;
	s5 =	sadd.s32 s5, s2;
	s10 =	ssub.s32 s7, s22  }
0xb: {  	s11 =	sshll.u32 s12, $0x7;
	s17 =	sshll.u32 s13, $0x7;
	s20 =	sshll.u32 s12, $0x4  }
0xc: {  	s25 =	sshll.u32 s19, $0x7;
	s21 =	sshll.u32 s13, $0x4;
	s19 =	sshll.u32 s19, $0x4  }
0xd: {  	s22 =	sshll.u32 s15, $0x7;
	s26 =	sshll.u32 s15, $0x4;
	s23 =	sadd.s32 $0x4000, s5  }
0xe: {  	s24 =	sadd.s32 $0x8000, s5;
	s8 =	sadd.s32 $0xC000, s5;
	s9 =	sadd.s32 $0x10000, s5  }
0xf: {  	s10 =	smax.u32 s10, $0x1;
	s11 =	sadd.s32 s11, s2;
	s12 =	sadd.s32 s17, s2  }
0x10: {  	s13 =	sadd.s32 s25, s2;
	s17 =	simm.s32 $0x6BE00;
	[dreg:$0x3] =	wrdreg s23  }
0x11: {  	s25 =	simm.s32 $0x14000;
	[dreg:$0x4] =	wrdreg s24;
	s17 =	simm.s32 @!p0 $0x93E00  }
0x12: {  	s23 =	smul.u32 $0x500, s14;
	s14 =	sadd.s32 s22, s2;
	s0 =	sadd.s32 s17, s0  }
0x13: {  	s22 =	simm.s32 $0x14100;
	s24 =	simm.s32 $0x14080;
	s15 =	sadd.s32 s0, s16  }
0x14: {  	s16 =	sadd.s32 s0, s20;
	s17 =	sadd.s32 s0, s21;
	s31 =	sadd.s32 s23, s18  }
0x15: {  	s18 =	sadd.s32 s0, s19;
	s19 =	sadd.s32 s0, s26;
	s23 =	simm.s32 $0x2  }
0x16: {  	v0 =	vimm.f32 $0.0e+00;
	s26 =	simm.s32 $0x80;
	s20 =	sadd.s32 $0x7E00, s31;
	s21 =	sadd.s32 $0x61E00, s31  }
.LBB2_1:
0x17: {  	s31 =	simm.s32 $0x0;
	s0 =	simm.s32 $0x200  }
.LBB2_2:
0x18: {  	p1 =	sne.s32 s0, $0xFE00;
	[tilespmem:s31+$0x14170] =	vst v0  }
0x19: {  	[tilespmem:s31+$0x14100] =	vst v0  }
0x1a: {  	[tilespmem:s31+$0x14110] =	vst v0  }
.Ltmp0:
0x1b: {  	[tilespmem:s31+$0x14120] =	vst v0;
	(pc) =	sbr.rel @p1 .LBB2_2-.Ltmp0, $4  }
0x1c: {  	[tilespmem:s31+$0x14130] =	vst v0  }
0x1d: {  	[tilespmem:s31+$0x14140] =	vst v0  }
0x1e: {  	[tilespmem:s31+$0x14150] =	vst v0  }
0x1f: {  	[tilespmem:s31+$0x14160] =	vst v0;
	s31 =	sshra.s32 s0, $0x2;
	s0 =	sadd.s32 $0x200, s0  }
0x20: {  	[tilespmem:s31+$0x14170] =	vst v0  }
0x21: {  	[tilespmem:s31+$0x14100] =	vst v0  }
0x22: {  	[tilespmem:s31+$0x14110] =	vst v0  }
0x23: {  	[tilespmem:s31+$0x14120] =	vst v0  }
0x24: {  	[tilespmem:s31+$0x14130] =	vst v0  }
0x25: {  	[tilespmem:s31+$0x14140] =	vst v0  }
0x26: {  	[tilespmem:s31+$0x14150] =	vst v0  }
0x27: {  	[tilespmem:s31+$0x14160] =	vst v0  }
0x28: {  	[spmem:s5] =	stream.linear.scatter [tilespmem:s22], [sflag:$0x2], $0x4000, $0x38;
	[tilespmem:$0x18100] =	vst v63  }
0x29: {  	_ =	swait.ge [sflag:s23], $0x4000  }
0x2a: {  	[sflag:s23] =	ssyncset.done $0x0  }
0x2b: {  	s0 =	rddreg [dreg:$0x3];
	[sflag:s23] =	ssyncadd.s32 $0xFFFFC000  }
0x2c: {  	[spmem:s0] =	stream.linear.scatter [tilespmem:s22], [sflag:$0x2], $0x4000, $0x38;
	[tilespmem:$0x18100] =	vst v63  }
0x2d: {  	_ =	swait.ge [sflag:s23], $0x4000  }
0x2e: {  	[sflag:s23] =	ssyncset.done $0x0  }
0x2f: {  	s1 =	rddreg [dreg:$0x4];
	[sflag:s23] =	ssyncadd.s32 $0xFFFFC000  }
0x30: {  	[spmem:s1] =	stream.linear.scatter [tilespmem:s22], [sflag:$0x2], $0x4000, $0x38;
	[tilespmem:$0x18100] =	vst v63  }
0x31: {  	_ =	swait.ge [sflag:s23], $0x4000  }
0x32: {  	[sflag:s23] =	ssyncset.done $0x0  }
0x33: {  	[sflag:s23] =	ssyncadd.s32 $0xFFFFC000  }
0x34: {  	[spmem:s8] =	stream.linear.scatter [tilespmem:s22], [sflag:$0x2], $0x4000, $0x38;
	[tilespmem:$0x18100] =	vst v63  }
0x35: {  	_ =	swait.ge [sflag:s23], $0x4000  }
0x36: {  	[sflag:s23] =	ssyncset.done $0x0  }
0x37: {  	[sflag:s23] =	ssyncadd.s32 $0xFFFFC000  }
0x38: {  	[spmem:s9] =	stream.linear.scatter [tilespmem:s22], [sflag:$0x2], $0x4000, $0x38;
	[tilespmem:$0x18100] =	vst v63  }
0x39: {  	_ =	swait.ge [sflag:s23], $0x4000  }
0x3a: {  	[sflag:s23] =	ssyncset.done $0x0  }
0x3b: {  	[sflag:s23] =	ssyncadd.s32 $0xFFFFC000  }
0x3c: {  	s6 =	sadd.s32 $0x0, s21;
	[bflag:$0x0] =	sbarrier.arrive $0xFFFF  }
0x3d: {  	[tilespmem:s24], [sflag:$0x2] =	stream.linear.gather [hbm4b:s6+s3], $0x80, $0x38;
	[tilespmem:$0x18100] =	vst v63  }
0x3e: {  	_ =	swait.ge [sflag:s23], $0x80  }
0x3f: {  	[sflag:s23] =	ssyncset.done $0x0  }
0x40: {  	s7 =	sadd.s32 $0x0, s20;
	[sflag:s23] =	ssyncadd.s32 $0xFFFFFF80  }
0x41: {  	[tilespmem:s25], [sflag:$0x2] =	stream.linear.gather [hbm4b:s7+s3], $0x80, $0x38;
	[tilespmem:$0x18100] =	vst v63  }
0x42: {  	_ =	swait.ge [sflag:s23], $0x80  }
0x43: {  	[sflag:s23] =	ssyncset.done $0x0  }
0x44: {  	[sflag:s23] =	ssyncadd.s32 $0xFFFFFF80  }
0x45: {  	[tilespmem:s22], [sflag:$0x1] =	stream.indirect.gather [hbm4b:s4+s26], $0x80, s24, s26, $0xb8;
	[tilespmem:$0x18100] =	vst v63  }
0x46: {  	_ =	swait.ge [sflag:s28], $0x4000  }
0x47: {  	[sflag:s28] =	ssyncset.done $0x0  }
0x48: {  	[sflag:s28] =	ssyncadd.s32 $0xFFFFC000  }
0x49: {  	[spmem:s2] =	stream.indirect.scatter.add.f32 [tilespmem:s22], [sflag:$0x2], $0x80, s25, s26, $0xb8;
	[tilespmem:$0x18100] =	vst v63  }
0x4a: {  	_ =	swait.ge [sflag:s23], $0x4000  }
0x4b: {  	s31 =	simm.s32 $0x10;
	s0 =	simm.s32 $0x20;
	[sflag:s23] =	ssyncset.done $0x0  }
.LBB2_4:
0x4c: {  	s1 =	sadd.s32 s31, s21  }
0x4d: {  	[sflag:s23] =	ssyncadd.s32 $0xFFFFC000;
	s6 =	smov.u32 s0;
	s7 =	sadd.s32 $0x10, s0  }
0x4e: {  	[tilespmem:s24], [sflag:$0x2] =	stream.linear.gather [hbm4b:s1+s3], $0x80, $0x38;
	[tilespmem:$0x18100] =	vst v63  }
0x4f: {  	p1 =	sne.s32 s0, $0x4F0;
	_ =	swait.ge [sflag:s23], $0x80  }
0x50: {  	[sflag:s23] =	ssyncset.done $0x0  }
0x51: {  	s0 =	sadd.s32 s31, s20;
	s31 =	smov.u32 s6;
	[sflag:s23] =	ssyncadd.s32 $0xFFFFFF80  }
0x52: {  	[tilespmem:s25], [sflag:$0x2] =	stream.linear.gather [hbm4b:s0+s3], $0x80, $0x38;
	[tilespmem:$0x18100] =	vst v63  }
0x53: {  	_ =	swait.ge [sflag:s23], $0x80  }
0x54: {  	[sflag:s23] =	ssyncset.done $0x0  }
0x55: {  	[sflag:s23] =	ssyncadd.s32 $0xFFFFFF80  }
0x56: {  	[tilespmem:s22], [sflag:$0x1] =	stream.indirect.gather [hbm4b:s4+s26], $0x80, s24, s26, $0xb8;
	[tilespmem:$0x18100] =	vst v63  }
0x57: {  	_ =	swait.ge [sflag:s28], $0x4000  }
.Ltmp1:
0x58: {  	[sflag:s28] =	ssyncset.done $0x0;
	(pc) =	sbr.rel @p1 .LBB2_4-.Ltmp1, $4  }
0x59: {  	[sflag:s28] =	ssyncadd.s32 $0xFFFFC000  }
0x5a: {  	[spmem:s2] =	stream.indirect.scatter.add.f32 [tilespmem:s22], [sflag:$0x2], $0x80, s25, s26, $0xb8;
	[tilespmem:$0x18100] =	vst v63  }
0x5b: {  	_ =	swait.ge [sflag:s23], $0x4000  }
0x5c: {  	s0 =	smov.u32 s7;
	[sflag:s23] =	ssyncset.done $0x0  }
0x5d: {  	s0 =	sadd.s32 s31, s21;
	[sflag:s23] =	ssyncadd.s32 $0xFFFFC000  }
0x5e: {  	[tilespmem:s24], [sflag:$0x2] =	stream.linear.gather [hbm4b:s0+s3], $0x80, $0x38;
	[tilespmem:$0x18100] =	vst v63  }
0x5f: {  	_ =	swait.ge [sflag:s23], $0x80  }
0x60: {  	[sflag:s23] =	ssyncset.done $0x0  }
0x61: {  	s31 =	sadd.s32 s31, s20;
	[sflag:s23] =	ssyncadd.s32 $0xFFFFFF80  }
0x62: {  	[tilespmem:s25], [sflag:$0x2] =	stream.linear.gather [hbm4b:s31+s3], $0x80, $0x38;
	[tilespmem:$0x18100] =	vst v63  }
0x63: {  	_ =	swait.ge [sflag:s23], $0x80  }
0x64: {  	[sflag:s23] =	ssyncset.done $0x0  }
0x65: {  	[sflag:s23] =	ssyncadd.s32 $0xFFFFFF80  }
0x66: {  	[tilespmem:s22], [sflag:$0x1] =	stream.indirect.gather [hbm4b:s4+s26], $0x80, s24, s26, $0xb8;
	[tilespmem:$0x18100] =	vst v63  }
0x67: {  	_ =	swait.ge [sflag:s28], $0x4000  }
0x68: {  	[sflag:s28] =	ssyncset.done $0x0  }
0x69: {  	[sflag:s28] =	ssyncadd.s32 $0xFFFFC000  }
0x6a: {  	[spmem:s2] =	stream.indirect.scatter.add.f32 [tilespmem:s22], [sflag:$0x2], $0x80, s25, s26, $0xb8;
	[tilespmem:$0x18100] =	vst v63  }
0x6b: {  	_ =	swait.ge [sflag:s23], $0x4000  }
0x6c: {  	[sflag:s23] =	ssyncset.done $0x0  }
0x6d: {  	[sflag:s23] =	ssyncadd.s32 $0xFFFFC000  }
0x6e: {  	[bflag:$0x0] =	sbarrier.arrive $0xFFFF  }
0x6f: {  	[tilespmem:s22], [sflag:$0x3] =	stream.linear.gather [spmem:s5], $0x4000, $0x38;
	[tilespmem:$0x18100] =	vst v63  }
0x70: {  	_ =	swait.ge [sflag:s29], $0x4000  }
0x71: {  	s0 =	simm.s32 $0x3;
	[sflag:s29] =	ssyncset.done $0x0  }
0x72: {  	s0 =	simm.s32 @!p0 $0x2;
	[sflag:s29] =	ssyncadd.s32 $0xFFFFC000  }
0x73: {  	[hbm4b:s15+s3] =	stream.linear.scatter [tilespmem:s22], [sflag:s0], $0x4000, $0x38;
	[tilespmem:$0x18100] =	vst v63  }
0x74: {  	_ =	swait.ge [sflag:s0], $0x4000  }
0x75: {  	[sflag:s0] =	ssyncset.done $0x0  }
0x76: {  	[sflag:s0] =	ssyncadd.s32 $0xFFFFC000  }
0x77: {  	[tilespmem:s22], [sflag:$0x3] =	stream.linear.gather [spmem:s11], $0x4000, $0x38;
	[tilespmem:$0x18100] =	vst v63  }
0x78: {  	_ =	swait.ge [sflag:s29], $0x4000  }
0x79: {  	[sflag:s29] =	ssyncset.done $0x0  }
0x7a: {  	[sflag:s29] =	ssyncadd.s32 $0xFFFFC000  }
0x7b: {  	[hbm4b:s16+s3] =	stream.linear.scatter [tilespmem:s22], [sflag:s0], $0x4000, $0x38;
	[tilespmem:$0x18100] =	vst v63  }
0x7c: {  	_ =	swait.ge [sflag:s0], $0x4000  }
0x7d: {  	[sflag:s0] =	ssyncset.done $0x0  }
0x7e: {  	[sflag:s0] =	ssyncadd.s32 $0xFFFFC000  }
0x7f: {  	[tilespmem:s22], [sflag:$0x3] =	stream.linear.gather [spmem:s12], $0x4000, $0x38;
	[tilespmem:$0x18100] =	vst v63  }
0x80: {  	_ =	swait.ge [sflag:s29], $0x4000  }
0x81: {  	[sflag:s29] =	ssyncset.done $0x0  }
0x82: {  	[sflag:s29] =	ssyncadd.s32 $0xFFFFC000  }
0x83: {  	[hbm4b:s17+s3] =	stream.linear.scatter [tilespmem:s22], [sflag:s0], $0x4000, $0x38;
	[tilespmem:$0x18100] =	vst v63  }
0x84: {  	_ =	swait.ge [sflag:s0], $0x4000  }
0x85: {  	[sflag:s0] =	ssyncset.done $0x0  }
0x86: {  	[sflag:s0] =	ssyncadd.s32 $0xFFFFC000  }
0x87: {  	[tilespmem:s22], [sflag:$0x3] =	stream.linear.gather [spmem:s13], $0x4000, $0x38;
	[tilespmem:$0x18100] =	vst v63  }
0x88: {  	_ =	swait.ge [sflag:s29], $0x4000  }
0x89: {  	[sflag:s29] =	ssyncset.done $0x0  }
0x8a: {  	[sflag:s29] =	ssyncadd.s32 $0xFFFFC000  }
0x8b: {  	[hbm4b:s18+s3] =	stream.linear.scatter [tilespmem:s22], [sflag:s0], $0x4000, $0x38;
	[tilespmem:$0x18100] =	vst v63  }
0x8c: {  	_ =	swait.ge [sflag:s0], $0x4000  }
0x8d: {  	[sflag:s0] =	ssyncset.done $0x0  }
0x8e: {  	[sflag:s0] =	ssyncadd.s32 $0xFFFFC000  }
0x8f: {  	[tilespmem:s22], [sflag:$0x3] =	stream.linear.gather [spmem:s14], $0x4000, $0x38;
	[tilespmem:$0x18100] =	vst v63  }
0x90: {  	s30 =	sadd.s32 $0x1, s30;
	_ =	swait.ge [sflag:s29], $0x4000  }
0x91: {  	p1 =	sne.s32 s30, s10;
	[sflag:s29] =	ssyncset.done $0x0  }
.Ltmp2:
0x92: {  	[sflag:s29] =	ssyncadd.s32 $0xFFFFC000;
	(pc) =	sbr.rel @p1 .LBB2_1-.Ltmp2, $4  }
0x93: {  	[hbm4b:s19+s3] =	stream.linear.scatter [tilespmem:s22], [sflag:s0], $0x4000, $0x38;
	[tilespmem:$0x18100] =	vst v63  }
0x94: {  	_ =	swait.ge [sflag:s0], $0x4000  }
0x95: {  	[sflag:s0] =	ssyncset.done $0x0  }
0x96: {  	[sflag:s0] =	ssyncadd.s32 $0xFFFFC000  }
0x97: {  	_ =	sfence.sel $0x180000  }
0x98: {  	[bflag:$0x0] =	sbarrier.arrive $0xFFFF  }
0x99: {  	_ =	strace $0x9000004A  }
0x9a: {  	s0 =	stileid.u32;
	[bflag:$0x2] =	sbarrier.arrive $0xFFFF  }
0x9b: {  	p0 =	sne.s32 s0, $0x0;
	s0 =	rddreg [dreg:$0x2]  }
0x9c: {  	s0 =	sadd.s32 @!p0 $0x100000, s0  }
0x9d: {  	[sflag:s0] =	ssyncadd.tile.s32 @!p0 $0x1;
	_ =	shalt  }
.Lfunc_end2:
_tile_overlayer_lowered:
.L_overlay_start_2:
0x9e: {  	(tag) =	ssettag $0x2  }
0x9f: {  	s0 =	rddreg [dreg:$0x0];
	s2 =	stileid.u32  }
0xa0: {  	s1 =	rddreg [dreg:$0x1];
	p0 =	sne.s32 s2, $0x0  }
0xa1: {  	s3 =	rddreg [dreg:$0x2];
	[bflag:$0x3] =	sbarrier.arrive $0xFFFF;
	s2 =	simm.s32 @!p0 $0x1C02  }
0xa2: {  	[timem:s3], [sflag:s2] =	dma.local @!p0 [hbm:s0], s1  }
0xa3: {  	s0 =	simm.s32 @!p0 $0x2  }
0xa4: {  	_ =	swait.ge @!p0 [sflag:s0], s1  }
0xa5: {  	s1 =	ssub.s32 @!p0 $0x0, s1;
	[sflag:s0] =	ssyncset.done @!p0 $0x0  }
0xa6: {  	[sflag:s0] =	ssyncadd.s32 @!p0 s1  }
0xa7: {  	[bflag:$0x3] =	sbarrier.arrive $0xFFFF  }
0xa8: {  	_ =	shalt  }

// kernel: kernel.16.cloned.1.call-start
scs
__scs_entry_jumppad:
0x0: {  	(pc) =	sbr.rel $0x88, $3  }
0x1: {  	(tag) =	ssettag $0x0;
	lr =	simm.s32 $0x1  }
0x2: {  	[smem:$0x3F8A] =	sst lr;
	_ =	strace $0xD0000000  }
0x3: {  	_ = 	snop  }
0x4: {  	_ = 	snop  }
0x5: {  	_ = 	snop  }
0x6: {  	_ = 	snop  }
0x7: {  	_ = 	snop  }
__scs_overlays_trampoline_lowered:
0x8: {  	[smem:$0x3F99] =	sst s0  }
0x9: {  	[smem:$0x3F9A] =	sst s1  }
0xa: {  	[smem:$0x3F9B] =	sst s2  }
0xb: {  	[smem:$0x3F9C] =	sst s3  }
0xc: {  	[smem:$0x3F9D] =	sst s4  }
0xd: {  	[smem:$0x3F9E] =	sst s5  }
0xe: {  	[smem:$0x3F9F] =	sst s6  }
0xf: {  	[smem:$0x3FA0] =	sst s7  }
0x10: {  	[smem:$0x3FA1] =	sst s8  }
0x11: {  	[smem:$0x3FA2] =	sst s9;
	s0 =	simm.s32 @!p0 $0x0  }
0x12: {  	s1 =	sld [smem:$0x3F88];
	s0 =	simm.s32 @p0 $0x1  }
0x13: {  	[smem:$0x3FA3] =	sst s0;
	s0 =	simm.s32 @!p1 $0x0  }
0x14: {  	s2 =	sld [smem:$0x3F87];
	s0 =	simm.s32 @p1 $0x1  }
0x15: {  	[smem:$0x3FA4] =	sst s0;
	s0 =	simm.s32 @!p2 $0x0  }
0x16: {  	s3 =	sld [smem:$0x3FDB];
	s0 =	simm.s32 @p2 $0x1  }
0x17: {  	s4 =	simm.s32 $0x1BF5;
	[smem:$0x3FA6] =	sst s0  }
0x18: {  	s0 =	sld [smem:$0x3F89];
	_ =	swait.ge [sflag:s4], $0x0  }
0x19: {  	s7 =	sld [smem:$0x3F8A]  }
0x1a: {  	s8 =	sadd.s32 $0xFFFFE003, lr  }
0x1b: {  	s9 =	sadd.s32 $0xFFFFFEF7, lr;
	s5 =	simm.s32 $0xFFFFFFFF;
	p2 =	slt.u32 s8, $0xFFFFF086  }
0x1c: {  	p1 =	slt.u32 s9, $0xF7A;
	s5 =	simm.s32 @!p2 $0x0  }
0x1d: {  	s5 =	simm.s32 @p1 $0x1;
	p0 =	seq.s32 s7, s2  }
0x1e: {  	s7 =	smul.u32 @!p0 $0xF7A, s2;
	p2 =	seq.s32 @!p0 s5, $0x0  }
0x1f: {  	s9 =	smul.u32 $0xF7A, s1;
	s8 =	simm.s32 @!p0 $0x1BF5;
	p2 =	por !p2, p0  }
0x20: {  	[sflag:s8] =	ssyncset.s32 @!p0 $0xFFFFF086;
	s6 =	sadd.s32 @!p0 s3, s7;
	s7 =	simm.s32 @!p0 $0x108  }
0x21: {  	s3 =	sadd.s32 s3, s9;
	s6 =	sadd.s32 @!p0 $0x88, s6;
	s7 =	simm.s32 @p2 $0x1082  }
0x22: {  	[simem:s7], [sflag:s8] =	dma.local @!p0 [hbm:s6], $0xF7A  }
0x23: {  	s9 =	sor.u32 $0xD0000000, s2;
	s6 =	simm.s32 $0x108;
	_ =	swait.ge @!p0 [sflag:s8], $0x0  }
0x24: {  	s3 =	sadd.s32 $0x88, s3;
	s6 =	simm.s32 @!p1 $0x1082;
	[sflag:s4] =	ssyncset.s32 $0xFFFFF086  }
0x25: {  	[simem:s6], [sflag:s4] =	dma.local [hbm:s3], $0xF7A  }
0x26: {  	[smem:$0x3F8A] =	sst s1;
	(tag) =	ssettag s2;
	_ =	strace s9  }
0x27: {  	s1 =	sld [smem:$0x3F9A]  }
0x28: {  	s2 =	sld [smem:$0x3F9B]  }
0x29: {  	s4 =	sld [smem:$0x3F9D]  }
0x2a: {  	p0 =	seq.s32 s5, $0x0;
	s5 =	sld [smem:$0x3F9E]  }
0x2b: {  	s6 =	sld [smem:$0x3F9F]  }
0x2c: {  	s7 =	sld [smem:$0x3FA0]  }
0x2d: {  	s3 =	simm.s32 $0x108;
	s8 =	sld [smem:$0x3FA1]  }
0x2e: {  	s3 =	simm.s32 @!p0 $0x1082;
	s9 =	sld [smem:$0x3FA2]  }
0x2f: {  	lr =	sadd.s32 s0, s3;
	s0 =	sld [smem:$0x3F99]  }
0x30: {  	s3 =	sld [smem:$0x3F9C]  }
0x31: {  	[smem:$0x3FA5] =	sst s10  }
0x32: {  	s10 =	sld [smem:$0x3FA3];
	_ =	sdelay $0x3  }
0x33: {  	p0 =	seq.s32 s10, $0x1;
	s10 =	sld [smem:$0x3FA5];
	_ =	sdelay $0x3  }
0x34: {  	[smem:$0x3FA5] =	sst s10  }
0x35: {  	s10 =	sld [smem:$0x3FA4];
	_ =	sdelay $0x3  }
0x36: {  	p1 =	seq.s32 s10, $0x1;
	s10 =	sld [smem:$0x3FA5];
	_ =	sdelay $0x3  }
0x37: {  	[smem:$0x3FA5] =	sst s10  }
0x38: {  	s10 =	sld [smem:$0x3FA6]  }
0x39: {  	_ = 	snop;
	(pc) =	sbr.ind lr, $3  }
0x3a: {  	_ = 	snop  }
0x3b: {  	_ = 	snop  }
0x3c: {  	p2 =	seq.s32 s10, $0x1;
	s10 =	sld [smem:$0x3FA5]  }
0x3d: {  	_ =	shalt  }
0x3e: {  	_ =	shalt  }
0x3f: {  	_ =	shalt  }
0x40: {  	_ =	shalt  }
0x41: {  	_ =	shalt  }
0x42: {  	_ =	shalt  }
0x43: {  	_ =	shalt  }
0x44: {  	_ =	shalt  }
0x45: {  	_ =	shalt  }
0x46: {  	_ =	shalt  }
0x47: {  	_ =	shalt  }
0x48: {  	_ =	shalt  }
0x49: {  	_ =	shalt  }
0x4a: {  	_ =	shalt  }
0x4b: {  	_ =	shalt  }
0x4c: {  	_ =	shalt  }
0x4d: {  	_ =	shalt  }
0x4e: {  	_ =	shalt  }
0x4f: {  	_ =	shalt  }
0x50: {  	_ =	shalt  }
0x51: {  	_ =	shalt  }
0x52: {  	_ =	shalt  }
0x53: {  	_ =	shalt  }
0x54: {  	_ =	shalt  }
0x55: {  	_ =	shalt  }
0x56: {  	_ =	shalt  }
0x57: {  	_ =	shalt  }
0x58: {  	_ =	shalt  }
0x59: {  	_ =	shalt  }
0x5a: {  	_ =	shalt  }
0x5b: {  	_ =	shalt  }
0x5c: {  	_ =	shalt  }
0x5d: {  	_ =	shalt  }
0x5e: {  	_ =	shalt  }
0x5f: {  	_ =	shalt  }
0x60: {  	_ =	shalt  }
0x61: {  	_ =	shalt  }
0x62: {  	_ =	shalt  }
0x63: {  	_ =	shalt  }
0x64: {  	_ =	shalt  }
0x65: {  	_ =	shalt  }
0x66: {  	_ =	shalt  }
0x67: {  	_ =	shalt  }
0x68: {  	_ =	shalt  }
0x69: {  	_ =	shalt  }
0x6a: {  	_ =	shalt  }
0x6b: {  	_ =	shalt  }
0x6c: {  	_ =	shalt  }
0x6d: {  	_ =	shalt  }
0x6e: {  	_ =	shalt  }
0x6f: {  	_ =	shalt  }
0x70: {  	_ =	shalt  }
0x71: {  	_ =	shalt  }
0x72: {  	_ =	shalt  }
0x73: {  	_ =	shalt  }
0x74: {  	_ =	shalt  }
0x75: {  	_ =	shalt  }
0x76: {  	_ =	shalt  }
0x77: {  	_ =	shalt  }
0x78: {  	_ =	shalt  }
0x79: {  	_ =	shalt  }
0x7a: {  	_ =	shalt  }
0x7b: {  	_ =	shalt  }
0x7c: {  	_ =	shalt  }
0x7d: {  	_ =	shalt  }
0x7e: {  	_ =	shalt  }
0x7f: {  	_ =	shalt  }
0x80: {  	_ =	shalt  }
0x81: {  	_ =	shalt  }
0x82: {  	_ =	shalt  }
0x83: {  	_ =	shalt  }
0x84: {  	_ =	shalt  }
0x85: {  	_ =	shalt  }
0x86: {  	_ =	shalt  }
0x87: {  	_ =	shalt  }
.Lfunc_end0:
.L_simem_size_0:
called_computation.2_lowered:
.L_overlay_start_0:
0x88: {  	s2 =	sld [smem:$0x3FD9]  }
0x89: {  	s3 =	sld [smem:$0x3FFE];
	_ =	sdelay $0x1  }
0x8a: {  	s1 =	srdreg.scid  }
0x8b: {  	s0 =	sand.u32 $0x1, s1  }
0x8c: {  	s16 =	sshll.u32 s0, $0xA;
	s2 =	sadd.s32 s3, s2  }
0x8d: {  	s2 =	sadd.s32 s2, s16  }
0x8e: {  	[smem:$0x3FB1] =	sst s2  }
0x8f: {  	_ = 	snop  }
0x90: {  	(tm) =	ssettm $0x1  }
0x91: {  	s17 =	sld [smem:$0x3FFB];
	_ =	sdelay $0x3  }
0x92: {  	_ =	strace s17  }
0x93: {  	s2 =	sld [smem:$0x3FFC];
	_ =	sdelay $0x3  }
0x94: {  	_ =	strace s2  }
0x95: {  	s2 =	sld [smem:$0x3FFD];
	_ =	sdelay $0x3  }
0x96: {  	_ =	strace s2  }
0x97: {  	_ =	strace $0x8FFFFFFF  }
0x98: {  	s18 =	sld [smem:$0x3FDB];
	_ =	sdelay $0x1  }
0x99: {  	s19 =	simm.s32 $_scs_section_size  }
0x9a: {  	s4 =	simm.s32 $_size__tile_overlayer_lowered;
	s5 =	simm.s32 $_tile_overlayer_lowered  }
0x9b: {  	s22 =	simm.s32 $0x1BFF;
	s21 =	sshll.u32 s5, $0x1;
	s2 =	sadd.s32 s19, s18  }
0x9c: {  	s6 =	simm.s32 $0x0;
	s20 =	sshll.u32 s4, $0x1;
	s4 =	sadd.s32 s21, s2  }
0x9d: {  	[timem:s6], [sflag:s22] =	dma.local [hbm:s4], s20  }
0x9e: {  	_ =	swait.ge [sflag:s22], s20  }
0x9f: {  	s3 =	ssub.s32 $0x0, s20;
	[sflag:s22] =	ssyncset.done $0x0  }
0xa0: {  	[sflag:s22] =	ssyncadd.s32 s3;
	_ =	sdelay $0x1  }
0xa1: {  	s23 =	simm.s32 $0x1B8B  }
0xa2: {  	_ =	swait.ge [sflag:s23], $0x1  }
0xa3: {  	[sflag:s23] =	ssyncset.done $0x0  }
0xa4: {  	s25 =	simm.s32 $0x1B8E;
	s24 =	sld [smem:$0x3FFE];
	[sflag:s23] =	ssyncadd.s32 $0xFFFFFFFF  }
0xa5: {  	s26 =	simm.s32 $execute0_lowered;
	[smem:$0x3FD2] =	sst s25  }
0xa6: {  	s4 =	sshll.u32 s26, $0x1;
	_ =	strace $0x8000004C;
	[dreg:$0x1] =	wrdreg $0xFFFFFFFF  }
0xa7: {  	s28 =	simm.s32 $_size_execute0_lowered;
	s2 =	sadd.s32 s2, s4;
	[dreg:$0x0] =	wrdreg $0x0  }
0xa8: {  	s4 =	sshll.u32 s28, $0x1;
	[dreg:$0x2] =	wrdreg s2  }
0xa9: {  	[dreg:$0x3] =	wrdreg s4  }
0xaa: {  	[dreg:$0x4] =	wrdreg $0xC0  }
0xab: {  	_ =	task [dreg:s6], $0x5FFFF  }
0xac: {  	[dreg:$0x1] =	wrdreg $0xFFFFFFFF  }
0xad: {  	[dreg:$0x0] =	wrdreg $0x60  }
0xae: {  	[dreg:$0x2] =	wrdreg s24  }
0xaf: {  	[dreg:$0x3] =	wrdreg $0x0  }
0xb0: {  	[dreg:$0x4] =	wrdreg $0x9  }
0xb1: {  	_ =	task.clear_ibuf [dreg:s6], $0x5FFFF;
	_ =	strace $0x9000004C  }
0xb2: {  	s29 =	simm.s32 $0x9;
	_ =	strace $0x8000004E  }
0xb3: {  	_ =	swait.ge [sflag:s29], $0x1  }
0xb4: {  	[sflag:s29] =	ssyncadd.s32 $0xFFFFFFFF  }
0xb5: {  	_ =	strace $0x9000004E  }
0xb6: {  	_ =	sfence  }
0xb7: {  	s30 =	sld [smem:$0x0];
	_ =	sdelay $0x2  }
0xb8: {  	s31 =	sshll.u32 s1, $0xD;
	s1 =	sshrl.u32 s1, $0x2  }
0xb9: {  	s3 =	sand.u32 $0x4000, s31;
	s1 =	sadd.s32 s1, s30  }
0xba: {  	s0 =	sor.u32 s3, s0;
	s1 =	sshll.u32 s1, $0x11  }
0xbb: {  	s0 =	sor.u32 s1, s0  }
0xbc: {  	s0 =	sadd.s32 $0x8F2B, s0  }
0xbd: {  	[sflag:s0] =	ssyncadd.remote.s32 $0x1  }
0xbe: {  	_ =	sfence.sel $0xFFFF  }
0xbf: {  	[dreg:$0x0] =	wrdreg $0xFFFFFFFF;
	(pc) =	sbr.abs _section_cstart, $3  }
0xc0: {  	[dreg:$0x1] =	wrdreg $0xFFFFFFFF  }
0xc1: {  	_ =	task.clear_ibuf [dreg:s6], $0x2FFFF;
	_ =	strace $0x9FFFFFFF  }
0xc2: {  	(tm) =	ssettm $0x7FFFFFFF  }
0xc3: {  	_ =	shalt  }
tec
execute0_lowered:
.L_overlay_start_1:
0x0: {  	(tag) =	ssettag $0x1  }
0x1: {  	s0 =	rddreg [dreg:$0x0]  }
0x2: {  	s2 =	rddreg [dreg:$0x1];
	s3 =	simm.s32 $0x0;
	s10 =	stileid.u32  }
0x3: {  	s6 =	srdreg.scid;
	s28 =	simm.s32 $0x14080;
	s29 =	simm.s32 $0x14000  }
0x4: {  	s30 =	simm.s32 $0x80;
	s31 =	simm.s32 $0x1;
	s1 =	smul.u32 $0xA00, s10  }
0x5: {  	[smem:$0x7FF] =	sst s3;
	s4 =	sadd.s32 $0x11E00, s0;
	s7 =	smul.u32 $0x50000, s10  }
0x6: {  	s5 =	sadd.s32 $0x6BE00, s0;
	s6 =	sand.u32 $0x1, s6;
	s18 =	smul.u32 $0x280, s10  }
0x7: {  	s8 =	sadd.s32 $0x93E00, s0;
	s14 =	smul.u32 $0x2800, s10;
	_ =	strace $0x8000004D  }
0x8: {  	[dreg:$0x3] =	wrdreg s8;
	s15 =	ssub.s32 $0x2, s6;
	p0 =	sne.s32 s6, $0x0  }
0x9: {  	p1 =	seq.s32 s6, $0x0;
	s1 =	sadd.s32 s1, s0;
	s7 =	sshrl.u32 s7, $0x2  }
0xa: {  	s9 =	sshrl.u32 s15, $0x1;
	s0 =	sadd.s32 $0xBBE00, s0;
	s21 =	sadd.s32 $0x80, s18  }
0xb: {  	s23 =	sadd.s32 $0x100, s18;
	s7 =	sadd.s32 s7, s2;
	[dreg:$0x4] =	wrdreg s0  }
0xc: {  	s16 =	ssub.s32 s15, s9;
	s22 =	sshll.u32 s21, $0x7;
	s24 =	sshll.u32 s23, $0x7  }
0xd: {  	s0 =	simm.s32 $0x3;
	s17 =	sadd.s32 $0x4000, s7;
	s19 =	sadd.s32 $0x8000, s7  }
0xe: {  	s20 =	sadd.s32 $0xC000, s7;
	s12 =	sadd.s32 $0x10000, s7;
	[dreg:$0x5] =	wrdreg s17  }
0xf: {  	s13 =	smax.u32 s16, $0x1;
	s15 =	sadd.s32 s22, s2;
	[dreg:$0x6] =	wrdreg s19  }
0x10: {  	s16 =	sshll.u32 s21, $0x4;
	s22 =	sadd.s32 $0x200, s18;
	[dreg:$0x7] =	wrdreg s20  }
.Ltmp0:
0x11: {  	s20 =	sadd.s32 $0x180, s18;
	s17 =	sadd.s32 s24, s2;
	(pc) =	sbr.rel .LBB2_1-.Ltmp0, $4  }
0x12: {  	s18 =	sshll.u32 s23, $0x4;
	s26 =	sshll.u32 s22, $0x7;
	s22 =	sshll.u32 s22, $0x4  }
0x13: {  	s23 =	sadd.s32 $0x7E00, s1;
	s24 =	sadd.s32 $0x61E00, s1;
	s1 =	simm.s32 $0x0  }
0x14: {  	s25 =	sshll.u32 s20, $0x7;
	s20 =	sshll.u32 s20, $0x4;
	s21 =	sadd.s32 s26, s2  }
0x15: {  	v0 =	vimm.f32 $0.0e+00;
	s26 =	simm.s32 $0x2;
	s19 =	sadd.s32 s25, s2;
	s25 =	simm.s32 $0x14100  }
.LBB2_9:
0x16: {  	s8 =	sadd.s32 s6, s24;
	[sflag:s26] =	ssyncadd.s32 $0xFFFFC000  }
0x17: {  	[tilespmem:s28], [sflag:$0x2] =	stream.linear.gather [hbm4b:s8+s3], $0x80, $0x38;
	[tilespmem:$0x18100] =	vst v63  }
0x18: {  	_ =	swait.ge [sflag:s26], $0x80  }
0x19: {  	[sflag:s26] =	ssyncset.done $0x0  }
0x1a: {  	s11 =	sadd.s32 s6, s23;
	[sflag:s26] =	ssyncadd.s32 $0xFFFFFF80  }
0x1b: {  	[tilespmem:s29], [sflag:$0x2] =	stream.linear.gather [hbm4b:s11+s3], $0x80, $0x38;
	[tilespmem:$0x18100] =	vst v63  }
0x1c: {  	_ =	swait.ge [sflag:s26], $0x80  }
0x1d: {  	[sflag:s26] =	ssyncset.done $0x0  }
0x1e: {  	[sflag:s26] =	ssyncadd.s32 $0xFFFFFF80  }
0x1f: {  	[tilespmem:s25], [sflag:$0x1] =	stream.indirect.gather [hbm4b:s5+s30], $0x80, s28, s30, $0xb8;
	[tilespmem:$0x18100] =	vst v63  }
0x20: {  	_ =	swait.ge [sflag:s31], $0x4000  }
0x21: {  	[sflag:s31] =	ssyncset.done $0x0  }
0x22: {  	[sflag:s31] =	ssyncadd.s32 $0xFFFFC000  }
0x23: {  	[spmem:s2] =	stream.indirect.scatter.add.f32 [tilespmem:s25], [sflag:$0x2], $0x80, s29, s30, $0xb8;
	[tilespmem:$0x18100] =	vst v63  }
0x24: {  	_ =	swait.ge [sflag:s26], $0x4000  }
0x25: {  	[sflag:s26] =	ssyncset.done $0x0  }
0x26: {  	s6 =	rddreg [dreg:$0x4];
	[sflag:s26] =	ssyncadd.s32 $0xFFFFC000  }
.LBB2_10:
0x27: {  	[bflag:$0x0] =	sbarrier.arrive $0xFFFF  }
0x28: {  	[tilespmem:s25], [sflag:$0x3] =	stream.linear.gather [spmem:s7], $0x4000, $0x38;
	[tilespmem:$0x18100] =	vst v63  }
0x29: {  	_ =	swait.ge [sflag:s0], $0x4000  }
0x2a: {  	s8 =	simm.s32 $0x3;
	[sflag:s0] =	ssyncset.done $0x0  }
0x2b: {  	s9 =	sadd.s32 s6, s14;
	s8 =	simm.s32 @!p1 $0x2;
	[sflag:s0] =	ssyncadd.s32 $0xFFFFC000  }
0x2c: {  	[hbm4b:s9+s3] =	stream.linear.scatter [tilespmem:s25], [sflag:s8], $0x4000, $0x38;
	[tilespmem:$0x18100] =	vst v63  }
0x2d: {  	_ =	swait.ge [sflag:s8], $0x4000  }
0x2e: {  	[sflag:s8] =	ssyncset.done $0x0  }
0x2f: {  	[sflag:s8] =	ssyncadd.s32 $0xFFFFC000  }
0x30: {  	[tilespmem:s25], [sflag:$0x3] =	stream.linear.gather [spmem:s15], $0x4000, $0x38;
	[tilespmem:$0x18100] =	vst v63  }
0x31: {  	_ =	swait.ge [sflag:s0], $0x4000  }
0x32: {  	[sflag:s0] =	ssyncset.done $0x0  }
0x33: {  	s10 =	sadd.s32 s6, s16;
	[sflag:s0] =	ssyncadd.s32 $0xFFFFC000  }
0x34: {  	[hbm4b:s10+s3] =	stream.linear.scatter [tilespmem:s25], [sflag:s8], $0x4000, $0x38;
	[tilespmem:$0x18100] =	vst v63  }
0x35: {  	_ =	swait.ge [sflag:s8], $0x4000  }
0x36: {  	[sflag:s8] =	ssyncset.done $0x0  }
0x37: {  	[sflag:s8] =	ssyncadd.s32 $0xFFFFC000  }
0x38: {  	[tilespmem:s25], [sflag:$0x3] =	stream.linear.gather [spmem:s17], $0x4000, $0x38;
	[tilespmem:$0x18100] =	vst v63  }
0x39: {  	_ =	swait.ge [sflag:s0], $0x4000  }
0x3a: {  	[sflag:s0] =	ssyncset.done $0x0  }
0x3b: {  	s11 =	sadd.s32 s6, s18;
	[sflag:s0] =	ssyncadd.s32 $0xFFFFC000  }
0x3c: {  	[hbm4b:s11+s3] =	stream.linear.scatter [tilespmem:s25], [sflag:s8], $0x4000, $0x38;
	[tilespmem:$0x18100] =	vst v63  }
0x3d: {  	_ =	swait.ge [sflag:s8], $0x4000  }
0x3e: {  	[sflag:s8] =	ssyncset.done $0x0  }
0x3f: {  	[sflag:s8] =	ssyncadd.s32 $0xFFFFC000  }
0x40: {  	[tilespmem:s25], [sflag:$0x3] =	stream.linear.gather [spmem:s19], $0x4000, $0x38;
	[tilespmem:$0x18100] =	vst v63  }
0x41: {  	_ =	swait.ge [sflag:s0], $0x4000  }
0x42: {  	[sflag:s0] =	ssyncset.done $0x0  }
0x43: {  	s10 =	sadd.s32 s6, s20;
	[sflag:s0] =	ssyncadd.s32 $0xFFFFC000  }
0x44: {  	[hbm4b:s10+s3] =	stream.linear.scatter [tilespmem:s25], [sflag:s8], $0x4000, $0x38;
	[tilespmem:$0x18100] =	vst v63  }
0x45: {  	_ =	swait.ge [sflag:s8], $0x4000  }
0x46: {  	[sflag:s8] =	ssyncset.done $0x0  }
0x47: {  	[sflag:s8] =	ssyncadd.s32 $0xFFFFC000  }
0x48: {  	[tilespmem:s25], [sflag:$0x3] =	stream.linear.gather [spmem:s21], $0x4000, $0x38;
	[tilespmem:$0x18100] =	vst v63  }
0x49: {  	s1 =	sadd.s32 $0x1, s1;
	_ =	swait.ge [sflag:s0], $0x4000  }
0x4a: {  	p2 =	sne.s32 s1, s13;
	[sflag:s0] =	ssyncset.done $0x0  }
.Ltmp1:
0x4b: {  	s11 =	sadd.s32 s6, s22;
	[sflag:s0] =	ssyncadd.s32 $0xFFFFC000;
	(pc) =	sbr.rel @!p2 .LBB2_11-.Ltmp1, $4  }
0x4c: {  	[hbm4b:s11+s3] =	stream.linear.scatter [tilespmem:s25], [sflag:s8], $0x4000, $0x38;
	[tilespmem:$0x18100] =	vst v63  }
0x4d: {  	_ =	swait.ge [sflag:s8], $0x4000  }
0x4e: {  	[sflag:s8] =	ssyncset.done $0x0  }
0x4f: {  	[sflag:s8] =	ssyncadd.s32 $0xFFFFC000  }
.LBB2_1:
0x50: {  	s6 =	simm.s32 $0x0;
	s8 =	simm.s32 $0x200  }
.LBB2_2:
0x51: {  	p2 =	sne.s32 s8, $0xFE00;
	[tilespmem:s6+$0x14170] =	vst v0  }
0x52: {  	[tilespmem:s6+$0x14100] =	vst v0  }
0x53: {  	[tilespmem:s6+$0x14110] =	vst v0  }
.Ltmp2:
0x54: {  	[tilespmem:s6+$0x14120] =	vst v0;
	(pc) =	sbr.rel @p2 .LBB2_2-.Ltmp2, $4  }
0x55: {  	[tilespmem:s6+$0x14130] =	vst v0  }
0x56: {  	[tilespmem:s6+$0x14140] =	vst v0  }
0x57: {  	[tilespmem:s6+$0x14150] =	vst v0  }
0x58: {  	[tilespmem:s6+$0x14160] =	vst v0;
	s6 =	sshra.s32 s8, $0x2;
	s8 =	sadd.s32 $0x200, s8  }
0x59: {  	[tilespmem:s6+$0x14170] =	vst v0  }
0x5a: {  	[tilespmem:s6+$0x14100] =	vst v0  }
0x5b: {  	[tilespmem:s6+$0x14110] =	vst v0  }
0x5c: {  	[tilespmem:s6+$0x14120] =	vst v0  }
0x5d: {  	[tilespmem:s6+$0x14130] =	vst v0  }
0x5e: {  	[tilespmem:s6+$0x14140] =	vst v0  }
0x5f: {  	[tilespmem:s6+$0x14150] =	vst v0  }
0x60: {  	[tilespmem:s6+$0x14160] =	vst v0  }
0x61: {  	[spmem:s7] =	stream.linear.scatter [tilespmem:s25], [sflag:$0x2], $0x4000, $0x38;
	[tilespmem:$0x18100] =	vst v63  }
0x62: {  	_ =	swait.ge [sflag:s26], $0x4000  }
0x63: {  	[sflag:s26] =	ssyncset.done $0x0  }
0x64: {  	s9 =	rddreg [dreg:$0x5];
	[sflag:s26] =	ssyncadd.s32 $0xFFFFC000  }
0x65: {  	[spmem:s9] =	stream.linear.scatter [tilespmem:s25], [sflag:$0x2], $0x4000, $0x38;
	[tilespmem:$0x18100] =	vst v63  }
0x66: {  	_ =	swait.ge [sflag:s26], $0x4000  }
0x67: {  	[sflag:s26] =	ssyncset.done $0x0  }
0x68: {  	s10 =	rddreg [dreg:$0x6];
	[sflag:s26] =	ssyncadd.s32 $0xFFFFC000  }
0x69: {  	[spmem:s10] =	stream.linear.scatter [tilespmem:s25], [sflag:$0x2], $0x4000, $0x38;
	[tilespmem:$0x18100] =	vst v63  }
0x6a: {  	_ =	swait.ge [sflag:s26], $0x4000  }
0x6b: {  	[sflag:s26] =	ssyncset.done $0x0  }
0x6c: {  	s11 =	rddreg [dreg:$0x7];
	[sflag:s26] =	ssyncadd.s32 $0xFFFFC000  }
0x6d: {  	[spmem:s11] =	stream.linear.scatter [tilespmem:s25], [sflag:$0x2], $0x4000, $0x38;
	[tilespmem:$0x18100] =	vst v63  }
0x6e: {  	_ =	swait.ge [sflag:s26], $0x4000  }
0x6f: {  	[sflag:s26] =	ssyncset.done $0x0  }
0x70: {  	[sflag:s26] =	ssyncadd.s32 $0xFFFFC000  }
0x71: {  	[spmem:s12] =	stream.linear.scatter [tilespmem:s25], [sflag:$0x2], $0x4000, $0x38;
	[tilespmem:$0x18100] =	vst v63  }
.Ltmp3:
0x72: {  	_ =	swait.ge [sflag:s26], $0x4000;
	(pc) =	sbr.rel @p0 .LBB2_7-.Ltmp3, $4  }
0x73: {  	[sflag:s26] =	ssyncset.done $0x0  }
0x74: {  	[sflag:s26] =	ssyncadd.s32 $0xFFFFC000  }
0x75: {  	[bflag:$0x0] =	sbarrier.arrive $0xFFFF  }
0x76: {  	s6 =	sadd.s32 $0x0, s24  }
0x77: {  	[tilespmem:s28], [sflag:$0x2] =	stream.linear.gather [hbm4b:s6+s3], $0x80, $0x38;
	[tilespmem:$0x18100] =	vst v63  }
0x78: {  	_ =	swait.ge [sflag:s26], $0x80  }
0x79: {  	[sflag:s26] =	ssyncset.done $0x0  }
0x7a: {  	s11 =	sadd.s32 $0x0, s23;
	[sflag:s26] =	ssyncadd.s32 $0xFFFFFF80  }
0x7b: {  	[tilespmem:s29], [sflag:$0x2] =	stream.linear.gather [hbm4b:s11+s3], $0x80, $0x38;
	[tilespmem:$0x18100] =	vst v63  }
0x7c: {  	_ =	swait.ge [sflag:s26], $0x80  }
0x7d: {  	[sflag:s26] =	ssyncset.done $0x0  }
0x7e: {  	[sflag:s26] =	ssyncadd.s32 $0xFFFFFF80  }
0x7f: {  	[tilespmem:s25], [sflag:$0x1] =	stream.indirect.gather [hbm4b:s4+s30], $0x80, s28, s30, $0xb8;
	[tilespmem:$0x18100] =	vst v63  }
0x80: {  	_ =	swait.ge [sflag:s31], $0x4000  }
0x81: {  	[sflag:s31] =	ssyncset.done $0x0  }
0x82: {  	[sflag:s31] =	ssyncadd.s32 $0xFFFFC000  }
0x83: {  	[spmem:s2] =	stream.indirect.scatter.add.f32 [tilespmem:s25], [sflag:$0x2], $0x80, s29, s30, $0xb8;
	[tilespmem:$0x18100] =	vst v63  }
0x84: {  	_ =	swait.ge [sflag:s26], $0x4000  }
0x85: {  	s6 =	simm.s32 $0x10;
	s8 =	simm.s32 $0x20;
	[sflag:s26] =	ssyncset.done $0x0  }
.LBB2_5:
0x86: {  	s9 =	sadd.s32 s6, s24  }
0x87: {  	[sflag:s26] =	ssyncadd.s32 $0xFFFFC000;
	s10 =	smov.u32 s8;
	s11 =	sadd.s32 $0x10, s8  }
0x88: {  	[tilespmem:s28], [sflag:$0x2] =	stream.linear.gather [hbm4b:s9+s3], $0x80, $0x38;
	[tilespmem:$0x18100] =	vst v63  }
0x89: {  	p2 =	seq.s32 s8, $0x9F0;
	_ =	swait.ge [sflag:s26], $0x80  }
0x8a: {  	[sflag:s26] =	ssyncset.done $0x0  }
0x8b: {  	s8 =	sadd.s32 s6, s23;
	s6 =	smov.u32 s10;
	[sflag:s26] =	ssyncadd.s32 $0xFFFFFF80  }
0x8c: {  	[tilespmem:s29], [sflag:$0x2] =	stream.linear.gather [hbm4b:s8+s3], $0x80, $0x38;
	[tilespmem:$0x18100] =	vst v63  }
0x8d: {  	_ =	swait.ge [sflag:s26], $0x80  }
0x8e: {  	[sflag:s26] =	ssyncset.done $0x0  }
0x8f: {  	[sflag:s26] =	ssyncadd.s32 $0xFFFFFF80  }
0x90: {  	[tilespmem:s25], [sflag:$0x1] =	stream.indirect.gather [hbm4b:s4+s30], $0x80, s28, s30, $0xb8;
	[tilespmem:$0x18100] =	vst v63  }
0x91: {  	_ =	swait.ge [sflag:s31], $0x4000  }
.Ltmp4:
0x92: {  	[sflag:s31] =	ssyncset.done $0x0;
	(pc) =	sbr.rel @!p2 .LBB2_5-.Ltmp4, $4  }
0x93: {  	[sflag:s31] =	ssyncadd.s32 $0xFFFFC000  }
0x94: {  	[spmem:s2] =	stream.indirect.scatter.add.f32 [tilespmem:s25], [sflag:$0x2], $0x80, s29, s30, $0xb8;
	[tilespmem:$0x18100] =	vst v63  }
0x95: {  	_ =	swait.ge [sflag:s26], $0x4000  }
0x96: {  	s8 =	smov.u32 s11;
	[sflag:s26] =	ssyncset.done $0x0  }
0x97: {  	s8 =	sadd.s32 s6, s24;
	[sflag:s26] =	ssyncadd.s32 $0xFFFFC000  }
0x98: {  	[tilespmem:s28], [sflag:$0x2] =	stream.linear.gather [hbm4b:s8+s3], $0x80, $0x38;
	[tilespmem:$0x18100] =	vst v63  }
0x99: {  	_ =	swait.ge [sflag:s26], $0x80  }
0x9a: {  	[sflag:s26] =	ssyncset.done $0x0  }
0x9b: {  	s11 =	sadd.s32 s6, s23;
	[sflag:s26] =	ssyncadd.s32 $0xFFFFFF80  }
0x9c: {  	[tilespmem:s29], [sflag:$0x2] =	stream.linear.gather [hbm4b:s11+s3], $0x80, $0x38;
	[tilespmem:$0x18100] =	vst v63  }
0x9d: {  	_ =	swait.ge [sflag:s26], $0x80  }
0x9e: {  	[sflag:s26] =	ssyncset.done $0x0  }
0x9f: {  	[sflag:s26] =	ssyncadd.s32 $0xFFFFFF80  }
0xa0: {  	[tilespmem:s25], [sflag:$0x1] =	stream.indirect.gather [hbm4b:s4+s30], $0x80, s28, s30, $0xb8;
	[tilespmem:$0x18100] =	vst v63  }
0xa1: {  	_ =	swait.ge [sflag:s31], $0x4000  }
0xa2: {  	[sflag:s31] =	ssyncset.done $0x0  }
.Ltmp5:
0xa3: {  	[sflag:s31] =	ssyncadd.s32 $0xFFFFC000;
	(pc) =	sbr.rel .LBB2_10-.Ltmp5, $4  }
0xa4: {  	[spmem:s2] =	stream.indirect.scatter.add.f32 [tilespmem:s25], [sflag:$0x2], $0x80, s29, s30, $0xb8;
	[tilespmem:$0x18100] =	vst v63  }
0xa5: {  	_ =	swait.ge [sflag:s26], $0x4000  }
0xa6: {  	[sflag:s26] =	ssyncset.done $0x0  }
0xa7: {  	s6 =	rddreg [dreg:$0x3];
	[sflag:s26] =	ssyncadd.s32 $0xFFFFC000  }
.LBB2_7:
0xa8: {  	[tilespmem:s28], [sflag:$0x2] =	stream.linear.gather [hbm4b:s6+s3], $0x80, $0x38;
	[tilespmem:$0x18100] =	vst v63  }
0xa9: {  	_ =	swait.ge [sflag:s26], $0x80  }
0xaa: {  	[sflag:s26] =	ssyncset.done $0x0  }
0xab: {  	s11 =	sadd.s32 $0x0, s23;
	[sflag:s26] =	ssyncadd.s32 $0xFFFFFF80  }
0xac: {  	[tilespmem:s29], [sflag:$0x2] =	stream.linear.gather [hbm4b:s11+s3], $0x80, $0x38;
	[tilespmem:$0x18100] =	vst v63  }
0xad: {  	_ =	swait.ge [sflag:s26], $0x80  }
0xae: {  	[sflag:s26] =	ssyncset.done $0x0  }
0xaf: {  	[sflag:s26] =	ssyncadd.s32 $0xFFFFFF80  }
0xb0: {  	[tilespmem:s25], [sflag:$0x1] =	stream.indirect.gather [hbm4b:s5+s30], $0x80, s28, s30, $0xb8;
	[tilespmem:$0x18100] =	vst v63  }
0xb1: {  	_ =	swait.ge [sflag:s31], $0x4000  }
0xb2: {  	[sflag:s31] =	ssyncset.done $0x0  }
0xb3: {  	[sflag:s31] =	ssyncadd.s32 $0xFFFFC000  }
0xb4: {  	[spmem:s2] =	stream.indirect.scatter.add.f32 [tilespmem:s25], [sflag:$0x2], $0x80, s29, s30, $0xb8;
	[tilespmem:$0x18100] =	vst v63  }
0xb5: {  	_ =	swait.ge [sflag:s26], $0x4000  }
0xb6: {  	s6 =	simm.s32 $0x10;
	s8 =	simm.s32 $0x20;
	[sflag:s26] =	ssyncset.done $0x0  }
.LBB2_8:
0xb7: {  	s9 =	sadd.s32 s6, s24  }
0xb8: {  	[sflag:s26] =	ssyncadd.s32 $0xFFFFC000;
	s10 =	smov.u32 s8;
	s11 =	sadd.s32 $0x10, s8  }
0xb9: {  	[tilespmem:s28], [sflag:$0x2] =	stream.linear.gather [hbm4b:s9+s3], $0x80, $0x38;
	[tilespmem:$0x18100] =	vst v63  }
0xba: {  	p2 =	sne.s32 s8, $0x9F0;
	_ =	swait.ge [sflag:s26], $0x80  }
0xbb: {  	[sflag:s26] =	ssyncset.done $0x0  }
0xbc: {  	s8 =	sadd.s32 s6, s23;
	s6 =	smov.u32 s10;
	[sflag:s26] =	ssyncadd.s32 $0xFFFFFF80  }
0xbd: {  	[tilespmem:s29], [sflag:$0x2] =	stream.linear.gather [hbm4b:s8+s3], $0x80, $0x38;
	[tilespmem:$0x18100] =	vst v63  }
0xbe: {  	_ =	swait.ge [sflag:s26], $0x80  }
0xbf: {  	[sflag:s26] =	ssyncset.done $0x0  }
0xc0: {  	[sflag:s26] =	ssyncadd.s32 $0xFFFFFF80  }
0xc1: {  	[tilespmem:s25], [sflag:$0x1] =	stream.indirect.gather [hbm4b:s5+s30], $0x80, s28, s30, $0xb8;
	[tilespmem:$0x18100] =	vst v63  }
0xc2: {  	_ =	swait.ge [sflag:s31], $0x4000  }
.Ltmp6:
0xc3: {  	[sflag:s31] =	ssyncset.done $0x0;
	(pc) =	sbr.rel @p2 .LBB2_8-.Ltmp6, $4  }
0xc4: {  	[sflag:s31] =	ssyncadd.s32 $0xFFFFC000  }
0xc5: {  	[spmem:s2] =	stream.indirect.scatter.add.f32 [tilespmem:s25], [sflag:$0x2], $0x80, s29, s30, $0xb8;
	[tilespmem:$0x18100] =	vst v63  }
0xc6: {  	_ =	swait.ge [sflag:s26], $0x4000  }
0xc7: {  	s8 =	smov.u32 s11;
	[sflag:s26] =	ssyncset.done $0x0  }
.Ltmp7:
0xc8: {  	_ = 	snop;
	(pc) =	sbr.rel .LBB2_9-.Ltmp7, $1  }
0xc9: {  	_ =	sdelay $0x3  }
.LBB2_11:
0xca: {  	_ =	sfence.sel $0x180000  }
0xcb: {  	[bflag:$0x0] =	sbarrier.arrive $0xFFFF  }
0xcc: {  	_ =	strace $0x9000004D  }
0xcd: {  	s0 =	stileid.u32;
	[bflag:$0x2] =	sbarrier.arrive $0xFFFF  }
0xce: {  	p0 =	sne.s32 s0, $0x0;
	s0 =	rddreg [dreg:$0x2]  }
0xcf: {  	s0 =	sadd.s32 @!p0 $0x100000, s0  }
0xd0: {  	[sflag:s0] =	ssyncadd.tile.s32 @!p0 $0x1;
	_ =	shalt  }
.Lfunc_end2:
_tile_overlayer_lowered:
.L_overlay_start_2:
0xd1: {  	(tag) =	ssettag $0x2  }
0xd2: {  	s0 =	rddreg [dreg:$0x0];
	s2 =	stileid.u32  }
0xd3: {  	s1 =	rddreg [dreg:$0x1];
	p0 =	sne.s32 s2, $0x0  }
0xd4: {  	s3 =	rddreg [dreg:$0x2];
	[bflag:$0x3] =	sbarrier.arrive $0xFFFF;
	s2 =	simm.s32 @!p0 $0x1C02  }
0xd5: {  	[timem:s3], [sflag:s2] =	dma.local @!p0 [hbm:s0], s1  }
0xd6: {  	s0 =	simm.s32 @!p0 $0x2  }
0xd7: {  	_ =	swait.ge @!p0 [sflag:s0], s1  }
0xd8: {  	s1 =	ssub.s32 @!p0 $0x0, s1;
	[sflag:s0] =	ssyncset.done @!p0 $0x0  }
0xd9: {  	[sflag:s0] =	ssyncadd.s32 @!p0 s1  }
0xda: {  	[bflag:$0x3] =	sbarrier.arrive $0xFFFF  }
0xdb: {  	_ =	shalt  }

// kernel: kernel.19.cloned.1.call-start
scs
__scs_entry_jumppad:
0x0: {  	(pc) =	sbr.rel $0x88, $3  }
0x1: {  	(tag) =	ssettag $0x0;
	lr =	simm.s32 $0x1  }
0x2: {  	[smem:$0x3F8A] =	sst lr;
	_ =	strace $0xD0000000  }
0x3: {  	_ = 	snop  }
0x4: {  	_ = 	snop  }
0x5: {  	_ = 	snop  }
0x6: {  	_ = 	snop  }
0x7: {  	_ = 	snop  }
__scs_overlays_trampoline_lowered:
0x8: {  	[smem:$0x3F99] =	sst s0  }
0x9: {  	[smem:$0x3F9A] =	sst s1  }
0xa: {  	[smem:$0x3F9B] =	sst s2  }
0xb: {  	[smem:$0x3F9C] =	sst s3  }
0xc: {  	[smem:$0x3F9D] =	sst s4  }
0xd: {  	[smem:$0x3F9E] =	sst s5  }
0xe: {  	[smem:$0x3F9F] =	sst s6  }
0xf: {  	[smem:$0x3FA0] =	sst s7  }
0x10: {  	[smem:$0x3FA1] =	sst s8  }
0x11: {  	[smem:$0x3FA2] =	sst s9;
	s0 =	simm.s32 @!p0 $0x0  }
0x12: {  	s1 =	sld [smem:$0x3F88];
	s0 =	simm.s32 @p0 $0x1  }
0x13: {  	[smem:$0x3FA3] =	sst s0;
	s0 =	simm.s32 @!p1 $0x0  }
0x14: {  	s2 =	sld [smem:$0x3F87];
	s0 =	simm.s32 @p1 $0x1  }
0x15: {  	[smem:$0x3FA4] =	sst s0;
	s0 =	simm.s32 @!p2 $0x0  }
0x16: {  	s3 =	sld [smem:$0x3FDB];
	s0 =	simm.s32 @p2 $0x1  }
0x17: {  	s4 =	simm.s32 $0x1BF5;
	[smem:$0x3FA6] =	sst s0  }
0x18: {  	s0 =	sld [smem:$0x3F89];
	_ =	swait.ge [sflag:s4], $0x0  }
0x19: {  	s7 =	sld [smem:$0x3F8A]  }
0x1a: {  	s8 =	sadd.s32 $0xFFFFE003, lr  }
0x1b: {  	s9 =	sadd.s32 $0xFFFFFEF7, lr;
	s5 =	simm.s32 $0xFFFFFFFF;
	p2 =	slt.u32 s8, $0xFFFFF086  }
0x1c: {  	p1 =	slt.u32 s9, $0xF7A;
	s5 =	simm.s32 @!p2 $0x0  }
0x1d: {  	s5 =	simm.s32 @p1 $0x1;
	p0 =	seq.s32 s7, s2  }
0x1e: {  	s7 =	smul.u32 @!p0 $0xF7A, s2;
	p2 =	seq.s32 @!p0 s5, $0x0  }
0x1f: {  	s9 =	smul.u32 $0xF7A, s1;
	s8 =	simm.s32 @!p0 $0x1BF5;
	p2 =	por !p2, p0  }
0x20: {  	[sflag:s8] =	ssyncset.s32 @!p0 $0xFFFFF086;
	s6 =	sadd.s32 @!p0 s3, s7;
	s7 =	simm.s32 @!p0 $0x108  }
0x21: {  	s3 =	sadd.s32 s3, s9;
	s6 =	sadd.s32 @!p0 $0x88, s6;
	s7 =	simm.s32 @p2 $0x1082  }
0x22: {  	[simem:s7], [sflag:s8] =	dma.local @!p0 [hbm:s6], $0xF7A  }
0x23: {  	s9 =	sor.u32 $0xD0000000, s2;
	s6 =	simm.s32 $0x108;
	_ =	swait.ge @!p0 [sflag:s8], $0x0  }
0x24: {  	s3 =	sadd.s32 $0x88, s3;
	s6 =	simm.s32 @!p1 $0x1082;
	[sflag:s4] =	ssyncset.s32 $0xFFFFF086  }
0x25: {  	[simem:s6], [sflag:s4] =	dma.local [hbm:s3], $0xF7A  }
0x26: {  	[smem:$0x3F8A] =	sst s1;
	(tag) =	ssettag s2;
	_ =	strace s9  }
0x27: {  	s1 =	sld [smem:$0x3F9A]  }
0x28: {  	s2 =	sld [smem:$0x3F9B]  }
0x29: {  	s4 =	sld [smem:$0x3F9D]  }
0x2a: {  	p0 =	seq.s32 s5, $0x0;
	s5 =	sld [smem:$0x3F9E]  }
0x2b: {  	s6 =	sld [smem:$0x3F9F]  }
0x2c: {  	s7 =	sld [smem:$0x3FA0]  }
0x2d: {  	s3 =	simm.s32 $0x108;
	s8 =	sld [smem:$0x3FA1]  }
0x2e: {  	s3 =	simm.s32 @!p0 $0x1082;
	s9 =	sld [smem:$0x3FA2]  }
0x2f: {  	lr =	sadd.s32 s0, s3;
	s0 =	sld [smem:$0x3F99]  }
0x30: {  	s3 =	sld [smem:$0x3F9C]  }
0x31: {  	[smem:$0x3FA5] =	sst s10  }
0x32: {  	s10 =	sld [smem:$0x3FA3];
	_ =	sdelay $0x3  }
0x33: {  	p0 =	seq.s32 s10, $0x1;
	s10 =	sld [smem:$0x3FA5];
	_ =	sdelay $0x3  }
0x34: {  	[smem:$0x3FA5] =	sst s10  }
0x35: {  	s10 =	sld [smem:$0x3FA4];
	_ =	sdelay $0x3  }
0x36: {  	p1 =	seq.s32 s10, $0x1;
	s10 =	sld [smem:$0x3FA5];
	_ =	sdelay $0x3  }
0x37: {  	[smem:$0x3FA5] =	sst s10  }
0x38: {  	s10 =	sld [smem:$0x3FA6]  }
0x39: {  	_ = 	snop;
	(pc) =	sbr.ind lr, $3  }
0x3a: {  	_ = 	snop  }
0x3b: {  	_ = 	snop  }
0x3c: {  	p2 =	seq.s32 s10, $0x1;
	s10 =	sld [smem:$0x3FA5]  }
0x3d: {  	_ =	shalt  }
0x3e: {  	_ =	shalt  }
0x3f: {  	_ =	shalt  }
0x40: {  	_ =	shalt  }
0x41: {  	_ =	shalt  }
0x42: {  	_ =	shalt  }
0x43: {  	_ =	shalt  }
0x44: {  	_ =	shalt  }
0x45: {  	_ =	shalt  }
0x46: {  	_ =	shalt  }
0x47: {  	_ =	shalt  }
0x48: {  	_ =	shalt  }
0x49: {  	_ =	shalt  }
0x4a: {  	_ =	shalt  }
0x4b: {  	_ =	shalt  }
0x4c: {  	_ =	shalt  }
0x4d: {  	_ =	shalt  }
0x4e: {  	_ =	shalt  }
0x4f: {  	_ =	shalt  }
0x50: {  	_ =	shalt  }
0x51: {  	_ =	shalt  }
0x52: {  	_ =	shalt  }
0x53: {  	_ =	shalt  }
0x54: {  	_ =	shalt  }
0x55: {  	_ =	shalt  }
0x56: {  	_ =	shalt  }
0x57: {  	_ =	shalt  }
0x58: {  	_ =	shalt  }
0x59: {  	_ =	shalt  }
0x5a: {  	_ =	shalt  }
0x5b: {  	_ =	shalt  }
0x5c: {  	_ =	shalt  }
0x5d: {  	_ =	shalt  }
0x5e: {  	_ =	shalt  }
0x5f: {  	_ =	shalt  }
0x60: {  	_ =	shalt  }
0x61: {  	_ =	shalt  }
0x62: {  	_ =	shalt  }
0x63: {  	_ =	shalt  }
0x64: {  	_ =	shalt  }
0x65: {  	_ =	shalt  }
0x66: {  	_ =	shalt  }
0x67: {  	_ =	shalt  }
0x68: {  	_ =	shalt  }
0x69: {  	_ =	shalt  }
0x6a: {  	_ =	shalt  }
0x6b: {  	_ =	shalt  }
0x6c: {  	_ =	shalt  }
0x6d: {  	_ =	shalt  }
0x6e: {  	_ =	shalt  }
0x6f: {  	_ =	shalt  }
0x70: {  	_ =	shalt  }
0x71: {  	_ =	shalt  }
0x72: {  	_ =	shalt  }
0x73: {  	_ =	shalt  }
0x74: {  	_ =	shalt  }
0x75: {  	_ =	shalt  }
0x76: {  	_ =	shalt  }
0x77: {  	_ =	shalt  }
0x78: {  	_ =	shalt  }
0x79: {  	_ =	shalt  }
0x7a: {  	_ =	shalt  }
0x7b: {  	_ =	shalt  }
0x7c: {  	_ =	shalt  }
0x7d: {  	_ =	shalt  }
0x7e: {  	_ =	shalt  }
0x7f: {  	_ =	shalt  }
0x80: {  	_ =	shalt  }
0x81: {  	_ =	shalt  }
0x82: {  	_ =	shalt  }
0x83: {  	_ =	shalt  }
0x84: {  	_ =	shalt  }
0x85: {  	_ =	shalt  }
0x86: {  	_ =	shalt  }
0x87: {  	_ =	shalt  }
.Lfunc_end0:
.L_simem_size_0:
called_computation.3_lowered:
.L_overlay_start_0:
0x88: {  	s2 =	sld [smem:$0x3FD9]  }
0x89: {  	s3 =	sld [smem:$0x3FFE];
	_ =	sdelay $0x1  }
0x8a: {  	s1 =	srdreg.scid  }
0x8b: {  	s0 =	sand.u32 $0x1, s1  }
0x8c: {  	s16 =	sshll.u32 s0, $0xA;
	s2 =	sadd.s32 s3, s2  }
0x8d: {  	s2 =	sadd.s32 s2, s16  }
0x8e: {  	[smem:$0x3FB1] =	sst s2  }
0x8f: {  	_ = 	snop  }
0x90: {  	(tm) =	ssettm $0x1  }
0x91: {  	s17 =	sld [smem:$0x3FFB];
	_ =	sdelay $0x3  }
0x92: {  	_ =	strace s17  }
0x93: {  	s2 =	sld [smem:$0x3FFC];
	_ =	sdelay $0x3  }
0x94: {  	_ =	strace s2  }
0x95: {  	s2 =	sld [smem:$0x3FFD];
	_ =	sdelay $0x3  }
0x96: {  	_ =	strace s2  }
0x97: {  	_ =	strace $0x8FFFFFFF  }
0x98: {  	s18 =	sld [smem:$0x3FDB];
	_ =	sdelay $0x1  }
0x99: {  	s19 =	simm.s32 $_scs_section_size  }
0x9a: {  	s4 =	simm.s32 $_size__tile_overlayer_lowered;
	s5 =	simm.s32 $_tile_overlayer_lowered  }
0x9b: {  	s22 =	simm.s32 $0x1BFF;
	s21 =	sshll.u32 s5, $0x1;
	s2 =	sadd.s32 s19, s18  }
0x9c: {  	s6 =	simm.s32 $0x0;
	s20 =	sshll.u32 s4, $0x1;
	s4 =	sadd.s32 s21, s2  }
0x9d: {  	[timem:s6], [sflag:s22] =	dma.local [hbm:s4], s20  }
0x9e: {  	_ =	swait.ge [sflag:s22], s20  }
0x9f: {  	s3 =	ssub.s32 $0x0, s20;
	[sflag:s22] =	ssyncset.done $0x0  }
0xa0: {  	[sflag:s22] =	ssyncadd.s32 s3;
	_ =	sdelay $0x1  }
0xa1: {  	s23 =	simm.s32 $0x1B8B  }
0xa2: {  	_ =	swait.ge [sflag:s23], $0x1  }
0xa3: {  	[sflag:s23] =	ssyncset.done $0x0  }
0xa4: {  	s25 =	simm.s32 $0x1B8E;
	s24 =	sld [smem:$0x3FFE];
	[sflag:s23] =	ssyncadd.s32 $0xFFFFFFFF  }
0xa5: {  	s26 =	simm.s32 $execute0_lowered;
	[smem:$0x3FD2] =	sst s25  }
0xa6: {  	s4 =	sshll.u32 s26, $0x1;
	_ =	strace $0x8000004F;
	[dreg:$0x1] =	wrdreg $0xFFFFFFFF  }
0xa7: {  	s28 =	simm.s32 $_size_execute0_lowered;
	s2 =	sadd.s32 s2, s4;
	[dreg:$0x0] =	wrdreg $0x0  }
0xa8: {  	s4 =	sshll.u32 s28, $0x1;
	[dreg:$0x2] =	wrdreg s2  }
0xa9: {  	[dreg:$0x3] =	wrdreg s4  }
0xaa: {  	[dreg:$0x4] =	wrdreg $0xC0  }
0xab: {  	_ =	task [dreg:s6], $0x5FFFF  }
0xac: {  	[dreg:$0x1] =	wrdreg $0xFFFFFFFF  }
0xad: {  	[dreg:$0x0] =	wrdreg $0x60  }
0xae: {  	[dreg:$0x2] =	wrdreg s24  }
0xaf: {  	[dreg:$0x3] =	wrdreg $0x9  }
0xb0: {  	_ =	task.clear_ibuf [dreg:s6], $0x4FFFF;
	_ =	strace $0x9000004F  }
0xb1: {  	s29 =	simm.s32 $0x9;
	_ =	strace $0x80000051  }
0xb2: {  	_ =	swait.ge [sflag:s29], $0x1  }
0xb3: {  	[sflag:s29] =	ssyncadd.s32 $0xFFFFFFFF  }
0xb4: {  	_ =	strace $0x90000051  }
0xb5: {  	_ =	sfence  }
0xb6: {  	s30 =	sld [smem:$0x0];
	_ =	sdelay $0x2  }
0xb7: {  	s31 =	sshll.u32 s1, $0xD;
	s1 =	sshrl.u32 s1, $0x2  }
0xb8: {  	s3 =	sand.u32 $0x4000, s31;
	s1 =	sadd.s32 s1, s30  }
0xb9: {  	s0 =	sor.u32 s3, s0;
	s1 =	sshll.u32 s1, $0x11  }
0xba: {  	s0 =	sor.u32 s1, s0  }
0xbb: {  	s0 =	sadd.s32 $0x8F2B, s0  }
0xbc: {  	[sflag:s0] =	ssyncadd.remote.s32 $0x1  }
0xbd: {  	_ =	sfence.sel $0xFFFF  }
0xbe: {  	[dreg:$0x0] =	wrdreg $0xFFFFFFFF;
	(pc) =	sbr.abs _section_cstart, $3  }
0xbf: {  	[dreg:$0x1] =	wrdreg $0xFFFFFFFF  }
0xc0: {  	_ =	task.clear_ibuf [dreg:s6], $0x2FFFF;
	_ =	strace $0x9FFFFFFF  }
0xc1: {  	(tm) =	ssettm $0x7FFFFFFF  }
tec
execute0_lowered:
.L_overlay_start_1:
0x0: {  	(tag) =	ssettag $0x1  }
0x1: {  	s1 =	srdreg.scid;
	s0 =	stileid.u32  }
0x2: {  	s1 =	sand.u32 $0x1, s1;
	s2 =	smul.u32 $0x5000, s0  }
0x3: {  	s3 =	smul.u32 $0x2800, s1;
	_ =	sdelay $0x1  }
0x4: {  	s5 =	rddreg [dreg:$0x0];
	s3 =	sadd.s32 s3, s2;
	s2 =	simm.s32 $0x0  }
0x5: {  	s12 =	simm.s32 $0x10080;
	[smem:$0x7FF] =	sst s2  }
0x6: {  	s13 =	simm.s32 $0x10000;
	_ =	strace $0x80000050;
	[dreg:$0x4] =	wrdreg s12  }
0x7: {  	s14 =	simm.s32 $0x800;
	s15 =	simm.s32 $0x1000;
	[dreg:$0x5] =	wrdreg s13  }
0x8: {  	s7 =	simm.s32 $0x1800;
	s16 =	simm.s32 $0x2000;
	[dreg:$0x6] =	wrdreg s14  }
0x9: {  	s17 =	simm.s32 $0x2800;
	s19 =	simm.s32 $0x3000;
	[dreg:$0x7] =	wrdreg s15  }
0xa: {  	s20 =	simm.s32 $0x3800;
	s21 =	simm.s32 $0x4000;
	[dreg:$0x8] =	wrdreg s7  }
0xb: {  	s22 =	simm.s32 $0x4800;
	s24 =	simm.s32 $0x5000;
	[dreg:$0x9] =	wrdreg s16  }
0xc: {  	s25 =	simm.s32 $0x5800;
	s26 =	simm.s32 $0x6000;
	[dreg:$0xa] =	wrdreg s17  }
0xd: {  	s30 =	simm.s32 $0x6800;
	s31 =	simm.s32 $0x7000;
	[dreg:$0xb] =	wrdreg s19  }
0xe: {  	s9 =	simm.s32 $0x7800;
	s10 =	simm.s32 $0x1;
	[dreg:$0xc] =	wrdreg s20  }
0xf: {  	s11 =	simm.s32 $0x8000;
	s28 =	simm.s32 $0x2;
	[dreg:$0xd] =	wrdreg s21  }
0x10: {  	s29 =	simm.s32 $0x0;
	s6 =	smul.u32 $0xA0000, s0;
	[dreg:$0xe] =	wrdreg s22  }
0x11: {  	s18 =	ssub.s32 $0x2, s1;
	s1 =	smul.u32 $0x50000, s1;
	[dreg:$0xf] =	wrdreg s24  }
0x12: {  	s6 =	sadd.s32 s6, s5;
	s8 =	sshrl.u32 s18, $0x1;
	[dreg:$0x10] =	wrdreg s25  }
0x13: {  	s1 =	sadd.s32 s1, s6;
	s3 =	sshrl.u32 s3, $0x3;
	[dreg:$0x11] =	wrdreg s26  }
0x14: {  	s6 =	sadd.s32 $0x10BE00, s1;
	s3 =	sadd.s32 s3, s5;
	[dreg:$0x12] =	wrdreg s30  }
0x15: {  	s7 =	ssub.s32 s18, s8;
	s8 =	simm.s32 $0x3;
	[dreg:$0x13] =	wrdreg s31  }
0x16: {  	s12 =	simm.s32 $0x8800;
	s13 =	simm.s32 $0x9000;
	s14 =	simm.s32 $0x9800  }
0x17: {  	s15 =	simm.s32 $0xA000;
	s16 =	simm.s32 $0xA800;
	s17 =	simm.s32 $0xB000  }
0x18: {  	s18 =	simm.s32 $0xB800;
	s19 =	simm.s32 $0xC000;
	s20 =	simm.s32 $0xC800  }
0x19: {  	s21 =	simm.s32 $0xD000;
	s22 =	simm.s32 $0xD800;
	s24 =	simm.s32 $0xE800  }
0x1a: {  	s25 =	simm.s32 $0xF000;
	s26 =	simm.s32 $0xF800;
	s4 =	sadd.s32 $0x7E00, s3  }
0x1b: {  	v2 =	vlaneseq.u32;
	s3 =	sadd.s32 $0x61E00, s3;
	s23 =	smax.u32 s7, $0x1;
	[dreg:$0x2] =	wrdreg s4  }
0x1c: {  	vm0 =	vmmov $0xffff;
	v1 =	vshrl.u32 v2, $0x3;
	s7 =	sadd.s32 $0xB0BE00, s1;
	[dreg:$0x3] =	wrdreg s3;
	s3 =	sadd.s32 $0x6BE00, s5  }
0x1d: {  	v0 =	vand.u32 $0x7, v2;
	v2 =	vor.u32 $0x8, v2;
	v1 =	vmul.u32 $0x8, v1;
	s4 =	sadd.s32 $0xBBE00, s5;
	[dreg:$0x14] =	wrdreg s23;
	s23 =	simm.s32 $0xE000  }
.LBB2_1:
0x1e: {  	s30 =	smov.u32 s7;
	s31 =	smov.u32 s6;
	s1 =	simm.s32 $0x0  }
.LBB2_2:
0x1f: {  	s0 =	rddreg [dreg:$0x3]  }
0x20: {  	s5 =	rddreg [dreg:$0x4];
	s0 =	sadd.s32 s1, s0  }
0x21: {  	[tilespmem:s5], [sflag:$0x3] =	stream.linear.gather [hbm4b:s0+s2], $0x80, $0x38;
	[tilespmem:$0x10100] =	vst v63  }
0x22: {  	_ =	swait.ge [sflag:s8], $0x80  }
0x23: {  	s0 =	rddreg [dreg:$0x2];
	[sflag:s8] =	ssyncset.done $0x0  }
0x24: {  	s5 =	rddreg [dreg:$0x5];
	[sflag:s8] =	ssyncadd.s32 $0xFFFFFF80;
	s0 =	sadd.s32 s1, s0  }
0x25: {  	[tilespmem:s5], [sflag:$0x3] =	stream.linear.gather [hbm4b:s0+s2], $0x80, $0x38;
	[tilespmem:$0x10100] =	vst v63  }
0x26: {  	_ =	swait.ge [sflag:s8], $0x80  }
0x27: {  	[sflag:s8] =	ssyncset.done $0x0  }
0x28: {  	[sflag:s8] =	ssyncadd.s32 $0xFFFFFF80  }
0x29: {  	v3 =	vld [tilespmem:$0x10080];
	_ =	sdelay $0x4  }
0x2a: {  	v4 =	vshll.u32 v3, $0x1  }
0x2b: {  	v3 =	vand.u32 $0x7, v3;
	v4 =	vand.u32 $0xFFFFFFF0, v4  }
0x2c: {  	v3 =	vor.u32 v3, v4  }
0x2d: {  	v4 =	vperm.xlane v3, v0;
	_ =	sdelay $0x1  }
0x2e: {  	v3 =	vperm.xlane v3, v2;
	v4 =	vadd.s32 v1, v4;
	_ =	sdelay $0x1  }
0x2f: {  	v3 =	vadd.s32 v1, v3;
	_ =	sdelay $0x2  }
0x30: {  	[tilespmem:s2], [sflag:$0x1] =	stream.indirect_vreg.gather [hbm4b:s3+s2], $0x80, v4, vm0, $0xb8;
	[tilespmem:$0x10100] =	vst v63  }
0x31: {  	s5 =	rddreg [dreg:$0x6]  }
0x32: {  	[tilespmem:s5], [sflag:$0x1] =	stream.indirect_vreg.gather [hbm4b:s3+s2], $0x80, v3, vm0, $0xb8;
	[tilespmem:$0x10100] =	vst v63  }
0x33: {  	v3 =	vld [tilespmem:$0x10090];
	_ =	sdelay $0x4  }
0x34: {  	v49 =	vshll.u32 v3, $0x1  }
0x35: {  	v3 =	vand.u32 $0x7, v3;
	v4 =	vand.u32 $0xFFFFFFF0, v49  }
0x36: {  	v3 =	vor.u32 v3, v4  }
0x37: {  	v4 =	vperm.xlane v3, v0;
	_ =	sdelay $0x1  }
0x38: {  	v3 =	vperm.xlane v3, v2;
	v4 =	vadd.s32 v1, v4;
	_ =	sdelay $0x1  }
0x39: {  	v3 =	vadd.s32 v1, v3;
	_ =	sdelay $0x1  }
0x3a: {  	s0 =	rddreg [dreg:$0x7]  }
0x3b: {  	[tilespmem:s0], [sflag:$0x1] =	stream.indirect_vreg.gather [hbm4b:s3+s2], $0x80, v4, vm0, $0xb8;
	[tilespmem:$0x10100] =	vst v63  }
0x3c: {  	s5 =	rddreg [dreg:$0x8]  }
0x3d: {  	[tilespmem:s5], [sflag:$0x1] =	stream.indirect_vreg.gather [hbm4b:s3+s2], $0x80, v3, vm0, $0xb8;
	[tilespmem:$0x10100] =	vst v63  }
0x3e: {  	v3 =	vld [tilespmem:$0x100A0];
	_ =	sdelay $0x4  }
0x3f: {  	v50 =	vshll.u32 v3, $0x1  }
0x40: {  	v3 =	vand.u32 $0x7, v3;
	v4 =	vand.u32 $0xFFFFFFF0, v50  }
0x41: {  	v3 =	vor.u32 v3, v4  }
0x42: {  	v4 =	vperm.xlane v3, v0;
	_ =	sdelay $0x1  }
0x43: {  	v3 =	vperm.xlane v3, v2;
	v4 =	vadd.s32 v1, v4;
	_ =	sdelay $0x1  }
0x44: {  	v3 =	vadd.s32 v1, v3;
	_ =	sdelay $0x1  }
0x45: {  	s0 =	rddreg [dreg:$0x9]  }
0x46: {  	[tilespmem:s0], [sflag:$0x1] =	stream.indirect_vreg.gather [hbm4b:s3+s2], $0x80, v4, vm0, $0xb8;
	[tilespmem:$0x10100] =	vst v63  }
0x47: {  	s5 =	rddreg [dreg:$0xa]  }
0x48: {  	[tilespmem:s5], [sflag:$0x1] =	stream.indirect_vreg.gather [hbm4b:s3+s2], $0x80, v3, vm0, $0xb8;
	[tilespmem:$0x10100] =	vst v63  }
0x49: {  	v3 =	vld [tilespmem:$0x100B0];
	_ =	sdelay $0x4  }
0x4a: {  	v51 =	vshll.u32 v3, $0x1  }
0x4b: {  	v3 =	vand.u32 $0x7, v3;
	v4 =	vand.u32 $0xFFFFFFF0, v51  }
0x4c: {  	v3 =	vor.u32 v3, v4  }
0x4d: {  	v4 =	vperm.xlane v3, v0;
	_ =	sdelay $0x1  }
0x4e: {  	v3 =	vperm.xlane v3, v2;
	v4 =	vadd.s32 v1, v4;
	_ =	sdelay $0x1  }
0x4f: {  	v3 =	vadd.s32 v1, v3;
	_ =	sdelay $0x1  }
0x50: {  	s0 =	rddreg [dreg:$0xb]  }
0x51: {  	[tilespmem:s0], [sflag:$0x1] =	stream.indirect_vreg.gather [hbm4b:s3+s2], $0x80, v4, vm0, $0xb8;
	[tilespmem:$0x10100] =	vst v63  }
0x52: {  	s5 =	rddreg [dreg:$0xc]  }
0x53: {  	[tilespmem:s5], [sflag:$0x1] =	stream.indirect_vreg.gather [hbm4b:s3+s2], $0x80, v3, vm0, $0xb8;
	[tilespmem:$0x10100] =	vst v63  }
0x54: {  	v3 =	vld [tilespmem:$0x100C0];
	_ =	sdelay $0x4  }
0x55: {  	v52 =	vshll.u32 v3, $0x1  }
0x56: {  	v3 =	vand.u32 $0x7, v3;
	v4 =	vand.u32 $0xFFFFFFF0, v52  }
0x57: {  	v3 =	vor.u32 v3, v4  }
0x58: {  	v4 =	vperm.xlane v3, v0;
	_ =	sdelay $0x1  }
0x59: {  	v3 =	vperm.xlane v3, v2;
	v4 =	vadd.s32 v1, v4;
	_ =	sdelay $0x1  }
0x5a: {  	v3 =	vadd.s32 v1, v3;
	_ =	sdelay $0x1  }
0x5b: {  	s0 =	rddreg [dreg:$0xd]  }
0x5c: {  	[tilespmem:s0], [sflag:$0x1] =	stream.indirect_vreg.gather [hbm4b:s3+s2], $0x80, v4, vm0, $0xb8;
	[tilespmem:$0x10100] =	vst v63  }
0x5d: {  	s5 =	rddreg [dreg:$0xe]  }
0x5e: {  	[tilespmem:s5], [sflag:$0x1] =	stream.indirect_vreg.gather [hbm4b:s3+s2], $0x80, v3, vm0, $0xb8;
	[tilespmem:$0x10100] =	vst v63  }
0x5f: {  	v3 =	vld [tilespmem:$0x100D0];
	_ =	sdelay $0x4  }
0x60: {  	v53 =	vshll.u32 v3, $0x1  }
0x61: {  	v3 =	vand.u32 $0x7, v3;
	v4 =	vand.u32 $0xFFFFFFF0, v53  }
0x62: {  	v3 =	vor.u32 v3, v4  }
0x63: {  	v4 =	vperm.xlane v3, v0;
	_ =	sdelay $0x1  }
0x64: {  	v3 =	vperm.xlane v3, v2;
	v4 =	vadd.s32 v1, v4;
	_ =	sdelay $0x1  }
0x65: {  	v3 =	vadd.s32 v1, v3;
	_ =	sdelay $0x1  }
0x66: {  	s0 =	rddreg [dreg:$0xf]  }
0x67: {  	[tilespmem:s0], [sflag:$0x1] =	stream.indirect_vreg.gather [hbm4b:s3+s2], $0x80, v4, vm0, $0xb8;
	[tilespmem:$0x10100] =	vst v63  }
0x68: {  	s5 =	rddreg [dreg:$0x10]  }
0x69: {  	[tilespmem:s5], [sflag:$0x1] =	stream.indirect_vreg.gather [hbm4b:s3+s2], $0x80, v3, vm0, $0xb8;
	[tilespmem:$0x10100] =	vst v63  }
0x6a: {  	v3 =	vld [tilespmem:$0x100E0];
	_ =	sdelay $0x4  }
0x6b: {  	v54 =	vshll.u32 v3, $0x1  }
0x6c: {  	v3 =	vand.u32 $0x7, v3;
	v4 =	vand.u32 $0xFFFFFFF0, v54  }
0x6d: {  	v3 =	vor.u32 v3, v4  }
0x6e: {  	v4 =	vperm.xlane v3, v0;
	_ =	sdelay $0x1  }
0x6f: {  	v3 =	vperm.xlane v3, v2;
	v4 =	vadd.s32 v1, v4;
	_ =	sdelay $0x1  }
0x70: {  	v3 =	vadd.s32 v1, v3;
	_ =	sdelay $0x1  }
0x71: {  	s0 =	rddreg [dreg:$0x11]  }
0x72: {  	[tilespmem:s0], [sflag:$0x1] =	stream.indirect_vreg.gather [hbm4b:s3+s2], $0x80, v4, vm0, $0xb8;
	[tilespmem:$0x10100] =	vst v63  }
0x73: {  	s5 =	rddreg [dreg:$0x12]  }
0x74: {  	[tilespmem:s5], [sflag:$0x1] =	stream.indirect_vreg.gather [hbm4b:s3+s2], $0x80, v3, vm0, $0xb8;
	[tilespmem:$0x10100] =	vst v63  }
0x75: {  	v3 =	vld [tilespmem:$0x100F0];
	_ =	sdelay $0x4  }
0x76: {  	v55 =	vshll.u32 v3, $0x1  }
0x77: {  	v3 =	vand.u32 $0x7, v3;
	v4 =	vand.u32 $0xFFFFFFF0, v55  }
0x78: {  	v3 =	vor.u32 v3, v4  }
0x79: {  	v4 =	vperm.xlane v3, v0;
	_ =	sdelay $0x1  }
0x7a: {  	v3 =	vperm.xlane v3, v2;
	v4 =	vadd.s32 v1, v4;
	_ =	sdelay $0x1  }
0x7b: {  	v3 =	vadd.s32 v1, v3;
	_ =	sdelay $0x1  }
0x7c: {  	s5 =	rddreg [dreg:$0x13]  }
0x7d: {  	[tilespmem:s5], [sflag:$0x1] =	stream.indirect_vreg.gather [hbm4b:s3+s2], $0x80, v4, vm0, $0xb8;
	[tilespmem:$0x10100] =	vst v63  }
0x7e: {  	_ = 	snop  }
0x7f: {  	[tilespmem:s9], [sflag:$0x1] =	stream.indirect_vreg.gather [hbm4b:s3+s2], $0x80, v3, vm0, $0xb8;
	[tilespmem:$0x10100] =	vst v63  }
0x80: {  	_ =	swait.ge [sflag:s10], $0x8000  }
0x81: {  	[sflag:s10] =	ssyncset.done $0x0  }
0x82: {  	[sflag:s10] =	ssyncadd.s32 $0xFFFF8000  }
0x83: {  	[hbm4b:s31+s2] =	stream.linear.scatter [tilespmem:s2], [sflag:$0x3], $0x8000, $0x38;
	[tilespmem:$0x10100] =	vst v63  }
0x84: {  	_ =	swait.ge [sflag:s8], $0x8000  }
0x85: {  	[sflag:s8] =	ssyncset.done $0x0  }
0x86: {  	[sflag:s8] =	ssyncadd.s32 $0xFFFF8000  }
0x87: {  	v3 =	vld [tilespmem:$0x10000];
	_ =	sdelay $0x4  }
0x88: {  	v56 =	vshll.u32 v3, $0x1  }
0x89: {  	v3 =	vand.u32 $0x7, v3;
	v4 =	vand.u32 $0xFFFFFFF0, v56  }
0x8a: {  	v3 =	vor.u32 v3, v4  }
0x8b: {  	v4 =	vperm.xlane v3, v0;
	_ =	sdelay $0x1  }
0x8c: {  	v3 =	vperm.xlane v3, v2;
	v4 =	vadd.s32 v1, v4;
	_ =	sdelay $0x1  }
0x8d: {  	v3 =	vadd.s32 v1, v3;
	_ =	sdelay $0x2  }
0x8e: {  	[tilespmem:s11], [sflag:$0x2] =	stream.indirect_vreg.gather [hbm4b:s4+s2], $0x80, v4, vm0, $0xb8;
	[tilespmem:$0x10100] =	vst v63  }
0x8f: {  	_ = 	snop  }
0x90: {  	[tilespmem:s12], [sflag:$0x2] =	stream.indirect_vreg.gather [hbm4b:s4+s2], $0x80, v3, vm0, $0xb8;
	[tilespmem:$0x10100] =	vst v63  }
0x91: {  	v3 =	vld [tilespmem:$0x10010];
	_ =	sdelay $0x4  }
0x92: {  	v57 =	vshll.u32 v3, $0x1  }
0x93: {  	v3 =	vand.u32 $0x7, v3;
	v4 =	vand.u32 $0xFFFFFFF0, v57  }
0x94: {  	v3 =	vor.u32 v3, v4  }
0x95: {  	v4 =	vperm.xlane v3, v0;
	_ =	sdelay $0x1  }
0x96: {  	v3 =	vperm.xlane v3, v2;
	v4 =	vadd.s32 v1, v4;
	_ =	sdelay $0x1  }
0x97: {  	v3 =	vadd.s32 v1, v3;
	_ =	sdelay $0x2  }
0x98: {  	[tilespmem:s13], [sflag:$0x2] =	stream.indirect_vreg.gather [hbm4b:s4+s2], $0x80, v4, vm0, $0xb8;
	[tilespmem:$0x10100] =	vst v63  }
0x99: {  	_ = 	snop  }
0x9a: {  	[tilespmem:s14], [sflag:$0x2] =	stream.indirect_vreg.gather [hbm4b:s4+s2], $0x80, v3, vm0, $0xb8;
	[tilespmem:$0x10100] =	vst v63  }
0x9b: {  	v3 =	vld [tilespmem:$0x10020];
	_ =	sdelay $0x4  }
0x9c: {  	v58 =	vshll.u32 v3, $0x1  }
0x9d: {  	v3 =	vand.u32 $0x7, v3;
	v4 =	vand.u32 $0xFFFFFFF0, v58  }
0x9e: {  	v3 =	vor.u32 v3, v4  }
0x9f: {  	v4 =	vperm.xlane v3, v0;
	_ =	sdelay $0x1  }
0xa0: {  	v3 =	vperm.xlane v3, v2;
	v4 =	vadd.s32 v1, v4;
	_ =	sdelay $0x1  }
0xa1: {  	v3 =	vadd.s32 v1, v3;
	_ =	sdelay $0x2  }
0xa2: {  	[tilespmem:s15], [sflag:$0x2] =	stream.indirect_vreg.gather [hbm4b:s4+s2], $0x80, v4, vm0, $0xb8;
	[tilespmem:$0x10100] =	vst v63  }
0xa3: {  	_ = 	snop  }
0xa4: {  	[tilespmem:s16], [sflag:$0x2] =	stream.indirect_vreg.gather [hbm4b:s4+s2], $0x80, v3, vm0, $0xb8;
	[tilespmem:$0x10100] =	vst v63  }
0xa5: {  	v3 =	vld [tilespmem:$0x10030];
	_ =	sdelay $0x4  }
0xa6: {  	v59 =	vshll.u32 v3, $0x1  }
0xa7: {  	v3 =	vand.u32 $0x7, v3;
	v4 =	vand.u32 $0xFFFFFFF0, v59  }
0xa8: {  	v3 =	vor.u32 v3, v4  }
0xa9: {  	v4 =	vperm.xlane v3, v0;
	_ =	sdelay $0x1  }
0xaa: {  	v3 =	vperm.xlane v3, v2;
	v4 =	vadd.s32 v1, v4;
	_ =	sdelay $0x1  }
0xab: {  	v3 =	vadd.s32 v1, v3;
	_ =	sdelay $0x2  }
0xac: {  	[tilespmem:s17], [sflag:$0x2] =	stream.indirect_vreg.gather [hbm4b:s4+s2], $0x80, v4, vm0, $0xb8;
	[tilespmem:$0x10100] =	vst v63  }
0xad: {  	_ = 	snop  }
0xae: {  	[tilespmem:s18], [sflag:$0x2] =	stream.indirect_vreg.gather [hbm4b:s4+s2], $0x80, v3, vm0, $0xb8;
	[tilespmem:$0x10100] =	vst v63  }
0xaf: {  	v3 =	vld [tilespmem:$0x10040];
	_ =	sdelay $0x4  }
0xb0: {  	v60 =	vshll.u32 v3, $0x1  }
0xb1: {  	v3 =	vand.u32 $0x7, v3;
	v4 =	vand.u32 $0xFFFFFFF0, v60  }
0xb2: {  	v3 =	vor.u32 v3, v4  }
0xb3: {  	v4 =	vperm.xlane v3, v0;
	_ =	sdelay $0x1  }
0xb4: {  	v3 =	vperm.xlane v3, v2;
	v4 =	vadd.s32 v1, v4;
	_ =	sdelay $0x1  }
0xb5: {  	v3 =	vadd.s32 v1, v3;
	_ =	sdelay $0x2  }
0xb6: {  	[tilespmem:s19], [sflag:$0x2] =	stream.indirect_vreg.gather [hbm4b:s4+s2], $0x80, v4, vm0, $0xb8;
	[tilespmem:$0x10100] =	vst v63  }
0xb7: {  	_ = 	snop  }
0xb8: {  	[tilespmem:s20], [sflag:$0x2] =	stream.indirect_vreg.gather [hbm4b:s4+s2], $0x80, v3, vm0, $0xb8;
	[tilespmem:$0x10100] =	vst v63  }
0xb9: {  	v3 =	vld [tilespmem:$0x10050];
	_ =	sdelay $0x4  }
0xba: {  	v61 =	vshll.u32 v3, $0x1  }
0xbb: {  	v3 =	vand.u32 $0x7, v3;
	v4 =	vand.u32 $0xFFFFFFF0, v61  }
0xbc: {  	v3 =	vor.u32 v3, v4  }
0xbd: {  	v4 =	vperm.xlane v3, v0;
	_ =	sdelay $0x1  }
0xbe: {  	v3 =	vperm.xlane v3, v2;
	v4 =	vadd.s32 v1, v4;
	_ =	sdelay $0x1  }
0xbf: {  	v3 =	vadd.s32 v1, v3;
	_ =	sdelay $0x2  }
0xc0: {  	[tilespmem:s21], [sflag:$0x2] =	stream.indirect_vreg.gather [hbm4b:s4+s2], $0x80, v4, vm0, $0xb8;
	[tilespmem:$0x10100] =	vst v63  }
0xc1: {  	_ = 	snop  }
0xc2: {  	[tilespmem:s22], [sflag:$0x2] =	stream.indirect_vreg.gather [hbm4b:s4+s2], $0x80, v3, vm0, $0xb8;
	[tilespmem:$0x10100] =	vst v63  }
0xc3: {  	v3 =	vld [tilespmem:$0x10060];
	_ =	sdelay $0x4  }
0xc4: {  	v62 =	vshll.u32 v3, $0x1  }
0xc5: {  	v3 =	vand.u32 $0x7, v3;
	v4 =	vand.u32 $0xFFFFFFF0, v62  }
0xc6: {  	v3 =	vor.u32 v3, v4  }
0xc7: {  	v4 =	vperm.xlane v3, v0;
	_ =	sdelay $0x1  }
0xc8: {  	v3 =	vperm.xlane v3, v2;
	v4 =	vadd.s32 v1, v4;
	_ =	sdelay $0x1  }
0xc9: {  	v3 =	vadd.s32 v1, v3;
	_ =	sdelay $0x2  }
0xca: {  	[tilespmem:s23], [sflag:$0x2] =	stream.indirect_vreg.gather [hbm4b:s4+s2], $0x80, v4, vm0, $0xb8;
	[tilespmem:$0x10100] =	vst v63  }
0xcb: {  	_ = 	snop  }
0xcc: {  	[tilespmem:s24], [sflag:$0x2] =	stream.indirect_vreg.gather [hbm4b:s4+s2], $0x80, v3, vm0, $0xb8;
	[tilespmem:$0x10100] =	vst v63  }
0xcd: {  	v3 =	vld [tilespmem:$0x10070];
	_ =	sdelay $0x4  }
0xce: {  	v63 =	vshll.u32 v3, $0x1  }
0xcf: {  	v3 =	vand.u32 $0x7, v3;
	v4 =	vand.u32 $0xFFFFFFF0, v63  }
0xd0: {  	v3 =	vor.u32 v3, v4  }
0xd1: {  	v4 =	vperm.xlane v3, v0;
	_ =	sdelay $0x1  }
0xd2: {  	v3 =	vperm.xlane v3, v2;
	v4 =	vadd.s32 v1, v4;
	_ =	sdelay $0x1  }
0xd3: {  	v3 =	vadd.s32 v1, v3;
	_ =	sdelay $0x2  }
0xd4: {  	[tilespmem:s25], [sflag:$0x2] =	stream.indirect_vreg.gather [hbm4b:s4+s2], $0x80, v4, vm0, $0xb8;
	[tilespmem:$0x10100] =	vst v63  }
0xd5: {  	_ = 	snop  }
0xd6: {  	[tilespmem:s26], [sflag:$0x2] =	stream.indirect_vreg.gather [hbm4b:s4+s2], $0x80, v3, vm0, $0xb8;
	[tilespmem:$0x10100] =	vst v63  }
0xd7: {  	_ =	swait.ge [sflag:s28], $0x8000  }
0xd8: {  	p0 =	sne.s32 s1, $0x4F0;
	[sflag:s28] =	ssyncset.done $0x0  }
.Ltmp0:
0xd9: {  	[sflag:s28] =	ssyncadd.s32 $0xFFFF8000;
	(pc) =	sbr.rel @p0 .LBB2_2-.Ltmp0, $4  }
0xda: {  	[hbm4b:s30+s2] =	stream.linear.scatter [tilespmem:s11], [sflag:$0x3], $0x8000, $0x38;
	[tilespmem:$0x10100] =	vst v63  }
0xdb: {  	_ =	swait.ge [sflag:s8], $0x8000  }
0xdc: {  	s1 =	sadd.s32 $0x10, s1;
	[sflag:s8] =	ssyncset.done $0x0  }
0xdd: {  	s31 =	sadd.s32 $0x1000, s31;
	s30 =	sadd.s32 $0x1000, s30;
	[sflag:s8] =	ssyncadd.s32 $0xFFFF8000  }
0xde: {  	s29 =	sadd.s32 $0x1, s29;
	s0 =	rddreg [dreg:$0x14]  }
0xdf: {  	p0 =	sne.s32 s29, s0  }
.Ltmp1:
0xe0: {  	_ = 	snop;
	(pc) =	sbr.rel @p0 .LBB2_1-.Ltmp1, $1  }
0xe1: {  	_ =	sdelay $0x3  }
0xe2: {  	_ =	sfence.sel $0x180000  }
0xe3: {  	[bflag:$0x0] =	sbarrier.arrive $0xFFFF  }
0xe4: {  	_ =	strace $0x90000050  }
0xe5: {  	s0 =	stileid.u32;
	[bflag:$0x2] =	sbarrier.arrive $0xFFFF  }
0xe6: {  	p0 =	sne.s32 s0, $0x0;
	s0 =	rddreg [dreg:$0x1]  }
0xe7: {  	s0 =	sadd.s32 @!p0 $0x100000, s0  }
0xe8: {  	[sflag:s0] =	ssyncadd.tile.s32 @!p0 $0x1;
	_ =	shalt  }
.Lfunc_end2:
_tile_overlayer_lowered:
.L_overlay_start_2:
0xe9: {  	(tag) =	ssettag $0x2  }
0xea: {  	s0 =	rddreg [dreg:$0x0];
	s2 =	stileid.u32  }
0xeb: {  	s1 =	rddreg [dreg:$0x1];
	p0 =	sne.s32 s2, $0x0  }
0xec: {  	s3 =	rddreg [dreg:$0x2];
	[bflag:$0x3] =	sbarrier.arrive $0xFFFF;
	s2 =	simm.s32 @!p0 $0x1C03  }
0xed: {  	[timem:s3], [sflag:s2] =	dma.local @!p0 [hbm:s0], s1  }
0xee: {  	s0 =	simm.s32 @!p0 $0x3  }
0xef: {  	_ =	swait.ge @!p0 [sflag:s0], s1  }
0xf0: {  	s1 =	ssub.s32 @!p0 $0x0, s1;
	[sflag:s0] =	ssyncset.done @!p0 $0x0  }
0xf1: {  	[sflag:s0] =	ssyncadd.s32 @!p0 s1  }
0xf2: {  	[bflag:$0x3] =	sbarrier.arrive $0xFFFF  }
0xf3: {  	_ =	shalt  }

</sc_bundles>
